<compile_context>
chip_gen: v7x
topology: tpu7x:2x2x1
jax: 0.10.2.dev20260603
libtpu: 0.0.44.dev20260713+nightly
codegen_flags: <defaults>
</compile_context>

<pallas_src>
import jax
import jax.numpy as jnp
from jax import lax
from jax.experimental import pallas as pl
from jax.experimental.pallas import tpu as pltpu
from jax.experimental.pallas import tpu_sc as plsc

_PROPOSAL_COUNT = 1000
_SCORE_THRES = 0.5
_PRE_NMS = 6000
_NMS_THR = 0.7
_NEG = -1e9
_B = 8
_N = 20000
_CN = 6144
_CHUNK = 2000


def _prep_kernel(score_ref, d0_ref, d1_ref, d2_ref, d3_ref,
                 a0_ref, a1_ref, a2_ref, a3_ref,
                 sc_ref, y1_ref, x1_ref, y2_ref, x2_ref, ar_ref, cnt_ref):
    score = score_ref[...]
    B, N = score.shape
    bits = lax.bitcast_convert_type(score, jnp.int32)
    iot = lax.broadcasted_iota(jnp.int32, (B, N), 1)

    lo0 = jnp.zeros((B, 1), jnp.int32)
    hi0 = jnp.full((B, 1), 0x7F800000, jnp.int32)

    def bs_val(_, lh):
        lo, hi = lh
        mid = lo + ((hi - lo) >> 1)
        cnt = jnp.sum((bits >= mid).astype(jnp.int32), axis=1, keepdims=True)
        ge = cnt >= _PRE_NMS
        return jnp.where(ge, mid, lo), jnp.where(ge, hi, mid)

    vstar, _ = lax.fori_loop(0, 31, bs_val, (lo0, hi0))

    gt = bits > vstar
    tie = bits == vstar
    c_gt = jnp.sum(gt.astype(jnp.int32), axis=1, keepdims=True)
    need = _PRE_NMS - c_gt

    lo1 = jnp.full((B, 1), -1, jnp.int32)
    hi1 = jnp.full((B, 1), N - 1, jnp.int32)

    def bs_idx(_, lh):
        lo, hi = lh
        mid = lo + ((hi - lo) >> 1)
        cnt = jnp.sum((tie & (iot <= mid)).astype(jnp.int32), axis=1,
                      keepdims=True)
        ge = cnt >= need
        return jnp.where(ge, lo, mid), jnp.where(ge, mid, hi)

    _, istar = lax.fori_loop(0, 15, bs_idx, (lo1, hi1))

    elig = gt | (tie & (iot <= istar))

    a0 = a0_ref[...]
    a1 = a1_ref[...]
    a2 = a2_ref[...]
    a3 = a3_ref[...]
    dy = d0_ref[...] * 0.1
    dx = d1_ref[...] * 0.1
    dh = d2_ref[...] * 0.2
    dw = d3_ref[...] * 0.2
    h = a2 - a0
    w = a3 - a1
    cy = a0 + 0.5 * h
    cx = a1 + 0.5 * w
    cy = cy + dy * h
    cx = cx + dx * w
    h = h * jnp.exp(dh)
    w = w * jnp.exp(dw)
    y1 = cy - 0.5 * h
    x1 = cx - 0.5 * w
    y2 = y1 + h
    x2 = x1 + w
    y1 = jnp.clip(y1, 0.0, 1.0)
    x1 = jnp.clip(x1, 0.0, 1.0)
    y2 = jnp.clip(y2, 0.0, 1.0)
    x2 = jnp.clip(x2, 0.0, 1.0)

    y1_ref[...] = y1
    x1_ref[...] = x1
    y2_ref[...] = y2
    x2_ref[...] = x2
    ar_ref[...] = (y2 - y1) * (x2 - x1)
    keep = elig & (score >= _SCORE_THRES)
    sc_ref[...] = jnp.where(keep, score, _NEG)
    nkeep = jnp.sum(keep.astype(jnp.int32), axis=1, keepdims=True)
    cnt_ref[...] = jnp.broadcast_to(nkeep, (B, 128))


def _sc_compact(isc, iy1, ix1, iy2, ix2, iar,
                osc, oy1, ox1, oy2, ox2, oar,
                bsc0, by10, bx10, by20, bx20, bar0,
                bsc1, by11, bx11, by21, bx21, bar1,
                csc, cy1, cx1, cy2, cx2, car,
                ptrv, sem0, sem1):
    c = lax.axis_index("c")
    s = lax.axis_index("s")
    wid = s * 2 + c

    ins = (isc, iy1, ix1, iy2, ix2, iar)
    bufs = ((bsc0, by10, bx10, by20, bx20, bar0),
            (bsc1, by11, bx11, by21, bx21, bar1))
    sems = (sem0, sem1)
    comps = (csc, cy1, cx1, cy2, cx2, car)
    outs = (osc, oy1, ox1, oy2, ox2, oar)
    nchunks = _N // _CHUNK

    @pl.when(wid < _B)
    def _():
        b = wid
        ptrv[...] = jnp.zeros((16,), jnp.int32)

        def issue(chunk):
            off = b * _N + chunk * _CHUNK
            dsts = bufs[chunk % 2]
            sem = sems[chunk % 2]
            return [pltpu.async_copy(src.at[pl.ds(off, _CHUNK)], dst, sem)
                    for src, dst in zip(ins, dsts)]

        pending = issue(0)
        for chunk in range(nchunks):
            for cp in pending:
                cp.wait()
            if chunk + 1 < nchunks:
                pending = issue(chunk + 1)
            bsc, by1, bx1, by2, bx2, bar = bufs[chunk % 2]

            @pl.loop(0, _CHUNK // 16)
            def _(i):
                o = i * 16
                s16 = bsc[pl.ds(o, 16)]
                m = s16 > (_NEG * 0.5)
                mi = jnp.where(m, 1, 0).astype(jnp.int32)
                inc = plsc.cumsum(mi)
                p = ptrv[...]
                idx = p + inc - 1
                plsc.store_scatter(csc, [idx], s16, mask=m)
                plsc.store_scatter(cy1, [idx], by1[pl.ds(o, 16)], mask=m)
                plsc.store_scatter(cx1, [idx], bx1[pl.ds(o, 16)], mask=m)
                plsc.store_scatter(cy2, [idx], by2[pl.ds(o, 16)], mask=m)
                plsc.store_scatter(cx2, [idx], bx2[pl.ds(o, 16)], mask=m)
                plsc.store_scatter(car, [idx], bar[pl.ds(o, 16)], mask=m)
                ptrv[...] = p + plsc.all_reduce_population_count(m)

        for csrc, dst in zip(comps, outs):
            pltpu.sync_copy(csrc, dst.at[pl.ds(b * _CN, _CN)])


def _compact_stage(flat6):
    f32 = jnp.float32
    run = pl.kernel(
        _sc_compact,
        out_type=[jax.ShapeDtypeStruct((_B * _CN,), f32)] * 6,
        mesh=plsc.VectorSubcoreMesh(core_axis_name="c", subcore_axis_name="s"),
        compiler_params=pltpu.CompilerParams(needs_layout_passes=False),
        scratch_types=(
            [pltpu.VMEM((_CHUNK,), f32)] * 12
            + [pltpu.VMEM((_CN,), f32)] * 6
            + [pltpu.VMEM((16,), jnp.int32),
               pltpu.SemaphoreType.DMA, pltpu.SemaphoreType.DMA]
        ),
    )
    return run(*flat6)


def _nms_kernel(sc_in, y1_ref, x1_ref, y2_ref, x2_ref, ar_ref, cnt_ref,
                oy1_ref, ox1_ref, oy2_ref, ox2_ref):
    B, N = _B, _CN
    iot = lax.broadcasted_iota(jnp.int32, (B, N), 1)
    cnt = cnt_ref[:, 0:1]
    sc0 = jnp.where(iot < cnt, sc_in[...], _NEG)

    lane = lax.broadcasted_iota(jnp.int32, (B, 128), 1)
    y1 = y1_ref[...]
    x1 = x1_ref[...]
    y2 = y2_ref[...]
    x2 = x2_ref[...]
    areas = ar_ref[...]

    def step(j, carry):
        sc, ay1, ax1, ay2, ax2 = carry
        best = jnp.max(sc, axis=1, keepdims=True)
        idx = jnp.min(jnp.where(sc == best, iot, N), axis=1, keepdims=True)
        onehot = iot == idx
        z = jnp.zeros_like(sc)
        by1 = jnp.sum(jnp.where(onehot, y1, z), axis=1, keepdims=True)
        bx1 = jnp.sum(jnp.where(onehot, x1, z), axis=1, keepdims=True)
        by2 = jnp.sum(jnp.where(onehot, y2, z), axis=1, keepdims=True)
        bx2 = jnp.sum(jnp.where(onehot, x2, z), axis=1, keepdims=True)
        barea = (by2 - by1) * (bx2 - bx1)
        yy1 = jnp.maximum(by1, y1)
        xx1 = jnp.maximum(bx1, x1)
        yy2 = jnp.minimum(by2, y2)
        xx2 = jnp.minimum(bx2, x2)
        inter = jnp.maximum(yy2 - yy1, 0.0) * jnp.maximum(xx2 - xx1, 0.0)
        union = barea + areas - inter
        iou = inter / (union + 1e-8)
        nsc = jnp.where((iou > _NMS_THR) | onehot, _NEG, sc)
        valid = best > (_NEG / 2.0)
        zc = jnp.zeros_like(by1)
        sel = lane == j
        ay1 = jnp.where(sel, jnp.where(valid, by1, zc), ay1)
        ax1 = jnp.where(sel, jnp.where(valid, bx1, zc), ax1)
        ay2 = jnp.where(sel, jnp.where(valid, by2, zc), ay2)
        ax2 = jnp.where(sel, jnp.where(valid, bx2, zc), ax2)
        return nsc, ay1, ax1, ay2, ax2

    def group(g, sc):
        z = jnp.zeros((B, 128), jnp.float32)
        sc, ay1, ax1, ay2, ax2 = lax.fori_loop(
            0, 128, step, (sc, z, z, z, z), unroll=8)
        off = g * 128
        oy1_ref[:, pl.ds(off, 128)] = ay1
        ox1_ref[:, pl.ds(off, 128)] = ax1
        oy2_ref[:, pl.ds(off, 128)] = ay2
        ox2_ref[:, pl.ds(off, 128)] = ax2
        return sc

    lax.fori_loop(0, 8, group, sc0)


@jax.jit
def kernel(rpn_probs, rpn_bbox, anchors):
    B, N, _ = rpn_probs.shape
    score = rpn_probs[:, :, 1]
    d = [rpn_bbox[:, :, i] for i in range(4)]
    a = [anchors[:, :, i] for i in range(4)]
    f32 = jnp.float32

    prep = pl.pallas_call(
        _prep_kernel,
        out_shape=[jax.ShapeDtypeStruct((B, N), f32)] * 6
        + [jax.ShapeDtypeStruct((B, 128), jnp.int32)],
    )(score, *d, *a)
    cnt = prep[6]
    flat6 = [r.reshape(-1) for r in prep[:6]]

    comp = _compact_stage(flat6)
    comp2d = [x.reshape(B, _CN) for x in comp]

    outs = pl.pallas_call(
        _nms_kernel,
        out_shape=[jax.ShapeDtypeStruct((B, 1024), f32)] * 4,
    )(*comp2d, cnt)
    return jnp.stack(outs, axis=-1)[:, :_PROPOSAL_COUNT, :]

# --- scband reference (transcript-rebuilt; emitter-appended) ---
"""Pipeline reference for scband-proposal-layer-44032004719021 (READ-ONLY COPY).

The authoritative reference and input builder live on the scoring server;
editing this copy changes nothing except your own understanding.
"""

import jax, jax.numpy as jnp
import numpy as np

PROPOSAL_COUNT = 1000
SCORE_THRES = 0.5
PRE_NMS_LIMIT = 6000
NMS_THRESHOLD = 0.7
RPN_BBOX_STD_DEV = np.array([0.1, 0.1, 0.2, 0.2], dtype=np.float32)
NEG = -1e9


def setup_inputs(seed: int = 0) -> dict:
    key = jax.random.key(seed)
    k1, k2, k3 = jax.random.split(key, 3)
    B, N = 8, 20000
    rpn_probs = jax.random.uniform(k1, (B, N, 2), dtype=jnp.float32)
    rpn_bbox = jax.random.normal(k2, (B, N, 4), dtype=jnp.float32)
    anchors = jax.random.uniform(k3, (B, N, 4), dtype=jnp.float32)
    return {"rpn_probs": rpn_probs, "rpn_bbox": rpn_bbox, "anchors": anchors}


def _apply_box_deltas(boxes, deltas):
    height = boxes[..., 2] - boxes[..., 0]
    width = boxes[..., 3] - boxes[..., 1]
    center_y = boxes[..., 0] + 0.5 * height
    center_x = boxes[..., 1] + 0.5 * width
    center_y = center_y + deltas[..., 0] * height
    center_x = center_x + deltas[..., 1] * width
    height = height * jnp.exp(deltas[..., 2])
    width = width * jnp.exp(deltas[..., 3])
    y1 = center_y - 0.5 * height
    x1 = center_x - 0.5 * width
    y2 = y1 + height
    x2 = x1 + width
    return jnp.stack([y1, x1, y2, x2], axis=-1)


def _clip_boxes(boxes):
    return jnp.clip(boxes, 0.0, 1.0)


def _iou(box, boxes):
    y1 = jnp.maximum(box[0], boxes[:, 0])
    x1 = jnp.maximum(box[1], boxes[:, 1])
    y2 = jnp.minimum(box[2], boxes[:, 2])
    x2 = jnp.minimum(box[3], boxes[:, 3])
    inter = jnp.maximum(y2 - y1, 0.0) * jnp.maximum(x2 - x1, 0.0)
    area1 = (box[2] - box[0]) * (box[3] - box[1])
    area2 = (boxes[:, 2] - boxes[:, 0]) * (boxes[:, 3] - boxes[:, 1])
    union = area1 + area2 - inter
    return inter / (union + 1e-8)


def _nms_single(boxes, scores):
    scores0 = jnp.where(scores >= SCORE_THRES, scores, NEG)

    def step(sc, _):
        idx = jnp.argmax(sc)
        best = sc[idx]
        box = boxes[idx]
        iou = _iou(box, boxes)
        sc = jnp.where(iou > NMS_THRESHOLD, NEG, sc)
        sc = sc.at[idx].set(NEG)
        return sc, (best, box)

    _, (bests, selboxes) = jax.lax.scan(step, scores0, None, length=PROPOSAL_COUNT)
    valid = bests > (NEG / 2.0)
    proposals = jnp.where(valid[:, None], selboxes, 0.0)
    return proposals


def reference(rpn_probs, rpn_bbox, anchors):
    positive_score = rpn_probs[..., 1]
    deltas = rpn_bbox * jnp.asarray(RPN_BBOX_STD_DEV).reshape(1, 1, 4)
    pre_nms_limit = min(PRE_NMS_LIMIT, positive_score.shape[1])
    top_scores, ix = jax.lax.top_k(positive_score, pre_nms_limit)
    deltas_t = jnp.take_along_axis(deltas, ix[..., None], axis=1)
    anchors_t = jnp.take_along_axis(anchors, ix[..., None], axis=1)
    boxes = _apply_box_deltas(anchors_t, deltas_t)
    boxes = _clip_boxes(boxes)
    proposals = jax.vmap(_nms_single)(boxes, top_scores)
    return proposals

if __name__ == "__main__":
    import jax
    _d = setup_inputs()
    print(jax.jit(kernel)(*tuple(_d.values())))

</pallas_src>

<mosaic_0001>
#map = affine_map<(d0, d1) -> (0)>
module attributes {stable_mosaic.version = 14 : i64} {
  func.func @_sc_compact(%arg0: i32, %arg1: i32, %arg2: memref<160000xf32, #tpu.memory_space<hbm>>, %arg3: memref<160000xf32, #tpu.memory_space<hbm>>, %arg4: memref<160000xf32, #tpu.memory_space<hbm>>, %arg5: memref<160000xf32, #tpu.memory_space<hbm>>, %arg6: memref<160000xf32, #tpu.memory_space<hbm>>, %arg7: memref<160000xf32, #tpu.memory_space<hbm>>, %arg8: memref<49152xf32, #tpu.memory_space<hbm>>, %arg9: memref<49152xf32, #tpu.memory_space<hbm>>, %arg10: memref<49152xf32, #tpu.memory_space<hbm>>, %arg11: memref<49152xf32, #tpu.memory_space<hbm>>, %arg12: memref<49152xf32, #tpu.memory_space<hbm>>, %arg13: memref<49152xf32, #tpu.memory_space<hbm>>, %arg14: memref<2000xf32, #tpu.memory_space<vmem>>, %arg15: memref<2000xf32, #tpu.memory_space<vmem>>, %arg16: memref<2000xf32, #tpu.memory_space<vmem>>, %arg17: memref<2000xf32, #tpu.memory_space<vmem>>, %arg18: memref<2000xf32, #tpu.memory_space<vmem>>, %arg19: memref<2000xf32, #tpu.memory_space<vmem>>, %arg20: memref<2000xf32, #tpu.memory_space<vmem>>, %arg21: memref<2000xf32, #tpu.memory_space<vmem>>, %arg22: memref<2000xf32, #tpu.memory_space<vmem>>, %arg23: memref<2000xf32, #tpu.memory_space<vmem>>, %arg24: memref<2000xf32, #tpu.memory_space<vmem>>, %arg25: memref<2000xf32, #tpu.memory_space<vmem>>, %arg26: memref<6144xf32, #tpu.memory_space<vmem>>, %arg27: memref<6144xf32, #tpu.memory_space<vmem>>, %arg28: memref<6144xf32, #tpu.memory_space<vmem>>, %arg29: memref<6144xf32, #tpu.memory_space<vmem>>, %arg30: memref<6144xf32, #tpu.memory_space<vmem>>, %arg31: memref<6144xf32, #tpu.memory_space<vmem>>, %arg32: memref<16xi32, #tpu.memory_space<vmem>>, %arg33: memref<!tpu.dma_semaphore, #tpu.memory_space<semaphore_mem>>, %arg34: memref<!tpu.dma_semaphore, #tpu.memory_space<semaphore_mem>>) attributes {dimension_semantics = [#tpu.dimension_semantics<core_parallel>, #tpu.dimension_semantics<subcore_parallel>], iteration_bounds = array<i64: 2, 16>, scalar_prefetch = 0 : i64, scratch_operands = 21 : i64, tpu.core_type = #tpu.core_type<sc_vector_subcore>, window_params = [{transform_indices = #map}, {transform_indices = #map}, {transform_indices = #map}, {transform_indices = #map}, {transform_indices = #map}, {transform_indices = #map}, {transform_indices = #map}, {transform_indices = #map}, {transform_indices = #map}, {transform_indices = #map}, {transform_indices = #map}, {transform_indices = #map}]} {
    %mul3A = arith.constant 2 : i32
    %mul3A_0 = arith.muli %arg1, %mul3A : i32
    %add3A = arith.addi %mul3A_0, %arg0 : i32
    %lt3A = arith.constant 8 : i32
    %lt3A_1 = arith.cmpi slt, %add3A, %lt3A : i32
    %convert_element_type3A = arith.extui %lt3A_1 : i1 to i32
    %cond3A = arith.constant 0 : i32
    %cond3A_2 = arith.cmpi ne, %convert_element_type3A, %cond3A : i32
    scf.if %cond3A_2 {
      %broadcast_in_dim3A = arith.constant 0 : i32
      %broadcast_in_dim3A_3 = vector.broadcast %broadcast_in_dim3A : i32 to vector<16xi32>
      %swap3A = arith.constant 0 : index
      %swap3A_4 = tpu.vector_load %arg32[%swap3A] {strides = array<i32>} : memref<16xi32, #tpu.memory_space<vmem>>, vector<16xi32>,
      tpu.vector_store %arg32[%swap3A], %broadcast_in_dim3A_3 {strides = array<i32>} : memref<16xi32, #tpu.memory_space<vmem>>, vector<16xi32>,
      %mul3A_5 = arith.constant 20000 : i32
      %mul3A_6 = arith.muli %add3A, %mul3A_5 : i32
      %add3A_7 = arith.constant 0 : i32
      %add3A_8 = arith.addi %mul3A_6, %add3A_7 : i32
      %dma_start3A = tpu.memref_slice %arg2[%add3A_8] : memref<160000xf32, #tpu.memory_space<hbm>> -> memref<2000xf32, #tpu.memory_space<hbm>>
      %dma_start3A_9 = tpu.memref_slice %arg2[%add3A_8] : memref<160000xf32, #tpu.memory_space<hbm>> -> memref<2000xf32, #tpu.memory_space<hbm>>
      tpu.enqueue_dma source(%dma_start3A_9 : memref<2000xf32, #tpu.memory_space<hbm>>) target(%arg14 : memref<2000xf32, #tpu.memory_space<vmem>>) target_semaphore(%arg33 : memref<!tpu.dma_semaphore, #tpu.memory_space<semaphore_mem>>)
      %dma_start3A_10 = tpu.memref_slice %arg3[%add3A_8] : memref<160000xf32, #tpu.memory_space<hbm>> -> memref<2000xf32, #tpu.memory_space<hbm>>
      %dma_start3A_11 = tpu.memref_slice %arg3[%add3A_8] : memref<160000xf32, #tpu.memory_space<hbm>> -> memref<2000xf32, #tpu.memory_space<hbm>>
      tpu.enqueue_dma source(%dma_start3A_11 : memref<2000xf32, #tpu.memory_space<hbm>>) target(%arg15 : memref<2000xf32, #tpu.memory_space<vmem>>) target_semaphore(%arg33 : memref<!tpu.dma_semaphore, #tpu.memory_space<semaphore_mem>>)
      %dma_start3A_12 = tpu.memref_slice %arg4[%add3A_8] : memref<160000xf32, #tpu.memory_space<hbm>> -> memref<2000xf32, #tpu.memory_space<hbm>>
      %dma_start3A_13 = tpu.memref_slice %arg4[%add3A_8] : memref<160000xf32, #tpu.memory_space<hbm>> -> memref<2000xf32, #tpu.memory_space<hbm>>
      tpu.enqueue_dma source(%dma_start3A_13 : memref<2000xf32, #tpu.memory_space<hbm>>) target(%arg16 : memref<2000xf32, #tpu.memory_space<vmem>>) target_semaphore(%arg33 : memref<!tpu.dma_semaphore, #tpu.memory_space<semaphore_mem>>)
      %dma_start3A_14 = tpu.memref_slice %arg5[%add3A_8] : memref<160000xf32, #tpu.memory_space<hbm>> -> memref<2000xf32, #tpu.memory_space<hbm>>
      %dma_start3A_15 = tpu.memref_slice %arg5[%add3A_8] : memref<160000xf32, #tpu.memory_space<hbm>> -> memref<2000xf32, #tpu.memory_space<hbm>>
      tpu.enqueue_dma source(%dma_start3A_15 : memref<2000xf32, #tpu.memory_space<hbm>>) target(%arg17 : memref<2000xf32, #tpu.memory_space<vmem>>) target_semaphore(%arg33 : memref<!tpu.dma_semaphore, #tpu.memory_space<semaphore_mem>>)
      %dma_start3A_16 = tpu.memref_slice %arg6[%add3A_8] : memref<160000xf32, #tpu.memory_space<hbm>> -> memref<2000xf32, #tpu.memory_space<hbm>>
      %dma_start3A_17 = tpu.memref_slice %arg6[%add3A_8] : memref<160000xf32, #tpu.memory_space<hbm>> -> memref<2000xf32, #tpu.memory_space<hbm>>
      tpu.enqueue_dma source(%dma_start3A_17 : memref<2000xf32, #tpu.memory_space<hbm>>) target(%arg18 : memref<2000xf32, #tpu.memory_space<vmem>>) target_semaphore(%arg33 : memref<!tpu.dma_semaphore, #tpu.memory_space<semaphore_mem>>)
      %dma_start3A_18 = tpu.memref_slice %arg7[%add3A_8] : memref<160000xf32, #tpu.memory_space<hbm>> -> memref<2000xf32, #tpu.memory_space<hbm>>
      %dma_start3A_19 = tpu.memref_slice %arg7[%add3A_8] : memref<160000xf32, #tpu.memory_space<hbm>> -> memref<2000xf32, #tpu.memory_space<hbm>>
      tpu.enqueue_dma source(%dma_start3A_19 : memref<2000xf32, #tpu.memory_space<hbm>>) target(%arg19 : memref<2000xf32, #tpu.memory_space<vmem>>) target_semaphore(%arg33 : memref<!tpu.dma_semaphore, #tpu.memory_space<semaphore_mem>>)
      %dma_wait3A = tpu.memref_slice %arg2[%add3A_8] : memref<160000xf32, #tpu.memory_space<hbm>> -> memref<2000xf32, #tpu.memory_space<hbm>>
      %dma_wait3A_20 = tpu.memref_slice %arg2[%add3A_8] : memref<160000xf32, #tpu.memory_space<hbm>> -> memref<2000xf32, #tpu.memory_space<hbm>>
      tpu.wait_dma2 semaphore(%arg33 : memref<!tpu.dma_semaphore, #tpu.memory_space<semaphore_mem>>) src(%dma_wait3A_20 : memref<2000xf32, #tpu.memory_space<hbm>>) dst(%arg14 : memref<2000xf32, #tpu.memory_space<vmem>>)
      %dma_wait3A_21 = tpu.memref_slice %arg3[%add3A_8] : memref<160000xf32, #tpu.memory_space<hbm>> -> memref<2000xf32, #tpu.memory_space<hbm>>
      %dma_wait3A_22 = tpu.memref_slice %arg3[%add3A_8] : memref<160000xf32, #tpu.memory_space<hbm>> -> memref<2000xf32, #tpu.memory_space<hbm>>
      tpu.wait_dma2 semaphore(%arg33 : memref<!tpu.dma_semaphore, #tpu.memory_space<semaphore_mem>>) src(%dma_wait3A_22 : memref<2000xf32, #tpu.memory_space<hbm>>) dst(%arg15 : memref<2000xf32, #tpu.memory_space<vmem>>)
      %dma_wait3A_23 = tpu.memref_slice %arg4[%add3A_8] : memref<160000xf32, #tpu.memory_space<hbm>> -> memref<2000xf32, #tpu.memory_space<hbm>>
      %dma_wait3A_24 = tpu.memref_slice %arg4[%add3A_8] : memref<160000xf32, #tpu.memory_space<hbm>> -> memref<2000xf32, #tpu.memory_space<hbm>>
      tpu.wait_dma2 semaphore(%arg33 : memref<!tpu.dma_semaphore, #tpu.memory_space<semaphore_mem>>) src(%dma_wait3A_24 : memref<2000xf32, #tpu.memory_space<hbm>>) dst(%arg16 : memref<2000xf32, #tpu.memory_space<vmem>>)
      %dma_wait3A_25 = tpu.memref_slice %arg5[%add3A_8] : memref<160000xf32, #tpu.memory_space<hbm>> -> memref<2000xf32, #tpu.memory_space<hbm>>
      %dma_wait3A_26 = tpu.memref_slice %arg5[%add3A_8] : memref<160000xf32, #tpu.memory_space<hbm>> -> memref<2000xf32, #tpu.memory_space<hbm>>
      tpu.wait_dma2 semaphore(%arg33 : memref<!tpu.dma_semaphore, #tpu.memory_space<semaphore_mem>>) src(%dma_wait3A_26 : memref<2000xf32, #tpu.memory_space<hbm>>) dst(%arg17 : memref<2000xf32, #tpu.memory_space<vmem>>)
      %dma_wait3A_27 = tpu.memref_slice %arg6[%add3A_8] : memref<160000xf32, #tpu.memory_space<hbm>> -> memref<2000xf32, #tpu.memory_space<hbm>>
      %dma_wait3A_28 = tpu.memref_slice %arg6[%add3A_8] : memref<160000xf32, #tpu.memory_space<hbm>> -> memref<2000xf32, #tpu.memory_space<hbm>>
      tpu.wait_dma2 semaphore(%arg33 : memref<!tpu.dma_semaphore, #tpu.memory_space<semaphore_mem>>) src(%dma_wait3A_28 : memref<2000xf32, #tpu.memory_space<hbm>>) dst(%arg18 : memref<2000xf32, #tpu.memory_space<vmem>>)
      %dma_wait3A_29 = tpu.memref_slice %arg7[%add3A_8] : memref<160000xf32, #tpu.memory_space<hbm>> -> memref<2000xf32, #tpu.memory_space<hbm>>
      %dma_wait3A_30 = tpu.memref_slice %arg7[%add3A_8] : memref<160000xf32, #tpu.memory_space<hbm>> -> memref<2000xf32, #tpu.memory_space<hbm>>
      tpu.wait_dma2 semaphore(%arg33 : memref<!tpu.dma_semaphore, #tpu.memory_space<semaphore_mem>>) src(%dma_wait3A_30 : memref<2000xf32, #tpu.memory_space<hbm>>) dst(%arg19 : memref<2000xf32, #tpu.memory_space<vmem>>)
      %mul3A_31 = arith.constant 20000 : i32
      %mul3A_32 = arith.muli %add3A, %mul3A_31 : i32
      %add3A_33 = arith.constant 2000 : i32
      %add3A_34 = arith.addi %mul3A_32, %add3A_33 : i32
      %dma_start3A_35 = tpu.memref_slice %arg2[%add3A_34] : memref<160000xf32, #tpu.memory_space<hbm>> -> memref<2000xf32, #tpu.memory_space<hbm>>
      %dma_start3A_36 = tpu.memref_slice %arg2[%add3A_34] : memref<160000xf32, #tpu.memory_space<hbm>> -> memref<2000xf32, #tpu.memory_space<hbm>>
      tpu.enqueue_dma source(%dma_start3A_36 : memref<2000xf32, #tpu.memory_space<hbm>>) target(%arg20 : memref<2000xf32, #tpu.memory_space<vmem>>) target_semaphore(%arg34 : memref<!tpu.dma_semaphore, #tpu.memory_space<semaphore_mem>>)
      %dma_start3A_37 = tpu.memref_slice %arg3[%add3A_34] : memref<160000xf32, #tpu.memory_space<hbm>> -> memref<2000xf32, #tpu.memory_space<hbm>>
      %dma_start3A_38 = tpu.memref_slice %arg3[%add3A_34] : memref<160000xf32, #tpu.memory_space<hbm>> -> memref<2000xf32, #tpu.memory_space<hbm>>
      tpu.enqueue_dma source(%dma_start3A_38 : memref<2000xf32, #tpu.memory_space<hbm>>) target(%arg21 : memref<2000xf32, #tpu.memory_space<vmem>>) target_semaphore(%arg34 : memref<!tpu.dma_semaphore, #tpu.memory_space<semaphore_mem>>)
      %dma_start3A_39 = tpu.memref_slice %arg4[%add3A_34] : memref<160000xf32, #tpu.memory_space<hbm>> -> memref<2000xf32, #tpu.memory_space<hbm>>
      %dma_start3A_40 = tpu.memref_slice %arg4[%add3A_34] : memref<160000xf32, #tpu.memory_space<hbm>> -> memref<2000xf32, #tpu.memory_space<hbm>>
      tpu.enqueue_dma source(%dma_start3A_40 : memref<2000xf32, #tpu.memory_space<hbm>>) target(%arg22 : memref<2000xf32, #tpu.memory_space<vmem>>) target_semaphore(%arg34 : memref<!tpu.dma_semaphore, #tpu.memory_space<semaphore_mem>>)
      %dma_start3A_41 = tpu.memref_slice %arg5[%add3A_34] : memref<160000xf32, #tpu.memory_space<hbm>> -> memref<2000xf32, #tpu.memory_space<hbm>>
      %dma_start3A_42 = tpu.memref_slice %arg5[%add3A_34] : memref<160000xf32, #tpu.memory_space<hbm>> -> memref<2000xf32, #tpu.memory_space<hbm>>
      tpu.enqueue_dma source(%dma_start3A_42 : memref<2000xf32, #tpu.memory_space<hbm>>) target(%arg23 : memref<2000xf32, #tpu.memory_space<vmem>>) target_semaphore(%arg34 : memref<!tpu.dma_semaphore, #tpu.memory_space<semaphore_mem>>)
      %dma_start3A_43 = tpu.memref_slice %arg6[%add3A_34] : memref<160000xf32, #tpu.memory_space<hbm>> -> memref<2000xf32, #tpu.memory_space<hbm>>
      %dma_start3A_44 = tpu.memref_slice %arg6[%add3A_34] : memref<160000xf32, #tpu.memory_space<hbm>> -> memref<2000xf32, #tpu.memory_space<hbm>>
      tpu.enqueue_dma source(%dma_start3A_44 : memref<2000xf32, #tpu.memory_space<hbm>>) target(%arg24 : memref<2000xf32, #tpu.memory_space<vmem>>) target_semaphore(%arg34 : memref<!tpu.dma_semaphore, #tpu.memory_space<semaphore_mem>>)
      %dma_start3A_45 = tpu.memref_slice %arg7[%add3A_34] : memref<160000xf32, #tpu.memory_space<hbm>> -> memref<2000xf32, #tpu.memory_space<hbm>>
      %dma_start3A_46 = tpu.memref_slice %arg7[%add3A_34] : memref<160000xf32, #tpu.memory_space<hbm>> -> memref<2000xf32, #tpu.memory_space<hbm>>
      tpu.enqueue_dma source(%dma_start3A_46 : memref<2000xf32, #tpu.memory_space<hbm>>) target(%arg25 : memref<2000xf32, #tpu.memory_space<vmem>>) target_semaphore(%arg34 : memref<!tpu.dma_semaphore, #tpu.memory_space<semaphore_mem>>)
      %scan3A = arith.constant 0 : i32
      %scan3A_47 = arith.constant 125 : i32
      %scan3A_48 = arith.addi %scan3A, %scan3A_47 : i32
      %scan3A_49 = arith.constant 1 : i32
      scf.for %scan3A_344 = %scan3A to %scan3A_48 step %scan3A_49  : i32 {
        %mul3A_345 = arith.constant 1 : i32
        %mul3A_346 = arith.muli %scan3A_344, %mul3A_345 : i32
        %add3A_347 = arith.constant 0 : i32
        %add3A_348 = arith.addi %add3A_347, %mul3A_346 : i32
        %mul3A_349 = arith.constant 16 : i32
        %mul3A_350 = arith.muli %add3A_348, %mul3A_349 : i32
        %get3A = arith.index_cast %mul3A_350 : i32 to index
        %get3A_351 = tpu.vector_load %arg14[%get3A] {strides = array<i32>} : memref<2000xf32, #tpu.memory_space<vmem>>, vector<16xf32>,
        %gt3A = arith.constant -5.000000e+08 : f32
        %gt3A_352 = vector.broadcast %gt3A : f32 to vector<16xf32>
        %gt3A_353 = arith.cmpf ogt, %get3A_351, %gt3A_352 : vector<16xf32>
        %jit3A = arith.constant 1 : i32
        %jit3A_354 = arith.constant 0 : i32
        %broadcast_in_dim3A_355 = vector.broadcast %jit3A : i32 to vector<16xi32>
        %broadcast_in_dim3A_356 = vector.broadcast %jit3A_354 : i32 to vector<16xi32>
        %select_n3A = arith.select %gt3A_353, %broadcast_in_dim3A_355, %broadcast_in_dim3A_356 : vector<16xi1>, vector<16xi32>
        %broadcast_in_dim3A_357 = arith.constant true
        %broadcast_in_dim3A_358 = vector.broadcast %broadcast_in_dim3A_357 : i1 to vector<16xi1>
        %masked_cumsum3A = tpu.scan <sum>, %select_n3A masked %broadcast_in_dim3A_358 : vector<16xi32>, vector<16xi1> -> vector<16xi32>
        %get3A_359 = arith.constant 0 : index
        %get3A_360 = tpu.vector_load %arg32[%get3A_359] {strides = array<i32>} : memref<16xi32, #tpu.memory_space<vmem>>, vector<16xi32>,
        %add3A_361 = arith.addi %get3A_360, %masked_cumsum3A : vector<16xi32>
        %sub3A = arith.constant 1 : i32
        %sub3A_362 = vector.broadcast %sub3A : i32 to vector<16xi32>
        %sub3A_363 = arith.subi %add3A_361, %sub3A_362 : vector<16xi32>
        tpu.vector_store_idx %arg26[%sub3A_363], %get3A_351 masked %gt3A_353 : memref<6144xf32, #tpu.memory_space<vmem>>[vector<16xi32>], vector<16xf32>, vector<16xi1>
        %get3A_364 = arith.index_cast %mul3A_350 : i32 to index
        %get3A_365 = tpu.vector_load %arg15[%get3A_364] {strides = array<i32>} : memref<2000xf32, #tpu.memory_space<vmem>>, vector<16xf32>,
        tpu.vector_store_idx %arg27[%sub3A_363], %get3A_365 masked %gt3A_353 : memref<6144xf32, #tpu.memory_space<vmem>>[vector<16xi32>], vector<16xf32>, vector<16xi1>
        %get3A_366 = arith.index_cast %mul3A_350 : i32 to index
        %get3A_367 = tpu.vector_load %arg16[%get3A_366] {strides = array<i32>} : memref<2000xf32, #tpu.memory_space<vmem>>, vector<16xf32>,
        tpu.vector_store_idx %arg28[%sub3A_363], %get3A_367 masked %gt3A_353 : memref<6144xf32, #tpu.memory_space<vmem>>[vector<16xi32>], vector<16xf32>, vector<16xi1>
        %get3A_368 = arith.index_cast %mul3A_350 : i32 to index
        %get3A_369 = tpu.vector_load %arg17[%get3A_368] {strides = array<i32>} : memref<2000xf32, #tpu.memory_space<vmem>>, vector<16xf32>,
        tpu.vector_store_idx %arg29[%sub3A_363], %get3A_369 masked %gt3A_353 : memref<6144xf32, #tpu.memory_space<vmem>>[vector<16xi32>], vector<16xf32>, vector<16xi1>
        %get3A_370 = arith.index_cast %mul3A_350 : i32 to index
        %get3A_371 = tpu.vector_load %arg18[%get3A_370] {strides = array<i32>} : memref<2000xf32, #tpu.memory_space<vmem>>, vector<16xf32>,
        tpu.vector_store_idx %arg30[%sub3A_363], %get3A_371 masked %gt3A_353 : memref<6144xf32, #tpu.memory_space<vmem>>[vector<16xi32>], vector<16xf32>, vector<16xi1>
        %get3A_372 = arith.index_cast %mul3A_350 : i32 to index
        %get3A_373 = tpu.vector_load %arg19[%get3A_372] {strides = array<i32>} : memref<2000xf32, #tpu.memory_space<vmem>>, vector<16xf32>,
        tpu.vector_store_idx %arg31[%sub3A_363], %get3A_373 masked %gt3A_353 : memref<6144xf32, #tpu.memory_space<vmem>>[vector<16xi32>], vector<16xf32>, vector<16xi1>
        %all_reduce_population_count3A = tpu.all_reduce %gt3A_353 {dim = 0 : i64, kind = #tpu.reduction_kind<sum>} : vector<16xi1> -> vector<16xi32>
        %add3A_374 = arith.addi %get3A_360, %all_reduce_population_count3A : vector<16xi32>
        %swap3A_375 = arith.constant 0 : index
        %swap3A_376 = tpu.vector_load %arg32[%swap3A_375] {strides = array<i32>} : memref<16xi32, #tpu.memory_space<vmem>>, vector<16xi32>,
        tpu.vector_store %arg32[%swap3A_375], %add3A_374 {strides = array<i32>} : memref<16xi32, #tpu.memory_space<vmem>>, vector<16xi32>,
      }
      %scan3A_50 = arith.constant 125 : i32
      %dma_wait3A_51 = tpu.memref_slice %arg2[%add3A_34] : memref<160000xf32, #tpu.memory_space<hbm>> -> memref<2000xf32, #tpu.memory_space<hbm>>
      %dma_wait3A_52 = tpu.memref_slice %arg2[%add3A_34] : memref<160000xf32, #tpu.memory_space<hbm>> -> memref<2000xf32, #tpu.memory_space<hbm>>
      tpu.wait_dma2 semaphore(%arg34 : memref<!tpu.dma_semaphore, #tpu.memory_space<semaphore_mem>>) src(%dma_wait3A_52 : memref<2000xf32, #tpu.memory_space<hbm>>) dst(%arg20 : memref<2000xf32, #tpu.memory_space<vmem>>)
      %dma_wait3A_53 = tpu.memref_slice %arg3[%add3A_34] : memref<160000xf32, #tpu.memory_space<hbm>> -> memref<2000xf32, #tpu.memory_space<hbm>>
      %dma_wait3A_54 = tpu.memref_slice %arg3[%add3A_34] : memref<160000xf32, #tpu.memory_space<hbm>> -> memref<2000xf32, #tpu.memory_space<hbm>>
      tpu.wait_dma2 semaphore(%arg34 : memref<!tpu.dma_semaphore, #tpu.memory_space<semaphore_mem>>) src(%dma_wait3A_54 : memref<2000xf32, #tpu.memory_space<hbm>>) dst(%arg21 : memref<2000xf32, #tpu.memory_space<vmem>>)
      %dma_wait3A_55 = tpu.memref_slice %arg4[%add3A_34] : memref<160000xf32, #tpu.memory_space<hbm>> -> memref<2000xf32, #tpu.memory_space<hbm>>
      %dma_wait3A_56 = tpu.memref_slice %arg4[%add3A_34] : memref<160000xf32, #tpu.memory_space<hbm>> -> memref<2000xf32, #tpu.memory_space<hbm>>
      tpu.wait_dma2 semaphore(%arg34 : memref<!tpu.dma_semaphore, #tpu.memory_space<semaphore_mem>>) src(%dma_wait3A_56 : memref<2000xf32, #tpu.memory_space<hbm>>) dst(%arg22 : memref<2000xf32, #tpu.memory_space<vmem>>)
      %dma_wait3A_57 = tpu.memref_slice %arg5[%add3A_34] : memref<160000xf32, #tpu.memory_space<hbm>> -> memref<2000xf32, #tpu.memory_space<hbm>>
      %dma_wait3A_58 = tpu.memref_slice %arg5[%add3A_34] : memref<160000xf32, #tpu.memory_space<hbm>> -> memref<2000xf32, #tpu.memory_space<hbm>>
      tpu.wait_dma2 semaphore(%arg34 : memref<!tpu.dma_semaphore, #tpu.memory_space<semaphore_mem>>) src(%dma_wait3A_58 : memref<2000xf32, #tpu.memory_space<hbm>>) dst(%arg23 : memref<2000xf32, #tpu.memory_space<vmem>>)
      %dma_wait3A_59 = tpu.memref_slice %arg6[%add3A_34] : memref<160000xf32, #tpu.memory_space<hbm>> -> memref<2000xf32, #tpu.memory_space<hbm>>
      %dma_wait3A_60 = tpu.memref_slice %arg6[%add3A_34] : memref<160000xf32, #tpu.memory_space<hbm>> -> memref<2000xf32, #tpu.memory_space<hbm>>
      tpu.wait_dma2 semaphore(%arg34 : memref<!tpu.dma_semaphore, #tpu.memory_space<semaphore_mem>>) src(%dma_wait3A_60 : memref<2000xf32, #tpu.memory_space<hbm>>) dst(%arg24 : memref<2000xf32, #tpu.memory_space<vmem>>)
      %dma_wait3A_61 = tpu.memref_slice %arg7[%add3A_34] : memref<160000xf32, #tpu.memory_space<hbm>> -> memref<2000xf32, #tpu.memory_space<hbm>>
      %dma_wait3A_62 = tpu.memref_slice %arg7[%add3A_34] : memref<160000xf32, #tpu.memory_space<hbm>> -> memref<2000xf32, #tpu.memory_space<hbm>>
      tpu.wait_dma2 semaphore(%arg34 : memref<!tpu.dma_semaphore, #tpu.memory_space<semaphore_mem>>) src(%dma_wait3A_62 : memref<2000xf32, #tpu.memory_space<hbm>>) dst(%arg25 : memref<2000xf32, #tpu.memory_space<vmem>>)
      %mul3A_63 = arith.constant 20000 : i32
      %mul3A_64 = arith.muli %add3A, %mul3A_63 : i32
      %add3A_65 = arith.constant 4000 : i32
      %add3A_66 = arith.addi %mul3A_64, %add3A_65 : i32
      %dma_start3A_67 = tpu.memref_slice %arg2[%add3A_66] : memref<160000xf32, #tpu.memory_space<hbm>> -> memref<2000xf32, #tpu.memory_space<hbm>>
      %dma_start3A_68 = tpu.memref_slice %arg2[%add3A_66] : memref<160000xf32, #tpu.memory_space<hbm>> -> memref<2000xf32, #tpu.memory_space<hbm>>
      tpu.enqueue_dma source(%dma_start3A_68 : memref<2000xf32, #tpu.memory_space<hbm>>) target(%arg14 : memref<2000xf32, #tpu.memory_space<vmem>>) target_semaphore(%arg33 : memref<!tpu.dma_semaphore, #tpu.memory_space<semaphore_mem>>)
      %dma_start3A_69 = tpu.memref_slice %arg3[%add3A_66] : memref<160000xf32, #tpu.memory_space<hbm>> -> memref<2000xf32, #tpu.memory_space<hbm>>
      %dma_start3A_70 = tpu.memref_slice %arg3[%add3A_66] : memref<160000xf32, #tpu.memory_space<hbm>> -> memref<2000xf32, #tpu.memory_space<hbm>>
      tpu.enqueue_dma source(%dma_start3A_70 : memref<2000xf32, #tpu.memory_space<hbm>>) target(%arg15 : memref<2000xf32, #tpu.memory_space<vmem>>) target_semaphore(%arg33 : memref<!tpu.dma_semaphore, #tpu.memory_space<semaphore_mem>>)
      %dma_start3A_71 = tpu.memref_slice %arg4[%add3A_66] : memref<160000xf32, #tpu.memory_space<hbm>> -> memref<2000xf32, #tpu.memory_space<hbm>>
      %dma_start3A_72 = tpu.memref_slice %arg4[%add3A_66] : memref<160000xf32, #tpu.memory_space<hbm>> -> memref<2000xf32, #tpu.memory_space<hbm>>
      tpu.enqueue_dma source(%dma_start3A_72 : memref<2000xf32, #tpu.memory_space<hbm>>) target(%arg16 : memref<2000xf32, #tpu.memory_space<vmem>>) target_semaphore(%arg33 : memref<!tpu.dma_semaphore, #tpu.memory_space<semaphore_mem>>)
      %dma_start3A_73 = tpu.memref_slice %arg5[%add3A_66] : memref<160000xf32, #tpu.memory_space<hbm>> -> memref<2000xf32, #tpu.memory_space<hbm>>
      %dma_start3A_74 = tpu.memref_slice %arg5[%add3A_66] : memref<160000xf32, #tpu.memory_space<hbm>> -> memref<2000xf32, #tpu.memory_space<hbm>>
      tpu.enqueue_dma source(%dma_start3A_74 : memref<2000xf32, #tpu.memory_space<hbm>>) target(%arg17 : memref<2000xf32, #tpu.memory_space<vmem>>) target_semaphore(%arg33 : memref<!tpu.dma_semaphore, #tpu.memory_space<semaphore_mem>>)
      %dma_start3A_75 = tpu.memref_slice %arg6[%add3A_66] : memref<160000xf32, #tpu.memory_space<hbm>> -> memref<2000xf32, #tpu.memory_space<hbm>>
      %dma_start3A_76 = tpu.memref_slice %arg6[%add3A_66] : memref<160000xf32, #tpu.memory_space<hbm>> -> memref<2000xf32, #tpu.memory_space<hbm>>
      tpu.enqueue_dma source(%dma_start3A_76 : memref<2000xf32, #tpu.memory_space<hbm>>) target(%arg18 : memref<2000xf32, #tpu.memory_space<vmem>>) target_semaphore(%arg33 : memref<!tpu.dma_semaphore, #tpu.memory_space<semaphore_mem>>)
      %dma_start3A_77 = tpu.memref_slice %arg7[%add3A_66] : memref<160000xf32, #tpu.memory_space<hbm>> -> memref<2000xf32, #tpu.memory_space<hbm>>
      %dma_start3A_78 = tpu.memref_slice %arg7[%add3A_66] : memref<160000xf32, #tpu.memory_space<hbm>> -> memref<2000xf32, #tpu.memory_space<hbm>>
      tpu.enqueue_dma source(%dma_start3A_78 : memref<2000xf32, #tpu.memory_space<hbm>>) target(%arg19 : memref<2000xf32, #tpu.memory_space<vmem>>) target_semaphore(%arg33 : memref<!tpu.dma_semaphore, #tpu.memory_space<semaphore_mem>>)
      %scan3A_79 = arith.constant 0 : i32
      %scan3A_80 = arith.constant 125 : i32
      %scan3A_81 = arith.addi %scan3A_79, %scan3A_80 : i32
      %scan3A_82 = arith.constant 1 : i32
      scf.for %scan3A_344 = %scan3A_79 to %scan3A_81 step %scan3A_82  : i32 {
        %mul3A_345 = arith.constant 1 : i32
        %mul3A_346 = arith.muli %scan3A_344, %mul3A_345 : i32
        %add3A_347 = arith.constant 0 : i32
        %add3A_348 = arith.addi %add3A_347, %mul3A_346 : i32
        %mul3A_349 = arith.constant 16 : i32
        %mul3A_350 = arith.muli %add3A_348, %mul3A_349 : i32
        %get3A = arith.index_cast %mul3A_350 : i32 to index
        %get3A_351 = tpu.vector_load %arg20[%get3A] {strides = array<i32>} : memref<2000xf32, #tpu.memory_space<vmem>>, vector<16xf32>,
        %gt3A = arith.constant -5.000000e+08 : f32
        %gt3A_352 = vector.broadcast %gt3A : f32 to vector<16xf32>
        %gt3A_353 = arith.cmpf ogt, %get3A_351, %gt3A_352 : vector<16xf32>
        %jit3A = arith.constant 1 : i32
        %jit3A_354 = arith.constant 0 : i32
        %broadcast_in_dim3A_355 = vector.broadcast %jit3A : i32 to vector<16xi32>
        %broadcast_in_dim3A_356 = vector.broadcast %jit3A_354 : i32 to vector<16xi32>
        %select_n3A = arith.select %gt3A_353, %broadcast_in_dim3A_355, %broadcast_in_dim3A_356 : vector<16xi1>, vector<16xi32>
        %broadcast_in_dim3A_357 = arith.constant true
        %broadcast_in_dim3A_358 = vector.broadcast %broadcast_in_dim3A_357 : i1 to vector<16xi1>
        %masked_cumsum3A = tpu.scan <sum>, %select_n3A masked %broadcast_in_dim3A_358 : vector<16xi32>, vector<16xi1> -> vector<16xi32>
        %get3A_359 = arith.constant 0 : index
        %get3A_360 = tpu.vector_load %arg32[%get3A_359] {strides = array<i32>} : memref<16xi32, #tpu.memory_space<vmem>>, vector<16xi32>,
        %add3A_361 = arith.addi %get3A_360, %masked_cumsum3A : vector<16xi32>
        %sub3A = arith.constant 1 : i32
        %sub3A_362 = vector.broadcast %sub3A : i32 to vector<16xi32>
        %sub3A_363 = arith.subi %add3A_361, %sub3A_362 : vector<16xi32>
        tpu.vector_store_idx %arg26[%sub3A_363], %get3A_351 masked %gt3A_353 : memref<6144xf32, #tpu.memory_space<vmem>>[vector<16xi32>], vector<16xf32>, vector<16xi1>
        %get3A_364 = arith.index_cast %mul3A_350 : i32 to index
        %get3A_365 = tpu.vector_load %arg21[%get3A_364] {strides = array<i32>} : memref<2000xf32, #tpu.memory_space<vmem>>, vector<16xf32>,
        tpu.vector_store_idx %arg27[%sub3A_363], %get3A_365 masked %gt3A_353 : memref<6144xf32, #tpu.memory_space<vmem>>[vector<16xi32>], vector<16xf32>, vector<16xi1>
        %get3A_366 = arith.index_cast %mul3A_350 : i32 to index
        %get3A_367 = tpu.vector_load %arg22[%get3A_366] {strides = array<i32>} : memref<2000xf32, #tpu.memory_space<vmem>>, vector<16xf32>,
        tpu.vector_store_idx %arg28[%sub3A_363], %get3A_367 masked %gt3A_353 : memref<6144xf32, #tpu.memory_space<vmem>>[vector<16xi32>], vector<16xf32>, vector<16xi1>
        %get3A_368 = arith.index_cast %mul3A_350 : i32 to index
        %get3A_369 = tpu.vector_load %arg23[%get3A_368] {strides = array<i32>} : memref<2000xf32, #tpu.memory_space<vmem>>, vector<16xf32>,
        tpu.vector_store_idx %arg29[%sub3A_363], %get3A_369 masked %gt3A_353 : memref<6144xf32, #tpu.memory_space<vmem>>[vector<16xi32>], vector<16xf32>, vector<16xi1>
        %get3A_370 = arith.index_cast %mul3A_350 : i32 to index
        %get3A_371 = tpu.vector_load %arg24[%get3A_370] {strides = array<i32>} : memref<2000xf32, #tpu.memory_space<vmem>>, vector<16xf32>,
        tpu.vector_store_idx %arg30[%sub3A_363], %get3A_371 masked %gt3A_353 : memref<6144xf32, #tpu.memory_space<vmem>>[vector<16xi32>], vector<16xf32>, vector<16xi1>
        %get3A_372 = arith.index_cast %mul3A_350 : i32 to index
        %get3A_373 = tpu.vector_load %arg25[%get3A_372] {strides = array<i32>} : memref<2000xf32, #tpu.memory_space<vmem>>, vector<16xf32>,
        tpu.vector_store_idx %arg31[%sub3A_363], %get3A_373 masked %gt3A_353 : memref<6144xf32, #tpu.memory_space<vmem>>[vector<16xi32>], vector<16xf32>, vector<16xi1>
        %all_reduce_population_count3A = tpu.all_reduce %gt3A_353 {dim = 0 : i64, kind = #tpu.reduction_kind<sum>} : vector<16xi1> -> vector<16xi32>
        %add3A_374 = arith.addi %get3A_360, %all_reduce_population_count3A : vector<16xi32>
        %swap3A_375 = arith.constant 0 : index
        %swap3A_376 = tpu.vector_load %arg32[%swap3A_375] {strides = array<i32>} : memref<16xi32, #tpu.memory_space<vmem>>, vector<16xi32>,
        tpu.vector_store %arg32[%swap3A_375], %add3A_374 {strides = array<i32>} : memref<16xi32, #tpu.memory_space<vmem>>, vector<16xi32>,
      }
      %scan3A_83 = arith.constant 125 : i32
      %dma_wait3A_84 = tpu.memref_slice %arg2[%add3A_66] : memref<160000xf32, #tpu.memory_space<hbm>> -> memref<2000xf32, #tpu.memory_space<hbm>>
      %dma_wait3A_85 = tpu.memref_slice %arg2[%add3A_66] : memref<160000xf32, #tpu.memory_space<hbm>> -> memref<2000xf32, #tpu.memory_space<hbm>>
      tpu.wait_dma2 semaphore(%arg33 : memref<!tpu.dma_semaphore, #tpu.memory_space<semaphore_mem>>) src(%dma_wait3A_85 : memref<2000xf32, #tpu.memory_space<hbm>>) dst(%arg14 : memref<2000xf32, #tpu.memory_space<vmem>>)
      %dma_wait3A_86 = tpu.memref_slice %arg3[%add3A_66] : memref<160000xf32, #tpu.memory_space<hbm>> -> memref<2000xf32, #tpu.memory_space<hbm>>
      %dma_wait3A_87 = tpu.memref_slice %arg3[%add3A_66] : memref<160000xf32, #tpu.memory_space<hbm>> -> memref<2000xf32, #tpu.memory_space<hbm>>
      tpu.wait_dma2 semaphore(%arg33 : memref<!tpu.dma_semaphore, #tpu.memory_space<semaphore_mem>>) src(%dma_wait3A_87 : memref<2000xf32, #tpu.memory_space<hbm>>) dst(%arg15 : memref<2000xf32, #tpu.memory_space<vmem>>)
      %dma_wait3A_88 = tpu.memref_slice %arg4[%add3A_66] : memref<160000xf32, #tpu.memory_space<hbm>> -> memref<2000xf32, #tpu.memory_space<hbm>>
      %dma_wait3A_89 = tpu.memref_slice %arg4[%add3A_66] : memref<160000xf32, #tpu.memory_space<hbm>> -> memref<2000xf32, #tpu.memory_space<hbm>>
      tpu.wait_dma2 semaphore(%arg33 : memref<!tpu.dma_semaphore, #tpu.memory_space<semaphore_mem>>) src(%dma_wait3A_89 : memref<2000xf32, #tpu.memory_space<hbm>>) dst(%arg16 : memref<2000xf32, #tpu.memory_space<vmem>>)
      %dma_wait3A_90 = tpu.memref_slice %arg5[%add3A_66] : memref<160000xf32, #tpu.memory_space<hbm>> -> memref<2000xf32, #tpu.memory_space<hbm>>
      %dma_wait3A_91 = tpu.memref_slice %arg5[%add3A_66] : memref<160000xf32, #tpu.memory_space<hbm>> -> memref<2000xf32, #tpu.memory_space<hbm>>
      tpu.wait_dma2 semaphore(%arg33 : memref<!tpu.dma_semaphore, #tpu.memory_space<semaphore_mem>>) src(%dma_wait3A_91 : memref<2000xf32, #tpu.memory_space<hbm>>) dst(%arg17 : memref<2000xf32, #tpu.memory_space<vmem>>)
      %dma_wait3A_92 = tpu.memref_slice %arg6[%add3A_66] : memref<160000xf32, #tpu.memory_space<hbm>> -> memref<2000xf32, #tpu.memory_space<hbm>>
      %dma_wait3A_93 = tpu.memref_slice %arg6[%add3A_66] : memref<160000xf32, #tpu.memory_space<hbm>> -> memref<2000xf32, #tpu.memory_space<hbm>>
      tpu.wait_dma2 semaphore(%arg33 : memref<!tpu.dma_semaphore, #tpu.memory_space<semaphore_mem>>) src(%dma_wait3A_93 : memref<2000xf32, #tpu.memory_space<hbm>>) dst(%arg18 : memref<2000xf32, #tpu.memory_space<vmem>>)
      %dma_wait3A_94 = tpu.memref_slice %arg7[%add3A_66] : memref<160000xf32, #tpu.memory_space<hbm>> -> memref<2000xf32, #tpu.memory_space<hbm>>
      %dma_wait3A_95 = tpu.memref_slice %arg7[%add3A_66] : memref<160000xf32, #tpu.memory_space<hbm>> -> memref<2000xf32, #tpu.memory_space<hbm>>
      tpu.wait_dma2 semaphore(%arg33 : memref<!tpu.dma_semaphore, #tpu.memory_space<semaphore_mem>>) src(%dma_wait3A_95 : memref<2000xf32, #tpu.memory_space<hbm>>) dst(%arg19 : memref<2000xf32, #tpu.memory_space<vmem>>)
      %mul3A_96 = arith.constant 20000 : i32
      %mul3A_97 = arith.muli %add3A, %mul3A_96 : i32
      %add3A_98 = arith.constant 6000 : i32
      %add3A_99 = arith.addi %mul3A_97, %add3A_98 : i32
      %dma_start3A_100 = tpu.memref_slice %arg2[%add3A_99] : memref<160000xf32, #tpu.memory_space<hbm>> -> memref<2000xf32, #tpu.memory_space<hbm>>
      %dma_start3A_101 = tpu.memref_slice %arg2[%add3A_99] : memref<160000xf32, #tpu.memory_space<hbm>> -> memref<2000xf32, #tpu.memory_space<hbm>>
      tpu.enqueue_dma source(%dma_start3A_101 : memref<2000xf32, #tpu.memory_space<hbm>>) target(%arg20 : memref<2000xf32, #tpu.memory_space<vmem>>) target_semaphore(%arg34 : memref<!tpu.dma_semaphore, #tpu.memory_space<semaphore_mem>>)
      %dma_start3A_102 = tpu.memref_slice %arg3[%add3A_99] : memref<160000xf32, #tpu.memory_space<hbm>> -> memref<2000xf32, #tpu.memory_space<hbm>>
      %dma_start3A_103 = tpu.memref_slice %arg3[%add3A_99] : memref<160000xf32, #tpu.memory_space<hbm>> -> memref<2000xf32, #tpu.memory_space<hbm>>
      tpu.enqueue_dma source(%dma_start3A_103 : memref<2000xf32, #tpu.memory_space<hbm>>) target(%arg21 : memref<2000xf32, #tpu.memory_space<vmem>>) target_semaphore(%arg34 : memref<!tpu.dma_semaphore, #tpu.memory_space<semaphore_mem>>)
      %dma_start3A_104 = tpu.memref_slice %arg4[%add3A_99] : memref<160000xf32, #tpu.memory_space<hbm>> -> memref<2000xf32, #tpu.memory_space<hbm>>
      %dma_start3A_105 = tpu.memref_slice %arg4[%add3A_99] : memref<160000xf32, #tpu.memory_space<hbm>> -> memref<2000xf32, #tpu.memory_space<hbm>>
      tpu.enqueue_dma source(%dma_start3A_105 : memref<2000xf32, #tpu.memory_space<hbm>>) target(%arg22 : memref<2000xf32, #tpu.memory_space<vmem>>) target_semaphore(%arg34 : memref<!tpu.dma_semaphore, #tpu.memory_space<semaphore_mem>>)
      %dma_start3A_106 = tpu.memref_slice %arg5[%add3A_99] : memref<160000xf32, #tpu.memory_space<hbm>> -> memref<2000xf32, #tpu.memory_space<hbm>>
      %dma_start3A_107 = tpu.memref_slice %arg5[%add3A_99] : memref<160000xf32, #tpu.memory_space<hbm>> -> memref<2000xf32, #tpu.memory_space<hbm>>
      tpu.enqueue_dma source(%dma_start3A_107 : memref<2000xf32, #tpu.memory_space<hbm>>) target(%arg23 : memref<2000xf32, #tpu.memory_space<vmem>>) target_semaphore(%arg34 : memref<!tpu.dma_semaphore, #tpu.memory_space<semaphore_mem>>)
      %dma_start3A_108 = tpu.memref_slice %arg6[%add3A_99] : memref<160000xf32, #tpu.memory_space<hbm>> -> memref<2000xf32, #tpu.memory_space<hbm>>
      %dma_start3A_109 = tpu.memref_slice %arg6[%add3A_99] : memref<160000xf32, #tpu.memory_space<hbm>> -> memref<2000xf32, #tpu.memory_space<hbm>>
      tpu.enqueue_dma source(%dma_start3A_109 : memref<2000xf32, #tpu.memory_space<hbm>>) target(%arg24 : memref<2000xf32, #tpu.memory_space<vmem>>) target_semaphore(%arg34 : memref<!tpu.dma_semaphore, #tpu.memory_space<semaphore_mem>>)
      %dma_start3A_110 = tpu.memref_slice %arg7[%add3A_99] : memref<160000xf32, #tpu.memory_space<hbm>> -> memref<2000xf32, #tpu.memory_space<hbm>>
      %dma_start3A_111 = tpu.memref_slice %arg7[%add3A_99] : memref<160000xf32, #tpu.memory_space<hbm>> -> memref<2000xf32, #tpu.memory_space<hbm>>
      tpu.enqueue_dma source(%dma_start3A_111 : memref<2000xf32, #tpu.memory_space<hbm>>) target(%arg25 : memref<2000xf32, #tpu.memory_space<vmem>>) target_semaphore(%arg34 : memref<!tpu.dma_semaphore, #tpu.memory_space<semaphore_mem>>)
      %scan3A_112 = arith.constant 0 : i32
      %scan3A_113 = arith.constant 125 : i32
      %scan3A_114 = arith.addi %scan3A_112, %scan3A_113 : i32
      %scan3A_115 = arith.constant 1 : i32
      scf.for %scan3A_344 = %scan3A_112 to %scan3A_114 step %scan3A_115  : i32 {
        %mul3A_345 = arith.constant 1 : i32
        %mul3A_346 = arith.muli %scan3A_344, %mul3A_345 : i32
        %add3A_347 = arith.constant 0 : i32
        %add3A_348 = arith.addi %add3A_347, %mul3A_346 : i32
        %mul3A_349 = arith.constant 16 : i32
        %mul3A_350 = arith.muli %add3A_348, %mul3A_349 : i32
        %get3A = arith.index_cast %mul3A_350 : i32 to index
        %get3A_351 = tpu.vector_load %arg14[%get3A] {strides = array<i32>} : memref<2000xf32, #tpu.memory_space<vmem>>, vector<16xf32>,
        %gt3A = arith.constant -5.000000e+08 : f32
        %gt3A_352 = vector.broadcast %gt3A : f32 to vector<16xf32>
        %gt3A_353 = arith.cmpf ogt, %get3A_351, %gt3A_352 : vector<16xf32>
        %jit3A = arith.constant 1 : i32
        %jit3A_354 = arith.constant 0 : i32
        %broadcast_in_dim3A_355 = vector.broadcast %jit3A : i32 to vector<16xi32>
        %broadcast_in_dim3A_356 = vector.broadcast %jit3A_354 : i32 to vector<16xi32>
        %select_n3A = arith.select %gt3A_353, %broadcast_in_dim3A_355, %broadcast_in_dim3A_356 : vector<16xi1>, vector<16xi32>
        %broadcast_in_dim3A_357 = arith.constant true
        %broadcast_in_dim3A_358 = vector.broadcast %broadcast_in_dim3A_357 : i1 to vector<16xi1>
        %masked_cumsum3A = tpu.scan <sum>, %select_n3A masked %broadcast_in_dim3A_358 : vector<16xi32>, vector<16xi1> -> vector<16xi32>
        %get3A_359 = arith.constant 0 : index
        %get3A_360 = tpu.vector_load %arg32[%get3A_359] {strides = array<i32>} : memref<16xi32, #tpu.memory_space<vmem>>, vector<16xi32>,
        %add3A_361 = arith.addi %get3A_360, %masked_cumsum3A : vector<16xi32>
        %sub3A = arith.constant 1 : i32
        %sub3A_362 = vector.broadcast %sub3A : i32 to vector<16xi32>
        %sub3A_363 = arith.subi %add3A_361, %sub3A_362 : vector<16xi32>
        tpu.vector_store_idx %arg26[%sub3A_363], %get3A_351 masked %gt3A_353 : memref<6144xf32, #tpu.memory_space<vmem>>[vector<16xi32>], vector<16xf32>, vector<16xi1>
        %get3A_364 = arith.index_cast %mul3A_350 : i32 to index
        %get3A_365 = tpu.vector_load %arg15[%get3A_364] {strides = array<i32>} : memref<2000xf32, #tpu.memory_space<vmem>>, vector<16xf32>,
        tpu.vector_store_idx %arg27[%sub3A_363], %get3A_365 masked %gt3A_353 : memref<6144xf32, #tpu.memory_space<vmem>>[vector<16xi32>], vector<16xf32>, vector<16xi1>
        %get3A_366 = arith.index_cast %mul3A_350 : i32 to index
        %get3A_367 = tpu.vector_load %arg16[%get3A_366] {strides = array<i32>} : memref<2000xf32, #tpu.memory_space<vmem>>, vector<16xf32>,
        tpu.vector_store_idx %arg28[%sub3A_363], %get3A_367 masked %gt3A_353 : memref<6144xf32, #tpu.memory_space<vmem>>[vector<16xi32>], vector<16xf32>, vector<16xi1>
        %get3A_368 = arith.index_cast %mul3A_350 : i32 to index
        %get3A_369 = tpu.vector_load %arg17[%get3A_368] {strides = array<i32>} : memref<2000xf32, #tpu.memory_space<vmem>>, vector<16xf32>,
        tpu.vector_store_idx %arg29[%sub3A_363], %get3A_369 masked %gt3A_353 : memref<6144xf32, #tpu.memory_space<vmem>>[vector<16xi32>], vector<16xf32>, vector<16xi1>
        %get3A_370 = arith.index_cast %mul3A_350 : i32 to index
        %get3A_371 = tpu.vector_load %arg18[%get3A_370] {strides = array<i32>} : memref<2000xf32, #tpu.memory_space<vmem>>, vector<16xf32>,
        tpu.vector_store_idx %arg30[%sub3A_363], %get3A_371 masked %gt3A_353 : memref<6144xf32, #tpu.memory_space<vmem>>[vector<16xi32>], vector<16xf32>, vector<16xi1>
        %get3A_372 = arith.index_cast %mul3A_350 : i32 to index
        %get3A_373 = tpu.vector_load %arg19[%get3A_372] {strides = array<i32>} : memref<2000xf32, #tpu.memory_space<vmem>>, vector<16xf32>,
        tpu.vector_store_idx %arg31[%sub3A_363], %get3A_373 masked %gt3A_353 : memref<6144xf32, #tpu.memory_space<vmem>>[vector<16xi32>], vector<16xf32>, vector<16xi1>
        %all_reduce_population_count3A = tpu.all_reduce %gt3A_353 {dim = 0 : i64, kind = #tpu.reduction_kind<sum>} : vector<16xi1> -> vector<16xi32>
        %add3A_374 = arith.addi %get3A_360, %all_reduce_population_count3A : vector<16xi32>
        %swap3A_375 = arith.constant 0 : index
        %swap3A_376 = tpu.vector_load %arg32[%swap3A_375] {strides = array<i32>} : memref<16xi32, #tpu.memory_space<vmem>>, vector<16xi32>,
        tpu.vector_store %arg32[%swap3A_375], %add3A_374 {strides = array<i32>} : memref<16xi32, #tpu.memory_space<vmem>>, vector<16xi32>,
      }
      %scan3A_116 = arith.constant 125 : i32
      %dma_wait3A_117 = tpu.memref_slice %arg2[%add3A_99] : memref<160000xf32, #tpu.memory_space<hbm>> -> memref<2000xf32, #tpu.memory_space<hbm>>
      %dma_wait3A_118 = tpu.memref_slice %arg2[%add3A_99] : memref<160000xf32, #tpu.memory_space<hbm>> -> memref<2000xf32, #tpu.memory_space<hbm>>
      tpu.wait_dma2 semaphore(%arg34 : memref<!tpu.dma_semaphore, #tpu.memory_space<semaphore_mem>>) src(%dma_wait3A_118 : memref<2000xf32, #tpu.memory_space<hbm>>) dst(%arg20 : memref<2000xf32, #tpu.memory_space<vmem>>)
      %dma_wait3A_119 = tpu.memref_slice %arg3[%add3A_99] : memref<160000xf32, #tpu.memory_space<hbm>> -> memref<2000xf32, #tpu.memory_space<hbm>>
      %dma_wait3A_120 = tpu.memref_slice %arg3[%add3A_99] : memref<160000xf32, #tpu.memory_space<hbm>> -> memref<2000xf32, #tpu.memory_space<hbm>>
      tpu.wait_dma2 semaphore(%arg34 : memref<!tpu.dma_semaphore, #tpu.memory_space<semaphore_mem>>) src(%dma_wait3A_120 : memref<2000xf32, #tpu.memory_space<hbm>>) dst(%arg21 : memref<2000xf32, #tpu.memory_space<vmem>>)
      %dma_wait3A_121 = tpu.memref_slice %arg4[%add3A_99] : memref<160000xf32, #tpu.memory_space<hbm>> -> memref<2000xf32, #tpu.memory_space<hbm>>
      %dma_wait3A_122 = tpu.memref_slice %arg4[%add3A_99] : memref<160000xf32, #tpu.memory_space<hbm>> -> memref<2000xf32, #tpu.memory_space<hbm>>
      tpu.wait_dma2 semaphore(%arg34 : memref<!tpu.dma_semaphore, #tpu.memory_space<semaphore_mem>>) src(%dma_wait3A_122 : memref<2000xf32, #tpu.memory_space<hbm>>) dst(%arg22 : memref<2000xf32, #tpu.memory_space<vmem>>)
      %dma_wait3A_123 = tpu.memref_slice %arg5[%add3A_99] : memref<160000xf32, #tpu.memory_space<hbm>> -> memref<2000xf32, #tpu.memory_space<hbm>>
      %dma_wait3A_124 = tpu.memref_slice %arg5[%add3A_99] : memref<160000xf32, #tpu.memory_space<hbm>> -> memref<2000xf32, #tpu.memory_space<hbm>>
      tpu.wait_dma2 semaphore(%arg34 : memref<!tpu.dma_semaphore, #tpu.memory_space<semaphore_mem>>) src(%dma_wait3A_124 : memref<2000xf32, #tpu.memory_space<hbm>>) dst(%arg23 : memref<2000xf32, #tpu.memory_space<vmem>>)
      %dma_wait3A_125 = tpu.memref_slice %arg6[%add3A_99] : memref<160000xf32, #tpu.memory_space<hbm>> -> memref<2000xf32, #tpu.memory_space<hbm>>
      %dma_wait3A_126 = tpu.memref_slice %arg6[%add3A_99] : memref<160000xf32, #tpu.memory_space<hbm>> -> memref<2000xf32, #tpu.memory_space<hbm>>
      tpu.wait_dma2 semaphore(%arg34 : memref<!tpu.dma_semaphore, #tpu.memory_space<semaphore_mem>>) src(%dma_wait3A_126 : memref<2000xf32, #tpu.memory_space<hbm>>) dst(%arg24 : memref<2000xf32, #tpu.memory_space<vmem>>)
      %dma_wait3A_127 = tpu.memref_slice %arg7[%add3A_99] : memref<160000xf32, #tpu.memory_space<hbm>> -> memref<2000xf32, #tpu.memory_space<hbm>>
      %dma_wait3A_128 = tpu.memref_slice %arg7[%add3A_99] : memref<160000xf32, #tpu.memory_space<hbm>> -> memref<2000xf32, #tpu.memory_space<hbm>>
      tpu.wait_dma2 semaphore(%arg34 : memref<!tpu.dma_semaphore, #tpu.memory_space<semaphore_mem>>) src(%dma_wait3A_128 : memref<2000xf32, #tpu.memory_space<hbm>>) dst(%arg25 : memref<2000xf32, #tpu.memory_space<vmem>>)
      %mul3A_129 = arith.constant 20000 : i32
      %mul3A_130 = arith.muli %add3A, %mul3A_129 : i32
      %add3A_131 = arith.constant 8000 : i32
      %add3A_132 = arith.addi %mul3A_130, %add3A_131 : i32
      %dma_start3A_133 = tpu.memref_slice %arg2[%add3A_132] : memref<160000xf32, #tpu.memory_space<hbm>> -> memref<2000xf32, #tpu.memory_space<hbm>>
      %dma_start3A_134 = tpu.memref_slice %arg2[%add3A_132] : memref<160000xf32, #tpu.memory_space<hbm>> -> memref<2000xf32, #tpu.memory_space<hbm>>
      tpu.enqueue_dma source(%dma_start3A_134 : memref<2000xf32, #tpu.memory_space<hbm>>) target(%arg14 : memref<2000xf32, #tpu.memory_space<vmem>>) target_semaphore(%arg33 : memref<!tpu.dma_semaphore, #tpu.memory_space<semaphore_mem>>)
      %dma_start3A_135 = tpu.memref_slice %arg3[%add3A_132] : memref<160000xf32, #tpu.memory_space<hbm>> -> memref<2000xf32, #tpu.memory_space<hbm>>
      %dma_start3A_136 = tpu.memref_slice %arg3[%add3A_132] : memref<160000xf32, #tpu.memory_space<hbm>> -> memref<2000xf32, #tpu.memory_space<hbm>>
      tpu.enqueue_dma source(%dma_start3A_136 : memref<2000xf32, #tpu.memory_space<hbm>>) target(%arg15 : memref<2000xf32, #tpu.memory_space<vmem>>) target_semaphore(%arg33 : memref<!tpu.dma_semaphore, #tpu.memory_space<semaphore_mem>>)
      %dma_start3A_137 = tpu.memref_slice %arg4[%add3A_132] : memref<160000xf32, #tpu.memory_space<hbm>> -> memref<2000xf32, #tpu.memory_space<hbm>>
      %dma_start3A_138 = tpu.memref_slice %arg4[%add3A_132] : memref<160000xf32, #tpu.memory_space<hbm>> -> memref<2000xf32, #tpu.memory_space<hbm>>
      tpu.enqueue_dma source(%dma_start3A_138 : memref<2000xf32, #tpu.memory_space<hbm>>) target(%arg16 : memref<2000xf32, #tpu.memory_space<vmem>>) target_semaphore(%arg33 : memref<!tpu.dma_semaphore, #tpu.memory_space<semaphore_mem>>)
      %dma_start3A_139 = tpu.memref_slice %arg5[%add3A_132] : memref<160000xf32, #tpu.memory_space<hbm>> -> memref<2000xf32, #tpu.memory_space<hbm>>
      %dma_start3A_140 = tpu.memref_slice %arg5[%add3A_132] : memref<160000xf32, #tpu.memory_space<hbm>> -> memref<2000xf32, #tpu.memory_space<hbm>>
      tpu.enqueue_dma source(%dma_start3A_140 : memref<2000xf32, #tpu.memory_space<hbm>>) target(%arg17 : memref<2000xf32, #tpu.memory_space<vmem>>) target_semaphore(%arg33 : memref<!tpu.dma_semaphore, #tpu.memory_space<semaphore_mem>>)
      %dma_start3A_141 = tpu.memref_slice %arg6[%add3A_132] : memref<160000xf32, #tpu.memory_space<hbm>> -> memref<2000xf32, #tpu.memory_space<hbm>>
      %dma_start3A_142 = tpu.memref_slice %arg6[%add3A_132] : memref<160000xf32, #tpu.memory_space<hbm>> -> memref<2000xf32, #tpu.memory_space<hbm>>
      tpu.enqueue_dma source(%dma_start3A_142 : memref<2000xf32, #tpu.memory_space<hbm>>) target(%arg18 : memref<2000xf32, #tpu.memory_space<vmem>>) target_semaphore(%arg33 : memref<!tpu.dma_semaphore, #tpu.memory_space<semaphore_mem>>)
      %dma_start3A_143 = tpu.memref_slice %arg7[%add3A_132] : memref<160000xf32, #tpu.memory_space<hbm>> -> memref<2000xf32, #tpu.memory_space<hbm>>
      %dma_start3A_144 = tpu.memref_slice %arg7[%add3A_132] : memref<160000xf32, #tpu.memory_space<hbm>> -> memref<2000xf32, #tpu.memory_space<hbm>>
      tpu.enqueue_dma source(%dma_start3A_144 : memref<2000xf32, #tpu.memory_space<hbm>>) target(%arg19 : memref<2000xf32, #tpu.memory_space<vmem>>) target_semaphore(%arg33 : memref<!tpu.dma_semaphore, #tpu.memory_space<semaphore_mem>>)
      %scan3A_145 = arith.constant 0 : i32
      %scan3A_146 = arith.constant 125 : i32
      %scan3A_147 = arith.addi %scan3A_145, %scan3A_146 : i32
      %scan3A_148 = arith.constant 1 : i32
      scf.for %scan3A_344 = %scan3A_145 to %scan3A_147 step %scan3A_148  : i32 {
        %mul3A_345 = arith.constant 1 : i32
        %mul3A_346 = arith.muli %scan3A_344, %mul3A_345 : i32
        %add3A_347 = arith.constant 0 : i32
        %add3A_348 = arith.addi %add3A_347, %mul3A_346 : i32
        %mul3A_349 = arith.constant 16 : i32
        %mul3A_350 = arith.muli %add3A_348, %mul3A_349 : i32
        %get3A = arith.index_cast %mul3A_350 : i32 to index
        %get3A_351 = tpu.vector_load %arg20[%get3A] {strides = array<i32>} : memref<2000xf32, #tpu.memory_space<vmem>>, vector<16xf32>,
        %gt3A = arith.constant -5.000000e+08 : f32
        %gt3A_352 = vector.broadcast %gt3A : f32 to vector<16xf32>
        %gt3A_353 = arith.cmpf ogt, %get3A_351, %gt3A_352 : vector<16xf32>
        %jit3A = arith.constant 1 : i32
        %jit3A_354 = arith.constant 0 : i32
        %broadcast_in_dim3A_355 = vector.broadcast %jit3A : i32 to vector<16xi32>
        %broadcast_in_dim3A_356 = vector.broadcast %jit3A_354 : i32 to vector<16xi32>
        %select_n3A = arith.select %gt3A_353, %broadcast_in_dim3A_355, %broadcast_in_dim3A_356 : vector<16xi1>, vector<16xi32>
        %broadcast_in_dim3A_357 = arith.constant true
        %broadcast_in_dim3A_358 = vector.broadcast %broadcast_in_dim3A_357 : i1 to vector<16xi1>
        %masked_cumsum3A = tpu.scan <sum>, %select_n3A masked %broadcast_in_dim3A_358 : vector<16xi32>, vector<16xi1> -> vector<16xi32>
        %get3A_359 = arith.constant 0 : index
        %get3A_360 = tpu.vector_load %arg32[%get3A_359] {strides = array<i32>} : memref<16xi32, #tpu.memory_space<vmem>>, vector<16xi32>,
        %add3A_361 = arith.addi %get3A_360, %masked_cumsum3A : vector<16xi32>
        %sub3A = arith.constant 1 : i32
        %sub3A_362 = vector.broadcast %sub3A : i32 to vector<16xi32>
        %sub3A_363 = arith.subi %add3A_361, %sub3A_362 : vector<16xi32>
        tpu.vector_store_idx %arg26[%sub3A_363], %get3A_351 masked %gt3A_353 : memref<6144xf32, #tpu.memory_space<vmem>>[vector<16xi32>], vector<16xf32>, vector<16xi1>
        %get3A_364 = arith.index_cast %mul3A_350 : i32 to index
        %get3A_365 = tpu.vector_load %arg21[%get3A_364] {strides = array<i32>} : memref<2000xf32, #tpu.memory_space<vmem>>, vector<16xf32>,
        tpu.vector_store_idx %arg27[%sub3A_363], %get3A_365 masked %gt3A_353 : memref<6144xf32, #tpu.memory_space<vmem>>[vector<16xi32>], vector<16xf32>, vector<16xi1>
        %get3A_366 = arith.index_cast %mul3A_350 : i32 to index
        %get3A_367 = tpu.vector_load %arg22[%get3A_366] {strides = array<i32>} : memref<2000xf32, #tpu.memory_space<vmem>>, vector<16xf32>,
        tpu.vector_store_idx %arg28[%sub3A_363], %get3A_367 masked %gt3A_353 : memref<6144xf32, #tpu.memory_space<vmem>>[vector<16xi32>], vector<16xf32>, vector<16xi1>
        %get3A_368 = arith.index_cast %mul3A_350 : i32 to index
        %get3A_369 = tpu.vector_load %arg23[%get3A_368] {strides = array<i32>} : memref<2000xf32, #tpu.memory_space<vmem>>, vector<16xf32>,
        tpu.vector_store_idx %arg29[%sub3A_363], %get3A_369 masked %gt3A_353 : memref<6144xf32, #tpu.memory_space<vmem>>[vector<16xi32>], vector<16xf32>, vector<16xi1>
        %get3A_370 = arith.index_cast %mul3A_350 : i32 to index
        %get3A_371 = tpu.vector_load %arg24[%get3A_370] {strides = array<i32>} : memref<2000xf32, #tpu.memory_space<vmem>>, vector<16xf32>,
        tpu.vector_store_idx %arg30[%sub3A_363], %get3A_371 masked %gt3A_353 : memref<6144xf32, #tpu.memory_space<vmem>>[vector<16xi32>], vector<16xf32>, vector<16xi1>
        %get3A_372 = arith.index_cast %mul3A_350 : i32 to index
        %get3A_373 = tpu.vector_load %arg25[%get3A_372] {strides = array<i32>} : memref<2000xf32, #tpu.memory_space<vmem>>, vector<16xf32>,
        tpu.vector_store_idx %arg31[%sub3A_363], %get3A_373 masked %gt3A_353 : memref<6144xf32, #tpu.memory_space<vmem>>[vector<16xi32>], vector<16xf32>, vector<16xi1>
        %all_reduce_population_count3A = tpu.all_reduce %gt3A_353 {dim = 0 : i64, kind = #tpu.reduction_kind<sum>} : vector<16xi1> -> vector<16xi32>
        %add3A_374 = arith.addi %get3A_360, %all_reduce_population_count3A : vector<16xi32>
        %swap3A_375 = arith.constant 0 : index
        %swap3A_376 = tpu.vector_load %arg32[%swap3A_375] {strides = array<i32>} : memref<16xi32, #tpu.memory_space<vmem>>, vector<16xi32>,
        tpu.vector_store %arg32[%swap3A_375], %add3A_374 {strides = array<i32>} : memref<16xi32, #tpu.memory_space<vmem>>, vector<16xi32>,
      }
      %scan3A_149 = arith.constant 125 : i32
      %dma_wait3A_150 = tpu.memref_slice %arg2[%add3A_132] : memref<160000xf32, #tpu.memory_space<hbm>> -> memref<2000xf32, #tpu.memory_space<hbm>>
      %dma_wait3A_151 = tpu.memref_slice %arg2[%add3A_132] : memref<160000xf32, #tpu.memory_space<hbm>> -> memref<2000xf32, #tpu.memory_space<hbm>>
      tpu.wait_dma2 semaphore(%arg33 : memref<!tpu.dma_semaphore, #tpu.memory_space<semaphore_mem>>) src(%dma_wait3A_151 : memref<2000xf32, #tpu.memory_space<hbm>>) dst(%arg14 : memref<2000xf32, #tpu.memory_space<vmem>>)
      %dma_wait3A_152 = tpu.memref_slice %arg3[%add3A_132] : memref<160000xf32, #tpu.memory_space<hbm>> -> memref<2000xf32, #tpu.memory_space<hbm>>
      %dma_wait3A_153 = tpu.memref_slice %arg3[%add3A_132] : memref<160000xf32, #tpu.memory_space<hbm>> -> memref<2000xf32, #tpu.memory_space<hbm>>
      tpu.wait_dma2 semaphore(%arg33 : memref<!tpu.dma_semaphore, #tpu.memory_space<semaphore_mem>>) src(%dma_wait3A_153 : memref<2000xf32, #tpu.memory_space<hbm>>) dst(%arg15 : memref<2000xf32, #tpu.memory_space<vmem>>)
      %dma_wait3A_154 = tpu.memref_slice %arg4[%add3A_132] : memref<160000xf32, #tpu.memory_space<hbm>> -> memref<2000xf32, #tpu.memory_space<hbm>>
      %dma_wait3A_155 = tpu.memref_slice %arg4[%add3A_132] : memref<160000xf32, #tpu.memory_space<hbm>> -> memref<2000xf32, #tpu.memory_space<hbm>>
      tpu.wait_dma2 semaphore(%arg33 : memref<!tpu.dma_semaphore, #tpu.memory_space<semaphore_mem>>) src(%dma_wait3A_155 : memref<2000xf32, #tpu.memory_space<hbm>>) dst(%arg16 : memref<2000xf32, #tpu.memory_space<vmem>>)
      %dma_wait3A_156 = tpu.memref_slice %arg5[%add3A_132] : memref<160000xf32, #tpu.memory_space<hbm>> -> memref<2000xf32, #tpu.memory_space<hbm>>
      %dma_wait3A_157 = tpu.memref_slice %arg5[%add3A_132] : memref<160000xf32, #tpu.memory_space<hbm>> -> memref<2000xf32, #tpu.memory_space<hbm>>
      tpu.wait_dma2 semaphore(%arg33 : memref<!tpu.dma_semaphore, #tpu.memory_space<semaphore_mem>>) src(%dma_wait3A_157 : memref<2000xf32, #tpu.memory_space<hbm>>) dst(%arg17 : memref<2000xf32, #tpu.memory_space<vmem>>)
      %dma_wait3A_158 = tpu.memref_slice %arg6[%add3A_132] : memref<160000xf32, #tpu.memory_space<hbm>> -> memref<2000xf32, #tpu.memory_space<hbm>>
      %dma_wait3A_159 = tpu.memref_slice %arg6[%add3A_132] : memref<160000xf32, #tpu.memory_space<hbm>> -> memref<2000xf32, #tpu.memory_space<hbm>>
      tpu.wait_dma2 semaphore(%arg33 : memref<!tpu.dma_semaphore, #tpu.memory_space<semaphore_mem>>) src(%dma_wait3A_159 : memref<2000xf32, #tpu.memory_space<hbm>>) dst(%arg18 : memref<2000xf32, #tpu.memory_space<vmem>>)
      %dma_wait3A_160 = tpu.memref_slice %arg7[%add3A_132] : memref<160000xf32, #tpu.memory_space<hbm>> -> memref<2000xf32, #tpu.memory_space<hbm>>
      %dma_wait3A_161 = tpu.memref_slice %arg7[%add3A_132] : memref<160000xf32, #tpu.memory_space<hbm>> -> memref<2000xf32, #tpu.memory_space<hbm>>
      tpu.wait_dma2 semaphore(%arg33 : memref<!tpu.dma_semaphore, #tpu.memory_space<semaphore_mem>>) src(%dma_wait3A_161 : memref<2000xf32, #tpu.memory_space<hbm>>) dst(%arg19 : memref<2000xf32, #tpu.memory_space<vmem>>)
      %mul3A_162 = arith.constant 20000 : i32
      %mul3A_163 = arith.muli %add3A, %mul3A_162 : i32
      %add3A_164 = arith.constant 10000 : i32
      %add3A_165 = arith.addi %mul3A_163, %add3A_164 : i32
      %dma_start3A_166 = tpu.memref_slice %arg2[%add3A_165] : memref<160000xf32, #tpu.memory_space<hbm>> -> memref<2000xf32, #tpu.memory_space<hbm>>
      %dma_start3A_167 = tpu.memref_slice %arg2[%add3A_165] : memref<160000xf32, #tpu.memory_space<hbm>> -> memref<2000xf32, #tpu.memory_space<hbm>>
      tpu.enqueue_dma source(%dma_start3A_167 : memref<2000xf32, #tpu.memory_space<hbm>>) target(%arg20 : memref<2000xf32, #tpu.memory_space<vmem>>) target_semaphore(%arg34 : memref<!tpu.dma_semaphore, #tpu.memory_space<semaphore_mem>>)
      %dma_start3A_168 = tpu.memref_slice %arg3[%add3A_165] : memref<160000xf32, #tpu.memory_space<hbm>> -> memref<2000xf32, #tpu.memory_space<hbm>>
      %dma_start3A_169 = tpu.memref_slice %arg3[%add3A_165] : memref<160000xf32, #tpu.memory_space<hbm>> -> memref<2000xf32, #tpu.memory_space<hbm>>
      tpu.enqueue_dma source(%dma_start3A_169 : memref<2000xf32, #tpu.memory_space<hbm>>) target(%arg21 : memref<2000xf32, #tpu.memory_space<vmem>>) target_semaphore(%arg34 : memref<!tpu.dma_semaphore, #tpu.memory_space<semaphore_mem>>)
      %dma_start3A_170 = tpu.memref_slice %arg4[%add3A_165] : memref<160000xf32, #tpu.memory_space<hbm>> -> memref<2000xf32, #tpu.memory_space<hbm>>
      %dma_start3A_171 = tpu.memref_slice %arg4[%add3A_165] : memref<160000xf32, #tpu.memory_space<hbm>> -> memref<2000xf32, #tpu.memory_space<hbm>>
      tpu.enqueue_dma source(%dma_start3A_171 : memref<2000xf32, #tpu.memory_space<hbm>>) target(%arg22 : memref<2000xf32, #tpu.memory_space<vmem>>) target_semaphore(%arg34 : memref<!tpu.dma_semaphore, #tpu.memory_space<semaphore_mem>>)
      %dma_start3A_172 = tpu.memref_slice %arg5[%add3A_165] : memref<160000xf32, #tpu.memory_space<hbm>> -> memref<2000xf32, #tpu.memory_space<hbm>>
      %dma_start3A_173 = tpu.memref_slice %arg5[%add3A_165] : memref<160000xf32, #tpu.memory_space<hbm>> -> memref<2000xf32, #tpu.memory_space<hbm>>
      tpu.enqueue_dma source(%dma_start3A_173 : memref<2000xf32, #tpu.memory_space<hbm>>) target(%arg23 : memref<2000xf32, #tpu.memory_space<vmem>>) target_semaphore(%arg34 : memref<!tpu.dma_semaphore, #tpu.memory_space<semaphore_mem>>)
      %dma_start3A_174 = tpu.memref_slice %arg6[%add3A_165] : memref<160000xf32, #tpu.memory_space<hbm>> -> memref<2000xf32, #tpu.memory_space<hbm>>
      %dma_start3A_175 = tpu.memref_slice %arg6[%add3A_165] : memref<160000xf32, #tpu.memory_space<hbm>> -> memref<2000xf32, #tpu.memory_space<hbm>>
      tpu.enqueue_dma source(%dma_start3A_175 : memref<2000xf32, #tpu.memory_space<hbm>>) target(%arg24 : memref<2000xf32, #tpu.memory_space<vmem>>) target_semaphore(%arg34 : memref<!tpu.dma_semaphore, #tpu.memory_space<semaphore_mem>>)
      %dma_start3A_176 = tpu.memref_slice %arg7[%add3A_165] : memref<160000xf32, #tpu.memory_space<hbm>> -> memref<2000xf32, #tpu.memory_space<hbm>>
      %dma_start3A_177 = tpu.memref_slice %arg7[%add3A_165] : memref<160000xf32, #tpu.memory_space<hbm>> -> memref<2000xf32, #tpu.memory_space<hbm>>
      tpu.enqueue_dma source(%dma_start3A_177 : memref<2000xf32, #tpu.memory_space<hbm>>) target(%arg25 : memref<2000xf32, #tpu.memory_space<vmem>>) target_semaphore(%arg34 : memref<!tpu.dma_semaphore, #tpu.memory_space<semaphore_mem>>)
      %scan3A_178 = arith.constant 0 : i32
      %scan3A_179 = arith.constant 125 : i32
      %scan3A_180 = arith.addi %scan3A_178, %scan3A_179 : i32
      %scan3A_181 = arith.constant 1 : i32
      scf.for %scan3A_344 = %scan3A_178 to %scan3A_180 step %scan3A_181  : i32 {
        %mul3A_345 = arith.constant 1 : i32
        %mul3A_346 = arith.muli %scan3A_344, %mul3A_345 : i32
        %add3A_347 = arith.constant 0 : i32
        %add3A_348 = arith.addi %add3A_347, %mul3A_346 : i32
        %mul3A_349 = arith.constant 16 : i32
        %mul3A_350 = arith.muli %add3A_348, %mul3A_349 : i32
        %get3A = arith.index_cast %mul3A_350 : i32 to index
        %get3A_351 = tpu.vector_load %arg14[%get3A] {strides = array<i32>} : memref<2000xf32, #tpu.memory_space<vmem>>, vector<16xf32>,
        %gt3A = arith.constant -5.000000e+08 : f32
        %gt3A_352 = vector.broadcast %gt3A : f32 to vector<16xf32>
        %gt3A_353 = arith.cmpf ogt, %get3A_351, %gt3A_352 : vector<16xf32>
        %jit3A = arith.constant 1 : i32
        %jit3A_354 = arith.constant 0 : i32
        %broadcast_in_dim3A_355 = vector.broadcast %jit3A : i32 to vector<16xi32>
        %broadcast_in_dim3A_356 = vector.broadcast %jit3A_354 : i32 to vector<16xi32>
        %select_n3A = arith.select %gt3A_353, %broadcast_in_dim3A_355, %broadcast_in_dim3A_356 : vector<16xi1>, vector<16xi32>
        %broadcast_in_dim3A_357 = arith.constant true
        %broadcast_in_dim3A_358 = vector.broadcast %broadcast_in_dim3A_357 : i1 to vector<16xi1>
        %masked_cumsum3A = tpu.scan <sum>, %select_n3A masked %broadcast_in_dim3A_358 : vector<16xi32>, vector<16xi1> -> vector<16xi32>
        %get3A_359 = arith.constant 0 : index
        %get3A_360 = tpu.vector_load %arg32[%get3A_359] {strides = array<i32>} : memref<16xi32, #tpu.memory_space<vmem>>, vector<16xi32>,
        %add3A_361 = arith.addi %get3A_360, %masked_cumsum3A : vector<16xi32>
        %sub3A = arith.constant 1 : i32
        %sub3A_362 = vector.broadcast %sub3A : i32 to vector<16xi32>
        %sub3A_363 = arith.subi %add3A_361, %sub3A_362 : vector<16xi32>
        tpu.vector_store_idx %arg26[%sub3A_363], %get3A_351 masked %gt3A_353 : memref<6144xf32, #tpu.memory_space<vmem>>[vector<16xi32>], vector<16xf32>, vector<16xi1>
        %get3A_364 = arith.index_cast %mul3A_350 : i32 to index
        %get3A_365 = tpu.vector_load %arg15[%get3A_364] {strides = array<i32>} : memref<2000xf32, #tpu.memory_space<vmem>>, vector<16xf32>,
        tpu.vector_store_idx %arg27[%sub3A_363], %get3A_365 masked %gt3A_353 : memref<6144xf32, #tpu.memory_space<vmem>>[vector<16xi32>], vector<16xf32>, vector<16xi1>
        %get3A_366 = arith.index_cast %mul3A_350 : i32 to index
        %get3A_367 = tpu.vector_load %arg16[%get3A_366] {strides = array<i32>} : memref<2000xf32, #tpu.memory_space<vmem>>, vector<16xf32>,
        tpu.vector_store_idx %arg28[%sub3A_363], %get3A_367 masked %gt3A_353 : memref<6144xf32, #tpu.memory_space<vmem>>[vector<16xi32>], vector<16xf32>, vector<16xi1>
        %get3A_368 = arith.index_cast %mul3A_350 : i32 to index
        %get3A_369 = tpu.vector_load %arg17[%get3A_368] {strides = array<i32>} : memref<2000xf32, #tpu.memory_space<vmem>>, vector<16xf32>,
        tpu.vector_store_idx %arg29[%sub3A_363], %get3A_369 masked %gt3A_353 : memref<6144xf32, #tpu.memory_space<vmem>>[vector<16xi32>], vector<16xf32>, vector<16xi1>
        %get3A_370 = arith.index_cast %mul3A_350 : i32 to index
        %get3A_371 = tpu.vector_load %arg18[%get3A_370] {strides = array<i32>} : memref<2000xf32, #tpu.memory_space<vmem>>, vector<16xf32>,
        tpu.vector_store_idx %arg30[%sub3A_363], %get3A_371 masked %gt3A_353 : memref<6144xf32, #tpu.memory_space<vmem>>[vector<16xi32>], vector<16xf32>, vector<16xi1>
        %get3A_372 = arith.index_cast %mul3A_350 : i32 to index
        %get3A_373 = tpu.vector_load %arg19[%get3A_372] {strides = array<i32>} : memref<2000xf32, #tpu.memory_space<vmem>>, vector<16xf32>,
        tpu.vector_store_idx %arg31[%sub3A_363], %get3A_373 masked %gt3A_353 : memref<6144xf32, #tpu.memory_space<vmem>>[vector<16xi32>], vector<16xf32>, vector<16xi1>
        %all_reduce_population_count3A = tpu.all_reduce %gt3A_353 {dim = 0 : i64, kind = #tpu.reduction_kind<sum>} : vector<16xi1> -> vector<16xi32>
        %add3A_374 = arith.addi %get3A_360, %all_reduce_population_count3A : vector<16xi32>
        %swap3A_375 = arith.constant 0 : index
        %swap3A_376 = tpu.vector_load %arg32[%swap3A_375] {strides = array<i32>} : memref<16xi32, #tpu.memory_space<vmem>>, vector<16xi32>,
        tpu.vector_store %arg32[%swap3A_375], %add3A_374 {strides = array<i32>} : memref<16xi32, #tpu.memory_space<vmem>>, vector<16xi32>,
      }
      %scan3A_182 = arith.constant 125 : i32
      %dma_wait3A_183 = tpu.memref_slice %arg2[%add3A_165] : memref<160000xf32, #tpu.memory_space<hbm>> -> memref<2000xf32, #tpu.memory_space<hbm>>
      %dma_wait3A_184 = tpu.memref_slice %arg2[%add3A_165] : memref<160000xf32, #tpu.memory_space<hbm>> -> memref<2000xf32, #tpu.memory_space<hbm>>
      tpu.wait_dma2 semaphore(%arg34 : memref<!tpu.dma_semaphore, #tpu.memory_space<semaphore_mem>>) src(%dma_wait3A_184 : memref<2000xf32, #tpu.memory_space<hbm>>) dst(%arg20 : memref<2000xf32, #tpu.memory_space<vmem>>)
      %dma_wait3A_185 = tpu.memref_slice %arg3[%add3A_165] : memref<160000xf32, #tpu.memory_space<hbm>> -> memref<2000xf32, #tpu.memory_space<hbm>>
      %dma_wait3A_186 = tpu.memref_slice %arg3[%add3A_165] : memref<160000xf32, #tpu.memory_space<hbm>> -> memref<2000xf32, #tpu.memory_space<hbm>>
      tpu.wait_dma2 semaphore(%arg34 : memref<!tpu.dma_semaphore, #tpu.memory_space<semaphore_mem>>) src(%dma_wait3A_186 : memref<2000xf32, #tpu.memory_space<hbm>>) dst(%arg21 : memref<2000xf32, #tpu.memory_space<vmem>>)
      %dma_wait3A_187 = tpu.memref_slice %arg4[%add3A_165] : memref<160000xf32, #tpu.memory_space<hbm>> -> memref<2000xf32, #tpu.memory_space<hbm>>
      %dma_wait3A_188 = tpu.memref_slice %arg4[%add3A_165] : memref<160000xf32, #tpu.memory_space<hbm>> -> memref<2000xf32, #tpu.memory_space<hbm>>
      tpu.wait_dma2 semaphore(%arg34 : memref<!tpu.dma_semaphore, #tpu.memory_space<semaphore_mem>>) src(%dma_wait3A_188 : memref<2000xf32, #tpu.memory_space<hbm>>) dst(%arg22 : memref<2000xf32, #tpu.memory_space<vmem>>)
      %dma_wait3A_189 = tpu.memref_slice %arg5[%add3A_165] : memref<160000xf32, #tpu.memory_space<hbm>> -> memref<2000xf32, #tpu.memory_space<hbm>>
      %dma_wait3A_190 = tpu.memref_slice %arg5[%add3A_165] : memref<160000xf32, #tpu.memory_space<hbm>> -> memref<2000xf32, #tpu.memory_space<hbm>>
      tpu.wait_dma2 semaphore(%arg34 : memref<!tpu.dma_semaphore, #tpu.memory_space<semaphore_mem>>) src(%dma_wait3A_190 : memref<2000xf32, #tpu.memory_space<hbm>>) dst(%arg23 : memref<2000xf32, #tpu.memory_space<vmem>>)
      %dma_wait3A_191 = tpu.memref_slice %arg6[%add3A_165] : memref<160000xf32, #tpu.memory_space<hbm>> -> memref<2000xf32, #tpu.memory_space<hbm>>
      %dma_wait3A_192 = tpu.memref_slice %arg6[%add3A_165] : memref<160000xf32, #tpu.memory_space<hbm>> -> memref<2000xf32, #tpu.memory_space<hbm>>
      tpu.wait_dma2 semaphore(%arg34 : memref<!tpu.dma_semaphore, #tpu.memory_space<semaphore_mem>>) src(%dma_wait3A_192 : memref<2000xf32, #tpu.memory_space<hbm>>) dst(%arg24 : memref<2000xf32, #tpu.memory_space<vmem>>)
      %dma_wait3A_193 = tpu.memref_slice %arg7[%add3A_165] : memref<160000xf32, #tpu.memory_space<hbm>> -> memref<2000xf32, #tpu.memory_space<hbm>>
      %dma_wait3A_194 = tpu.memref_slice %arg7[%add3A_165] : memref<160000xf32, #tpu.memory_space<hbm>> -> memref<2000xf32, #tpu.memory_space<hbm>>
      tpu.wait_dma2 semaphore(%arg34 : memref<!tpu.dma_semaphore, #tpu.memory_space<semaphore_mem>>) src(%dma_wait3A_194 : memref<2000xf32, #tpu.memory_space<hbm>>) dst(%arg25 : memref<2000xf32, #tpu.memory_space<vmem>>)
      %mul3A_195 = arith.constant 20000 : i32
      %mul3A_196 = arith.muli %add3A, %mul3A_195 : i32
      %add3A_197 = arith.constant 12000 : i32
      %add3A_198 = arith.addi %mul3A_196, %add3A_197 : i32
      %dma_start3A_199 = tpu.memref_slice %arg2[%add3A_198] : memref<160000xf32, #tpu.memory_space<hbm>> -> memref<2000xf32, #tpu.memory_space<hbm>>
      %dma_start3A_200 = tpu.memref_slice %arg2[%add3A_198] : memref<160000xf32, #tpu.memory_space<hbm>> -> memref<2000xf32, #tpu.memory_space<hbm>>
      tpu.enqueue_dma source(%dma_start3A_200 : memref<2000xf32, #tpu.memory_space<hbm>>) target(%arg14 : memref<2000xf32, #tpu.memory_space<vmem>>) target_semaphore(%arg33 : memref<!tpu.dma_semaphore, #tpu.memory_space<semaphore_mem>>)
      %dma_start3A_201 = tpu.memref_slice %arg3[%add3A_198] : memref<160000xf32, #tpu.memory_space<hbm>> -> memref<2000xf32, #tpu.memory_space<hbm>>
      %dma_start3A_202 = tpu.memref_slice %arg3[%add3A_198] : memref<160000xf32, #tpu.memory_space<hbm>> -> memref<2000xf32, #tpu.memory_space<hbm>>
      tpu.enqueue_dma source(%dma_start3A_202 : memref<2000xf32, #tpu.memory_space<hbm>>) target(%arg15 : memref<2000xf32, #tpu.memory_space<vmem>>) target_semaphore(%arg33 : memref<!tpu.dma_semaphore, #tpu.memory_space<semaphore_mem>>)
      %dma_start3A_203 = tpu.memref_slice %arg4[%add3A_198] : memref<160000xf32, #tpu.memory_space<hbm>> -> memref<2000xf32, #tpu.memory_space<hbm>>
      %dma_start3A_204 = tpu.memref_slice %arg4[%add3A_198] : memref<160000xf32, #tpu.memory_space<hbm>> -> memref<2000xf32, #tpu.memory_space<hbm>>
      tpu.enqueue_dma source(%dma_start3A_204 : memref<2000xf32, #tpu.memory_space<hbm>>) target(%arg16 : memref<2000xf32, #tpu.memory_space<vmem>>) target_semaphore(%arg33 : memref<!tpu.dma_semaphore, #tpu.memory_space<semaphore_mem>>)
      %dma_start3A_205 = tpu.memref_slice %arg5[%add3A_198] : memref<160000xf32, #tpu.memory_space<hbm>> -> memref<2000xf32, #tpu.memory_space<hbm>>
      %dma_start3A_206 = tpu.memref_slice %arg5[%add3A_198] : memref<160000xf32, #tpu.memory_space<hbm>> -> memref<2000xf32, #tpu.memory_space<hbm>>
      tpu.enqueue_dma source(%dma_start3A_206 : memref<2000xf32, #tpu.memory_space<hbm>>) target(%arg17 : memref<2000xf32, #tpu.memory_space<vmem>>) target_semaphore(%arg33 : memref<!tpu.dma_semaphore, #tpu.memory_space<semaphore_mem>>)
      %dma_start3A_207 = tpu.memref_slice %arg6[%add3A_198] : memref<160000xf32, #tpu.memory_space<hbm>> -> memref<2000xf32, #tpu.memory_space<hbm>>
      %dma_start3A_208 = tpu.memref_slice %arg6[%add3A_198] : memref<160000xf32, #tpu.memory_space<hbm>> -> memref<2000xf32, #tpu.memory_space<hbm>>
      tpu.enqueue_dma source(%dma_start3A_208 : memref<2000xf32, #tpu.memory_space<hbm>>) target(%arg18 : memref<2000xf32, #tpu.memory_space<vmem>>) target_semaphore(%arg33 : memref<!tpu.dma_semaphore, #tpu.memory_space<semaphore_mem>>)
      %dma_start3A_209 = tpu.memref_slice %arg7[%add3A_198] : memref<160000xf32, #tpu.memory_space<hbm>> -> memref<2000xf32, #tpu.memory_space<hbm>>
      %dma_start3A_210 = tpu.memref_slice %arg7[%add3A_198] : memref<160000xf32, #tpu.memory_space<hbm>> -> memref<2000xf32, #tpu.memory_space<hbm>>
      tpu.enqueue_dma source(%dma_start3A_210 : memref<2000xf32, #tpu.memory_space<hbm>>) target(%arg19 : memref<2000xf32, #tpu.memory_space<vmem>>) target_semaphore(%arg33 : memref<!tpu.dma_semaphore, #tpu.memory_space<semaphore_mem>>)
      %scan3A_211 = arith.constant 0 : i32
      %scan3A_212 = arith.constant 125 : i32
      %scan3A_213 = arith.addi %scan3A_211, %scan3A_212 : i32
      %scan3A_214 = arith.constant 1 : i32
      scf.for %scan3A_344 = %scan3A_211 to %scan3A_213 step %scan3A_214  : i32 {
        %mul3A_345 = arith.constant 1 : i32
        %mul3A_346 = arith.muli %scan3A_344, %mul3A_345 : i32
        %add3A_347 = arith.constant 0 : i32
        %add3A_348 = arith.addi %add3A_347, %mul3A_346 : i32
        %mul3A_349 = arith.constant 16 : i32
        %mul3A_350 = arith.muli %add3A_348, %mul3A_349 : i32
        %get3A = arith.index_cast %mul3A_350 : i32 to index
        %get3A_351 = tpu.vector_load %arg20[%get3A] {strides = array<i32>} : memref<2000xf32, #tpu.memory_space<vmem>>, vector<16xf32>,
        %gt3A = arith.constant -5.000000e+08 : f32
        %gt3A_352 = vector.broadcast %gt3A : f32 to vector<16xf32>
        %gt3A_353 = arith.cmpf ogt, %get3A_351, %gt3A_352 : vector<16xf32>
        %jit3A = arith.constant 1 : i32
        %jit3A_354 = arith.constant 0 : i32
        %broadcast_in_dim3A_355 = vector.broadcast %jit3A : i32 to vector<16xi32>
        %broadcast_in_dim3A_356 = vector.broadcast %jit3A_354 : i32 to vector<16xi32>
        %select_n3A = arith.select %gt3A_353, %broadcast_in_dim3A_355, %broadcast_in_dim3A_356 : vector<16xi1>, vector<16xi32>
        %broadcast_in_dim3A_357 = arith.constant true
        %broadcast_in_dim3A_358 = vector.broadcast %broadcast_in_dim3A_357 : i1 to vector<16xi1>
        %masked_cumsum3A = tpu.scan <sum>, %select_n3A masked %broadcast_in_dim3A_358 : vector<16xi32>, vector<16xi1> -> vector<16xi32>
        %get3A_359 = arith.constant 0 : index
        %get3A_360 = tpu.vector_load %arg32[%get3A_359] {strides = array<i32>} : memref<16xi32, #tpu.memory_space<vmem>>, vector<16xi32>,
        %add3A_361 = arith.addi %get3A_360, %masked_cumsum3A : vector<16xi32>
        %sub3A = arith.constant 1 : i32
        %sub3A_362 = vector.broadcast %sub3A : i32 to vector<16xi32>
        %sub3A_363 = arith.subi %add3A_361, %sub3A_362 : vector<16xi32>
        tpu.vector_store_idx %arg26[%sub3A_363], %get3A_351 masked %gt3A_353 : memref<6144xf32, #tpu.memory_space<vmem>>[vector<16xi32>], vector<16xf32>, vector<16xi1>
        %get3A_364 = arith.index_cast %mul3A_350 : i32 to index
        %get3A_365 = tpu.vector_load %arg21[%get3A_364] {strides = array<i32>} : memref<2000xf32, #tpu.memory_space<vmem>>, vector<16xf32>,
        tpu.vector_store_idx %arg27[%sub3A_363], %get3A_365 masked %gt3A_353 : memref<6144xf32, #tpu.memory_space<vmem>>[vector<16xi32>], vector<16xf32>, vector<16xi1>
        %get3A_366 = arith.index_cast %mul3A_350 : i32 to index
        %get3A_367 = tpu.vector_load %arg22[%get3A_366] {strides = array<i32>} : memref<2000xf32, #tpu.memory_space<vmem>>, vector<16xf32>,
        tpu.vector_store_idx %arg28[%sub3A_363], %get3A_367 masked %gt3A_353 : memref<6144xf32, #tpu.memory_space<vmem>>[vector<16xi32>], vector<16xf32>, vector<16xi1>
        %get3A_368 = arith.index_cast %mul3A_350 : i32 to index
        %get3A_369 = tpu.vector_load %arg23[%get3A_368] {strides = array<i32>} : memref<2000xf32, #tpu.memory_space<vmem>>, vector<16xf32>,
        tpu.vector_store_idx %arg29[%sub3A_363], %get3A_369 masked %gt3A_353 : memref<6144xf32, #tpu.memory_space<vmem>>[vector<16xi32>], vector<16xf32>, vector<16xi1>
        %get3A_370 = arith.index_cast %mul3A_350 : i32 to index
        %get3A_371 = tpu.vector_load %arg24[%get3A_370] {strides = array<i32>} : memref<2000xf32, #tpu.memory_space<vmem>>, vector<16xf32>,
        tpu.vector_store_idx %arg30[%sub3A_363], %get3A_371 masked %gt3A_353 : memref<6144xf32, #tpu.memory_space<vmem>>[vector<16xi32>], vector<16xf32>, vector<16xi1>
        %get3A_372 = arith.index_cast %mul3A_350 : i32 to index
        %get3A_373 = tpu.vector_load %arg25[%get3A_372] {strides = array<i32>} : memref<2000xf32, #tpu.memory_space<vmem>>, vector<16xf32>,
        tpu.vector_store_idx %arg31[%sub3A_363], %get3A_373 masked %gt3A_353 : memref<6144xf32, #tpu.memory_space<vmem>>[vector<16xi32>], vector<16xf32>, vector<16xi1>
        %all_reduce_population_count3A = tpu.all_reduce %gt3A_353 {dim = 0 : i64, kind = #tpu.reduction_kind<sum>} : vector<16xi1> -> vector<16xi32>
        %add3A_374 = arith.addi %get3A_360, %all_reduce_population_count3A : vector<16xi32>
        %swap3A_375 = arith.constant 0 : index
        %swap3A_376 = tpu.vector_load %arg32[%swap3A_375] {strides = array<i32>} : memref<16xi32, #tpu.memory_space<vmem>>, vector<16xi32>,
        tpu.vector_store %arg32[%swap3A_375], %add3A_374 {strides = array<i32>} : memref<16xi32, #tpu.memory_space<vmem>>, vector<16xi32>,
      }
      %scan3A_215 = arith.constant 125 : i32
      %dma_wait3A_216 = tpu.memref_slice %arg2[%add3A_198] : memref<160000xf32, #tpu.memory_space<hbm>> -> memref<2000xf32, #tpu.memory_space<hbm>>
      %dma_wait3A_217 = tpu.memref_slice %arg2[%add3A_198] : memref<160000xf32, #tpu.memory_space<hbm>> -> memref<2000xf32, #tpu.memory_space<hbm>>
      tpu.wait_dma2 semaphore(%arg33 : memref<!tpu.dma_semaphore, #tpu.memory_space<semaphore_mem>>) src(%dma_wait3A_217 : memref<2000xf32, #tpu.memory_space<hbm>>) dst(%arg14 : memref<2000xf32, #tpu.memory_space<vmem>>)
      %dma_wait3A_218 = tpu.memref_slice %arg3[%add3A_198] : memref<160000xf32, #tpu.memory_space<hbm>> -> memref<2000xf32, #tpu.memory_space<hbm>>
      %dma_wait3A_219 = tpu.memref_slice %arg3[%add3A_198] : memref<160000xf32, #tpu.memory_space<hbm>> -> memref<2000xf32, #tpu.memory_space<hbm>>
      tpu.wait_dma2 semaphore(%arg33 : memref<!tpu.dma_semaphore, #tpu.memory_space<semaphore_mem>>) src(%dma_wait3A_219 : memref<2000xf32, #tpu.memory_space<hbm>>) dst(%arg15 : memref<2000xf32, #tpu.memory_space<vmem>>)
      %dma_wait3A_220 = tpu.memref_slice %arg4[%add3A_198] : memref<160000xf32, #tpu.memory_space<hbm>> -> memref<2000xf32, #tpu.memory_space<hbm>>
      %dma_wait3A_221 = tpu.memref_slice %arg4[%add3A_198] : memref<160000xf32, #tpu.memory_space<hbm>> -> memref<2000xf32, #tpu.memory_space<hbm>>
      tpu.wait_dma2 semaphore(%arg33 : memref<!tpu.dma_semaphore, #tpu.memory_space<semaphore_mem>>) src(%dma_wait3A_221 : memref<2000xf32, #tpu.memory_space<hbm>>) dst(%arg16 : memref<2000xf32, #tpu.memory_space<vmem>>)
      %dma_wait3A_222 = tpu.memref_slice %arg5[%add3A_198] : memref<160000xf32, #tpu.memory_space<hbm>> -> memref<2000xf32, #tpu.memory_space<hbm>>
      %dma_wait3A_223 = tpu.memref_slice %arg5[%add3A_198] : memref<160000xf32, #tpu.memory_space<hbm>> -> memref<2000xf32, #tpu.memory_space<hbm>>
      tpu.wait_dma2 semaphore(%arg33 : memref<!tpu.dma_semaphore, #tpu.memory_space<semaphore_mem>>) src(%dma_wait3A_223 : memref<2000xf32, #tpu.memory_space<hbm>>) dst(%arg17 : memref<2000xf32, #tpu.memory_space<vmem>>)
      %dma_wait3A_224 = tpu.memref_slice %arg6[%add3A_198] : memref<160000xf32, #tpu.memory_space<hbm>> -> memref<2000xf32, #tpu.memory_space<hbm>>
      %dma_wait3A_225 = tpu.memref_slice %arg6[%add3A_198] : memref<160000xf32, #tpu.memory_space<hbm>> -> memref<2000xf32, #tpu.memory_space<hbm>>
      tpu.wait_dma2 semaphore(%arg33 : memref<!tpu.dma_semaphore, #tpu.memory_space<semaphore_mem>>) src(%dma_wait3A_225 : memref<2000xf32, #tpu.memory_space<hbm>>) dst(%arg18 : memref<2000xf32, #tpu.memory_space<vmem>>)
      %dma_wait3A_226 = tpu.memref_slice %arg7[%add3A_198] : memref<160000xf32, #tpu.memory_space<hbm>> -> memref<2000xf32, #tpu.memory_space<hbm>>
      %dma_wait3A_227 = tpu.memref_slice %arg7[%add3A_198] : memref<160000xf32, #tpu.memory_space<hbm>> -> memref<2000xf32, #tpu.memory_space<hbm>>
      tpu.wait_dma2 semaphore(%arg33 : memref<!tpu.dma_semaphore, #tpu.memory_space<semaphore_mem>>) src(%dma_wait3A_227 : memref<2000xf32, #tpu.memory_space<hbm>>) dst(%arg19 : memref<2000xf32, #tpu.memory_space<vmem>>)
      %mul3A_228 = arith.constant 20000 : i32
      %mul3A_229 = arith.muli %add3A, %mul3A_228 : i32
      %add3A_230 = arith.constant 14000 : i32
      %add3A_231 = arith.addi %mul3A_229, %add3A_230 : i32
      %dma_start3A_232 = tpu.memref_slice %arg2[%add3A_231] : memref<160000xf32, #tpu.memory_space<hbm>> -> memref<2000xf32, #tpu.memory_space<hbm>>
      %dma_start3A_233 = tpu.memref_slice %arg2[%add3A_231] : memref<160000xf32, #tpu.memory_space<hbm>> -> memref<2000xf32, #tpu.memory_space<hbm>>
      tpu.enqueue_dma source(%dma_start3A_233 : memref<2000xf32, #tpu.memory_space<hbm>>) target(%arg20 : memref<2000xf32, #tpu.memory_space<vmem>>) target_semaphore(%arg34 : memref<!tpu.dma_semaphore, #tpu.memory_space<semaphore_mem>>)
      %dma_start3A_234 = tpu.memref_slice %arg3[%add3A_231] : memref<160000xf32, #tpu.memory_space<hbm>> -> memref<2000xf32, #tpu.memory_space<hbm>>
      %dma_start3A_235 = tpu.memref_slice %arg3[%add3A_231] : memref<160000xf32, #tpu.memory_space<hbm>> -> memref<2000xf32, #tpu.memory_space<hbm>>
      tpu.enqueue_dma source(%dma_start3A_235 : memref<2000xf32, #tpu.memory_space<hbm>>) target(%arg21 : memref<2000xf32, #tpu.memory_space<vmem>>) target_semaphore(%arg34 : memref<!tpu.dma_semaphore, #tpu.memory_space<semaphore_mem>>)
      %dma_start3A_236 = tpu.memref_slice %arg4[%add3A_231] : memref<160000xf32, #tpu.memory_space<hbm>> -> memref<2000xf32, #tpu.memory_space<hbm>>
      %dma_start3A_237 = tpu.memref_slice %arg4[%add3A_231] : memref<160000xf32, #tpu.memory_space<hbm>> -> memref<2000xf32, #tpu.memory_space<hbm>>
      tpu.enqueue_dma source(%dma_start3A_237 : memref<2000xf32, #tpu.memory_space<hbm>>) target(%arg22 : memref<2000xf32, #tpu.memory_space<vmem>>) target_semaphore(%arg34 : memref<!tpu.dma_semaphore, #tpu.memory_space<semaphore_mem>>)
      %dma_start3A_238 = tpu.memref_slice %arg5[%add3A_231] : memref<160000xf32, #tpu.memory_space<hbm>> -> memref<2000xf32, #tpu.memory_space<hbm>>
      %dma_start3A_239 = tpu.memref_slice %arg5[%add3A_231] : memref<160000xf32, #tpu.memory_space<hbm>> -> memref<2000xf32, #tpu.memory_space<hbm>>
      tpu.enqueue_dma source(%dma_start3A_239 : memref<2000xf32, #tpu.memory_space<hbm>>) target(%arg23 : memref<2000xf32, #tpu.memory_space<vmem>>) target_semaphore(%arg34 : memref<!tpu.dma_semaphore, #tpu.memory_space<semaphore_mem>>)
      %dma_start3A_240 = tpu.memref_slice %arg6[%add3A_231] : memref<160000xf32, #tpu.memory_space<hbm>> -> memref<2000xf32, #tpu.memory_space<hbm>>
      %dma_start3A_241 = tpu.memref_slice %arg6[%add3A_231] : memref<160000xf32, #tpu.memory_space<hbm>> -> memref<2000xf32, #tpu.memory_space<hbm>>
      tpu.enqueue_dma source(%dma_start3A_241 : memref<2000xf32, #tpu.memory_space<hbm>>) target(%arg24 : memref<2000xf32, #tpu.memory_space<vmem>>) target_semaphore(%arg34 : memref<!tpu.dma_semaphore, #tpu.memory_space<semaphore_mem>>)
      %dma_start3A_242 = tpu.memref_slice %arg7[%add3A_231] : memref<160000xf32, #tpu.memory_space<hbm>> -> memref<2000xf32, #tpu.memory_space<hbm>>
      %dma_start3A_243 = tpu.memref_slice %arg7[%add3A_231] : memref<160000xf32, #tpu.memory_space<hbm>> -> memref<2000xf32, #tpu.memory_space<hbm>>
      tpu.enqueue_dma source(%dma_start3A_243 : memref<2000xf32, #tpu.memory_space<hbm>>) target(%arg25 : memref<2000xf32, #tpu.memory_space<vmem>>) target_semaphore(%arg34 : memref<!tpu.dma_semaphore, #tpu.memory_space<semaphore_mem>>)
      %scan3A_244 = arith.constant 0 : i32
      %scan3A_245 = arith.constant 125 : i32
      %scan3A_246 = arith.addi %scan3A_244, %scan3A_245 : i32
      %scan3A_247 = arith.constant 1 : i32
      scf.for %scan3A_344 = %scan3A_244 to %scan3A_246 step %scan3A_247  : i32 {
        %mul3A_345 = arith.constant 1 : i32
        %mul3A_346 = arith.muli %scan3A_344, %mul3A_345 : i32
        %add3A_347 = arith.constant 0 : i32
        %add3A_348 = arith.addi %add3A_347, %mul3A_346 : i32
        %mul3A_349 = arith.constant 16 : i32
        %mul3A_350 = arith.muli %add3A_348, %mul3A_349 : i32
        %get3A = arith.index_cast %mul3A_350 : i32 to index
        %get3A_351 = tpu.vector_load %arg14[%get3A] {strides = array<i32>} : memref<2000xf32, #tpu.memory_space<vmem>>, vector<16xf32>,
        %gt3A = arith.constant -5.000000e+08 : f32
        %gt3A_352 = vector.broadcast %gt3A : f32 to vector<16xf32>
        %gt3A_353 = arith.cmpf ogt, %get3A_351, %gt3A_352 : vector<16xf32>
        %jit3A = arith.constant 1 : i32
        %jit3A_354 = arith.constant 0 : i32
        %broadcast_in_dim3A_355 = vector.broadcast %jit3A : i32 to vector<16xi32>
        %broadcast_in_dim3A_356 = vector.broadcast %jit3A_354 : i32 to vector<16xi32>
        %select_n3A = arith.select %gt3A_353, %broadcast_in_dim3A_355, %broadcast_in_dim3A_356 : vector<16xi1>, vector<16xi32>
        %broadcast_in_dim3A_357 = arith.constant true
        %broadcast_in_dim3A_358 = vector.broadcast %broadcast_in_dim3A_357 : i1 to vector<16xi1>
        %masked_cumsum3A = tpu.scan <sum>, %select_n3A masked %broadcast_in_dim3A_358 : vector<16xi32>, vector<16xi1> -> vector<16xi32>
        %get3A_359 = arith.constant 0 : index
        %get3A_360 = tpu.vector_load %arg32[%get3A_359] {strides = array<i32>} : memref<16xi32, #tpu.memory_space<vmem>>, vector<16xi32>,
        %add3A_361 = arith.addi %get3A_360, %masked_cumsum3A : vector<16xi32>
        %sub3A = arith.constant 1 : i32
        %sub3A_362 = vector.broadcast %sub3A : i32 to vector<16xi32>
        %sub3A_363 = arith.subi %add3A_361, %sub3A_362 : vector<16xi32>
        tpu.vector_store_idx %arg26[%sub3A_363], %get3A_351 masked %gt3A_353 : memref<6144xf32, #tpu.memory_space<vmem>>[vector<16xi32>], vector<16xf32>, vector<16xi1>
        %get3A_364 = arith.index_cast %mul3A_350 : i32 to index
        %get3A_365 = tpu.vector_load %arg15[%get3A_364] {strides = array<i32>} : memref<2000xf32, #tpu.memory_space<vmem>>, vector<16xf32>,
        tpu.vector_store_idx %arg27[%sub3A_363], %get3A_365 masked %gt3A_353 : memref<6144xf32, #tpu.memory_space<vmem>>[vector<16xi32>], vector<16xf32>, vector<16xi1>
        %get3A_366 = arith.index_cast %mul3A_350 : i32 to index
        %get3A_367 = tpu.vector_load %arg16[%get3A_366] {strides = array<i32>} : memref<2000xf32, #tpu.memory_space<vmem>>, vector<16xf32>,
        tpu.vector_store_idx %arg28[%sub3A_363], %get3A_367 masked %gt3A_353 : memref<6144xf32, #tpu.memory_space<vmem>>[vector<16xi32>], vector<16xf32>, vector<16xi1>
        %get3A_368 = arith.index_cast %mul3A_350 : i32 to index
        %get3A_369 = tpu.vector_load %arg17[%get3A_368] {strides = array<i32>} : memref<2000xf32, #tpu.memory_space<vmem>>, vector<16xf32>,
        tpu.vector_store_idx %arg29[%sub3A_363], %get3A_369 masked %gt3A_353 : memref<6144xf32, #tpu.memory_space<vmem>>[vector<16xi32>], vector<16xf32>, vector<16xi1>
        %get3A_370 = arith.index_cast %mul3A_350 : i32 to index
        %get3A_371 = tpu.vector_load %arg18[%get3A_370] {strides = array<i32>} : memref<2000xf32, #tpu.memory_space<vmem>>, vector<16xf32>,
        tpu.vector_store_idx %arg30[%sub3A_363], %get3A_371 masked %gt3A_353 : memref<6144xf32, #tpu.memory_space<vmem>>[vector<16xi32>], vector<16xf32>, vector<16xi1>
        %get3A_372 = arith.index_cast %mul3A_350 : i32 to index
        %get3A_373 = tpu.vector_load %arg19[%get3A_372] {strides = array<i32>} : memref<2000xf32, #tpu.memory_space<vmem>>, vector<16xf32>,
        tpu.vector_store_idx %arg31[%sub3A_363], %get3A_373 masked %gt3A_353 : memref<6144xf32, #tpu.memory_space<vmem>>[vector<16xi32>], vector<16xf32>, vector<16xi1>
        %all_reduce_population_count3A = tpu.all_reduce %gt3A_353 {dim = 0 : i64, kind = #tpu.reduction_kind<sum>} : vector<16xi1> -> vector<16xi32>
        %add3A_374 = arith.addi %get3A_360, %all_reduce_population_count3A : vector<16xi32>
        %swap3A_375 = arith.constant 0 : index
        %swap3A_376 = tpu.vector_load %arg32[%swap3A_375] {strides = array<i32>} : memref<16xi32, #tpu.memory_space<vmem>>, vector<16xi32>,
        tpu.vector_store %arg32[%swap3A_375], %add3A_374 {strides = array<i32>} : memref<16xi32, #tpu.memory_space<vmem>>, vector<16xi32>,
      }
      %scan3A_248 = arith.constant 125 : i32
      %dma_wait3A_249 = tpu.memref_slice %arg2[%add3A_231] : memref<160000xf32, #tpu.memory_space<hbm>> -> memref<2000xf32, #tpu.memory_space<hbm>>
      %dma_wait3A_250 = tpu.memref_slice %arg2[%add3A_231] : memref<160000xf32, #tpu.memory_space<hbm>> -> memref<2000xf32, #tpu.memory_space<hbm>>
      tpu.wait_dma2 semaphore(%arg34 : memref<!tpu.dma_semaphore, #tpu.memory_space<semaphore_mem>>) src(%dma_wait3A_250 : memref<2000xf32, #tpu.memory_space<hbm>>) dst(%arg20 : memref<2000xf32, #tpu.memory_space<vmem>>)
      %dma_wait3A_251 = tpu.memref_slice %arg3[%add3A_231] : memref<160000xf32, #tpu.memory_space<hbm>> -> memref<2000xf32, #tpu.memory_space<hbm>>
      %dma_wait3A_252 = tpu.memref_slice %arg3[%add3A_231] : memref<160000xf32, #tpu.memory_space<hbm>> -> memref<2000xf32, #tpu.memory_space<hbm>>
      tpu.wait_dma2 semaphore(%arg34 : memref<!tpu.dma_semaphore, #tpu.memory_space<semaphore_mem>>) src(%dma_wait3A_252 : memref<2000xf32, #tpu.memory_space<hbm>>) dst(%arg21 : memref<2000xf32, #tpu.memory_space<vmem>>)
      %dma_wait3A_253 = tpu.memref_slice %arg4[%add3A_231] : memref<160000xf32, #tpu.memory_space<hbm>> -> memref<2000xf32, #tpu.memory_space<hbm>>
      %dma_wait3A_254 = tpu.memref_slice %arg4[%add3A_231] : memref<160000xf32, #tpu.memory_space<hbm>> -> memref<2000xf32, #tpu.memory_space<hbm>>
      tpu.wait_dma2 semaphore(%arg34 : memref<!tpu.dma_semaphore, #tpu.memory_space<semaphore_mem>>) src(%dma_wait3A_254 : memref<2000xf32, #tpu.memory_space<hbm>>) dst(%arg22 : memref<2000xf32, #tpu.memory_space<vmem>>)
      %dma_wait3A_255 = tpu.memref_slice %arg5[%add3A_231] : memref<160000xf32, #tpu.memory_space<hbm>> -> memref<2000xf32, #tpu.memory_space<hbm>>
      %dma_wait3A_256 = tpu.memref_slice %arg5[%add3A_231] : memref<160000xf32, #tpu.memory_space<hbm>> -> memref<2000xf32, #tpu.memory_space<hbm>>
      tpu.wait_dma2 semaphore(%arg34 : memref<!tpu.dma_semaphore, #tpu.memory_space<semaphore_mem>>) src(%dma_wait3A_256 : memref<2000xf32, #tpu.memory_space<hbm>>) dst(%arg23 : memref<2000xf32, #tpu.memory_space<vmem>>)
      %dma_wait3A_257 = tpu.memref_slice %arg6[%add3A_231] : memref<160000xf32, #tpu.memory_space<hbm>> -> memref<2000xf32, #tpu.memory_space<hbm>>
      %dma_wait3A_258 = tpu.memref_slice %arg6[%add3A_231] : memref<160000xf32, #tpu.memory_space<hbm>> -> memref<2000xf32, #tpu.memory_space<hbm>>
      tpu.wait_dma2 semaphore(%arg34 : memref<!tpu.dma_semaphore, #tpu.memory_space<semaphore_mem>>) src(%dma_wait3A_258 : memref<2000xf32, #tpu.memory_space<hbm>>) dst(%arg24 : memref<2000xf32, #tpu.memory_space<vmem>>)
      %dma_wait3A_259 = tpu.memref_slice %arg7[%add3A_231] : memref<160000xf32, #tpu.memory_space<hbm>> -> memref<2000xf32, #tpu.memory_space<hbm>>
      %dma_wait3A_260 = tpu.memref_slice %arg7[%add3A_231] : memref<160000xf32, #tpu.memory_space<hbm>> -> memref<2000xf32, #tpu.memory_space<hbm>>
      tpu.wait_dma2 semaphore(%arg34 : memref<!tpu.dma_semaphore, #tpu.memory_space<semaphore_mem>>) src(%dma_wait3A_260 : memref<2000xf32, #tpu.memory_space<hbm>>) dst(%arg25 : memref<2000xf32, #tpu.memory_space<vmem>>)
      %mul3A_261 = arith.constant 20000 : i32
      %mul3A_262 = arith.muli %add3A, %mul3A_261 : i32
      %add3A_263 = arith.constant 16000 : i32
      %add3A_264 = arith.addi %mul3A_262, %add3A_263 : i32
      %dma_start3A_265 = tpu.memref_slice %arg2[%add3A_264] : memref<160000xf32, #tpu.memory_space<hbm>> -> memref<2000xf32, #tpu.memory_space<hbm>>
      %dma_start3A_266 = tpu.memref_slice %arg2[%add3A_264] : memref<160000xf32, #tpu.memory_space<hbm>> -> memref<2000xf32, #tpu.memory_space<hbm>>
      tpu.enqueue_dma source(%dma_start3A_266 : memref<2000xf32, #tpu.memory_space<hbm>>) target(%arg14 : memref<2000xf32, #tpu.memory_space<vmem>>) target_semaphore(%arg33 : memref<!tpu.dma_semaphore, #tpu.memory_space<semaphore_mem>>)
      %dma_start3A_267 = tpu.memref_slice %arg3[%add3A_264] : memref<160000xf32, #tpu.memory_space<hbm>> -> memref<2000xf32, #tpu.memory_space<hbm>>
      %dma_start3A_268 = tpu.memref_slice %arg3[%add3A_264] : memref<160000xf32, #tpu.memory_space<hbm>> -> memref<2000xf32, #tpu.memory_space<hbm>>
      tpu.enqueue_dma source(%dma_start3A_268 : memref<2000xf32, #tpu.memory_space<hbm>>) target(%arg15 : memref<2000xf32, #tpu.memory_space<vmem>>) target_semaphore(%arg33 : memref<!tpu.dma_semaphore, #tpu.memory_space<semaphore_mem>>)
      %dma_start3A_269 = tpu.memref_slice %arg4[%add3A_264] : memref<160000xf32, #tpu.memory_space<hbm>> -> memref<2000xf32, #tpu.memory_space<hbm>>
      %dma_start3A_270 = tpu.memref_slice %arg4[%add3A_264] : memref<160000xf32, #tpu.memory_space<hbm>> -> memref<2000xf32, #tpu.memory_space<hbm>>
      tpu.enqueue_dma source(%dma_start3A_270 : memref<2000xf32, #tpu.memory_space<hbm>>) target(%arg16 : memref<2000xf32, #tpu.memory_space<vmem>>) target_semaphore(%arg33 : memref<!tpu.dma_semaphore, #tpu.memory_space<semaphore_mem>>)
      %dma_start3A_271 = tpu.memref_slice %arg5[%add3A_264] : memref<160000xf32, #tpu.memory_space<hbm>> -> memref<2000xf32, #tpu.memory_space<hbm>>
      %dma_start3A_272 = tpu.memref_slice %arg5[%add3A_264] : memref<160000xf32, #tpu.memory_space<hbm>> -> memref<2000xf32, #tpu.memory_space<hbm>>
      tpu.enqueue_dma source(%dma_start3A_272 : memref<2000xf32, #tpu.memory_space<hbm>>) target(%arg17 : memref<2000xf32, #tpu.memory_space<vmem>>) target_semaphore(%arg33 : memref<!tpu.dma_semaphore, #tpu.memory_space<semaphore_mem>>)
      %dma_start3A_273 = tpu.memref_slice %arg6[%add3A_264] : memref<160000xf32, #tpu.memory_space<hbm>> -> memref<2000xf32, #tpu.memory_space<hbm>>
      %dma_start3A_274 = tpu.memref_slice %arg6[%add3A_264] : memref<160000xf32, #tpu.memory_space<hbm>> -> memref<2000xf32, #tpu.memory_space<hbm>>
      tpu.enqueue_dma source(%dma_start3A_274 : memref<2000xf32, #tpu.memory_space<hbm>>) target(%arg18 : memref<2000xf32, #tpu.memory_space<vmem>>) target_semaphore(%arg33 : memref<!tpu.dma_semaphore, #tpu.memory_space<semaphore_mem>>)
      %dma_start3A_275 = tpu.memref_slice %arg7[%add3A_264] : memref<160000xf32, #tpu.memory_space<hbm>> -> memref<2000xf32, #tpu.memory_space<hbm>>
      %dma_start3A_276 = tpu.memref_slice %arg7[%add3A_264] : memref<160000xf32, #tpu.memory_space<hbm>> -> memref<2000xf32, #tpu.memory_space<hbm>>
      tpu.enqueue_dma source(%dma_start3A_276 : memref<2000xf32, #tpu.memory_space<hbm>>) target(%arg19 : memref<2000xf32, #tpu.memory_space<vmem>>) target_semaphore(%arg33 : memref<!tpu.dma_semaphore, #tpu.memory_space<semaphore_mem>>)
      %scan3A_277 = arith.constant 0 : i32
      %scan3A_278 = arith.constant 125 : i32
      %scan3A_279 = arith.addi %scan3A_277, %scan3A_278 : i32
      %scan3A_280 = arith.constant 1 : i32
      scf.for %scan3A_344 = %scan3A_277 to %scan3A_279 step %scan3A_280  : i32 {
        %mul3A_345 = arith.constant 1 : i32
        %mul3A_346 = arith.muli %scan3A_344, %mul3A_345 : i32
        %add3A_347 = arith.constant 0 : i32
        %add3A_348 = arith.addi %add3A_347, %mul3A_346 : i32
        %mul3A_349 = arith.constant 16 : i32
        %mul3A_350 = arith.muli %add3A_348, %mul3A_349 : i32
        %get3A = arith.index_cast %mul3A_350 : i32 to index
        %get3A_351 = tpu.vector_load %arg20[%get3A] {strides = array<i32>} : memref<2000xf32, #tpu.memory_space<vmem>>, vector<16xf32>,
        %gt3A = arith.constant -5.000000e+08 : f32
        %gt3A_352 = vector.broadcast %gt3A : f32 to vector<16xf32>
        %gt3A_353 = arith.cmpf ogt, %get3A_351, %gt3A_352 : vector<16xf32>
        %jit3A = arith.constant 1 : i32
        %jit3A_354 = arith.constant 0 : i32
        %broadcast_in_dim3A_355 = vector.broadcast %jit3A : i32 to vector<16xi32>
        %broadcast_in_dim3A_356 = vector.broadcast %jit3A_354 : i32 to vector<16xi32>
        %select_n3A = arith.select %gt3A_353, %broadcast_in_dim3A_355, %broadcast_in_dim3A_356 : vector<16xi1>, vector<16xi32>
        %broadcast_in_dim3A_357 = arith.constant true
        %broadcast_in_dim3A_358 = vector.broadcast %broadcast_in_dim3A_357 : i1 to vector<16xi1>
        %masked_cumsum3A = tpu.scan <sum>, %select_n3A masked %broadcast_in_dim3A_358 : vector<16xi32>, vector<16xi1> -> vector<16xi32>
        %get3A_359 = arith.constant 0 : index
        %get3A_360 = tpu.vector_load %arg32[%get3A_359] {strides = array<i32>} : memref<16xi32, #tpu.memory_space<vmem>>, vector<16xi32>,
        %add3A_361 = arith.addi %get3A_360, %masked_cumsum3A : vector<16xi32>
        %sub3A = arith.constant 1 : i32
        %sub3A_362 = vector.broadcast %sub3A : i32 to vector<16xi32>
        %sub3A_363 = arith.subi %add3A_361, %sub3A_362 : vector<16xi32>
        tpu.vector_store_idx %arg26[%sub3A_363], %get3A_351 masked %gt3A_353 : memref<6144xf32, #tpu.memory_space<vmem>>[vector<16xi32>], vector<16xf32>, vector<16xi1>
        %get3A_364 = arith.index_cast %mul3A_350 : i32 to index
        %get3A_365 = tpu.vector_load %arg21[%get3A_364] {strides = array<i32>} : memref<2000xf32, #tpu.memory_space<vmem>>, vector<16xf32>,
        tpu.vector_store_idx %arg27[%sub3A_363], %get3A_365 masked %gt3A_353 : memref<6144xf32, #tpu.memory_space<vmem>>[vector<16xi32>], vector<16xf32>, vector<16xi1>
        %get3A_366 = arith.index_cast %mul3A_350 : i32 to index
        %get3A_367 = tpu.vector_load %arg22[%get3A_366] {strides = array<i32>} : memref<2000xf32, #tpu.memory_space<vmem>>, vector<16xf32>,
        tpu.vector_store_idx %arg28[%sub3A_363], %get3A_367 masked %gt3A_353 : memref<6144xf32, #tpu.memory_space<vmem>>[vector<16xi32>], vector<16xf32>, vector<16xi1>
        %get3A_368 = arith.index_cast %mul3A_350 : i32 to index
        %get3A_369 = tpu.vector_load %arg23[%get3A_368] {strides = array<i32>} : memref<2000xf32, #tpu.memory_space<vmem>>, vector<16xf32>,
        tpu.vector_store_idx %arg29[%sub3A_363], %get3A_369 masked %gt3A_353 : memref<6144xf32, #tpu.memory_space<vmem>>[vector<16xi32>], vector<16xf32>, vector<16xi1>
        %get3A_370 = arith.index_cast %mul3A_350 : i32 to index
        %get3A_371 = tpu.vector_load %arg24[%get3A_370] {strides = array<i32>} : memref<2000xf32, #tpu.memory_space<vmem>>, vector<16xf32>,
        tpu.vector_store_idx %arg30[%sub3A_363], %get3A_371 masked %gt3A_353 : memref<6144xf32, #tpu.memory_space<vmem>>[vector<16xi32>], vector<16xf32>, vector<16xi1>
        %get3A_372 = arith.index_cast %mul3A_350 : i32 to index
        %get3A_373 = tpu.vector_load %arg25[%get3A_372] {strides = array<i32>} : memref<2000xf32, #tpu.memory_space<vmem>>, vector<16xf32>,
        tpu.vector_store_idx %arg31[%sub3A_363], %get3A_373 masked %gt3A_353 : memref<6144xf32, #tpu.memory_space<vmem>>[vector<16xi32>], vector<16xf32>, vector<16xi1>
        %all_reduce_population_count3A = tpu.all_reduce %gt3A_353 {dim = 0 : i64, kind = #tpu.reduction_kind<sum>} : vector<16xi1> -> vector<16xi32>
        %add3A_374 = arith.addi %get3A_360, %all_reduce_population_count3A : vector<16xi32>
        %swap3A_375 = arith.constant 0 : index
        %swap3A_376 = tpu.vector_load %arg32[%swap3A_375] {strides = array<i32>} : memref<16xi32, #tpu.memory_space<vmem>>, vector<16xi32>,
        tpu.vector_store %arg32[%swap3A_375], %add3A_374 {strides = array<i32>} : memref<16xi32, #tpu.memory_space<vmem>>, vector<16xi32>,
      }
      %scan3A_281 = arith.constant 125 : i32
      %dma_wait3A_282 = tpu.memref_slice %arg2[%add3A_264] : memref<160000xf32, #tpu.memory_space<hbm>> -> memref<2000xf32, #tpu.memory_space<hbm>>
      %dma_wait3A_283 = tpu.memref_slice %arg2[%add3A_264] : memref<160000xf32, #tpu.memory_space<hbm>> -> memref<2000xf32, #tpu.memory_space<hbm>>
      tpu.wait_dma2 semaphore(%arg33 : memref<!tpu.dma_semaphore, #tpu.memory_space<semaphore_mem>>) src(%dma_wait3A_283 : memref<2000xf32, #tpu.memory_space<hbm>>) dst(%arg14 : memref<2000xf32, #tpu.memory_space<vmem>>)
      %dma_wait3A_284 = tpu.memref_slice %arg3[%add3A_264] : memref<160000xf32, #tpu.memory_space<hbm>> -> memref<2000xf32, #tpu.memory_space<hbm>>
      %dma_wait3A_285 = tpu.memref_slice %arg3[%add3A_264] : memref<160000xf32, #tpu.memory_space<hbm>> -> memref<2000xf32, #tpu.memory_space<hbm>>
      tpu.wait_dma2 semaphore(%arg33 : memref<!tpu.dma_semaphore, #tpu.memory_space<semaphore_mem>>) src(%dma_wait3A_285 : memref<2000xf32, #tpu.memory_space<hbm>>) dst(%arg15 : memref<2000xf32, #tpu.memory_space<vmem>>)
      %dma_wait3A_286 = tpu.memref_slice %arg4[%add3A_264] : memref<160000xf32, #tpu.memory_space<hbm>> -> memref<2000xf32, #tpu.memory_space<hbm>>
      %dma_wait3A_287 = tpu.memref_slice %arg4[%add3A_264] : memref<160000xf32, #tpu.memory_space<hbm>> -> memref<2000xf32, #tpu.memory_space<hbm>>
      tpu.wait_dma2 semaphore(%arg33 : memref<!tpu.dma_semaphore, #tpu.memory_space<semaphore_mem>>) src(%dma_wait3A_287 : memref<2000xf32, #tpu.memory_space<hbm>>) dst(%arg16 : memref<2000xf32, #tpu.memory_space<vmem>>)
      %dma_wait3A_288 = tpu.memref_slice %arg5[%add3A_264] : memref<160000xf32, #tpu.memory_space<hbm>> -> memref<2000xf32, #tpu.memory_space<hbm>>
      %dma_wait3A_289 = tpu.memref_slice %arg5[%add3A_264] : memref<160000xf32, #tpu.memory_space<hbm>> -> memref<2000xf32, #tpu.memory_space<hbm>>
      tpu.wait_dma2 semaphore(%arg33 : memref<!tpu.dma_semaphore, #tpu.memory_space<semaphore_mem>>) src(%dma_wait3A_289 : memref<2000xf32, #tpu.memory_space<hbm>>) dst(%arg17 : memref<2000xf32, #tpu.memory_space<vmem>>)
      %dma_wait3A_290 = tpu.memref_slice %arg6[%add3A_264] : memref<160000xf32, #tpu.memory_space<hbm>> -> memref<2000xf32, #tpu.memory_space<hbm>>
      %dma_wait3A_291 = tpu.memref_slice %arg6[%add3A_264] : memref<160000xf32, #tpu.memory_space<hbm>> -> memref<2000xf32, #tpu.memory_space<hbm>>
      tpu.wait_dma2 semaphore(%arg33 : memref<!tpu.dma_semaphore, #tpu.memory_space<semaphore_mem>>) src(%dma_wait3A_291 : memref<2000xf32, #tpu.memory_space<hbm>>) dst(%arg18 : memref<2000xf32, #tpu.memory_space<vmem>>)
      %dma_wait3A_292 = tpu.memref_slice %arg7[%add3A_264] : memref<160000xf32, #tpu.memory_space<hbm>> -> memref<2000xf32, #tpu.memory_space<hbm>>
      %dma_wait3A_293 = tpu.memref_slice %arg7[%add3A_264] : memref<160000xf32, #tpu.memory_space<hbm>> -> memref<2000xf32, #tpu.memory_space<hbm>>
      tpu.wait_dma2 semaphore(%arg33 : memref<!tpu.dma_semaphore, #tpu.memory_space<semaphore_mem>>) src(%dma_wait3A_293 : memref<2000xf32, #tpu.memory_space<hbm>>) dst(%arg19 : memref<2000xf32, #tpu.memory_space<vmem>>)
      %mul3A_294 = arith.constant 20000 : i32
      %mul3A_295 = arith.muli %add3A, %mul3A_294 : i32
      %add3A_296 = arith.constant 18000 : i32
      %add3A_297 = arith.addi %mul3A_295, %add3A_296 : i32
      %dma_start3A_298 = tpu.memref_slice %arg2[%add3A_297] : memref<160000xf32, #tpu.memory_space<hbm>> -> memref<2000xf32, #tpu.memory_space<hbm>>
      %dma_start3A_299 = tpu.memref_slice %arg2[%add3A_297] : memref<160000xf32, #tpu.memory_space<hbm>> -> memref<2000xf32, #tpu.memory_space<hbm>>
      tpu.enqueue_dma source(%dma_start3A_299 : memref<2000xf32, #tpu.memory_space<hbm>>) target(%arg20 : memref<2000xf32, #tpu.memory_space<vmem>>) target_semaphore(%arg34 : memref<!tpu.dma_semaphore, #tpu.memory_space<semaphore_mem>>)
      %dma_start3A_300 = tpu.memref_slice %arg3[%add3A_297] : memref<160000xf32, #tpu.memory_space<hbm>> -> memref<2000xf32, #tpu.memory_space<hbm>>
      %dma_start3A_301 = tpu.memref_slice %arg3[%add3A_297] : memref<160000xf32, #tpu.memory_space<hbm>> -> memref<2000xf32, #tpu.memory_space<hbm>>
      tpu.enqueue_dma source(%dma_start3A_301 : memref<2000xf32, #tpu.memory_space<hbm>>) target(%arg21 : memref<2000xf32, #tpu.memory_space<vmem>>) target_semaphore(%arg34 : memref<!tpu.dma_semaphore, #tpu.memory_space<semaphore_mem>>)
      %dma_start3A_302 = tpu.memref_slice %arg4[%add3A_297] : memref<160000xf32, #tpu.memory_space<hbm>> -> memref<2000xf32, #tpu.memory_space<hbm>>
      %dma_start3A_303 = tpu.memref_slice %arg4[%add3A_297] : memref<160000xf32, #tpu.memory_space<hbm>> -> memref<2000xf32, #tpu.memory_space<hbm>>
      tpu.enqueue_dma source(%dma_start3A_303 : memref<2000xf32, #tpu.memory_space<hbm>>) target(%arg22 : memref<2000xf32, #tpu.memory_space<vmem>>) target_semaphore(%arg34 : memref<!tpu.dma_semaphore, #tpu.memory_space<semaphore_mem>>)
      %dma_start3A_304 = tpu.memref_slice %arg5[%add3A_297] : memref<160000xf32, #tpu.memory_space<hbm>> -> memref<2000xf32, #tpu.memory_space<hbm>>
      %dma_start3A_305 = tpu.memref_slice %arg5[%add3A_297] : memref<160000xf32, #tpu.memory_space<hbm>> -> memref<2000xf32, #tpu.memory_space<hbm>>
      tpu.enqueue_dma source(%dma_start3A_305 : memref<2000xf32, #tpu.memory_space<hbm>>) target(%arg23 : memref<2000xf32, #tpu.memory_space<vmem>>) target_semaphore(%arg34 : memref<!tpu.dma_semaphore, #tpu.memory_space<semaphore_mem>>)
      %dma_start3A_306 = tpu.memref_slice %arg6[%add3A_297] : memref<160000xf32, #tpu.memory_space<hbm>> -> memref<2000xf32, #tpu.memory_space<hbm>>
      %dma_start3A_307 = tpu.memref_slice %arg6[%add3A_297] : memref<160000xf32, #tpu.memory_space<hbm>> -> memref<2000xf32, #tpu.memory_space<hbm>>
      tpu.enqueue_dma source(%dma_start3A_307 : memref<2000xf32, #tpu.memory_space<hbm>>) target(%arg24 : memref<2000xf32, #tpu.memory_space<vmem>>) target_semaphore(%arg34 : memref<!tpu.dma_semaphore, #tpu.memory_space<semaphore_mem>>)
      %dma_start3A_308 = tpu.memref_slice %arg7[%add3A_297] : memref<160000xf32, #tpu.memory_space<hbm>> -> memref<2000xf32, #tpu.memory_space<hbm>>
      %dma_start3A_309 = tpu.memref_slice %arg7[%add3A_297] : memref<160000xf32, #tpu.memory_space<hbm>> -> memref<2000xf32, #tpu.memory_space<hbm>>
      tpu.enqueue_dma source(%dma_start3A_309 : memref<2000xf32, #tpu.memory_space<hbm>>) target(%arg25 : memref<2000xf32, #tpu.memory_space<vmem>>) target_semaphore(%arg34 : memref<!tpu.dma_semaphore, #tpu.memory_space<semaphore_mem>>)
      %scan3A_310 = arith.constant 0 : i32
      %scan3A_311 = arith.constant 125 : i32
      %scan3A_312 = arith.addi %scan3A_310, %scan3A_311 : i32
      %scan3A_313 = arith.constant 1 : i32
      scf.for %scan3A_344 = %scan3A_310 to %scan3A_312 step %scan3A_313  : i32 {
        %mul3A_345 = arith.constant 1 : i32
        %mul3A_346 = arith.muli %scan3A_344, %mul3A_345 : i32
        %add3A_347 = arith.constant 0 : i32
        %add3A_348 = arith.addi %add3A_347, %mul3A_346 : i32
        %mul3A_349 = arith.constant 16 : i32
        %mul3A_350 = arith.muli %add3A_348, %mul3A_349 : i32
        %get3A = arith.index_cast %mul3A_350 : i32 to index
        %get3A_351 = tpu.vector_load %arg14[%get3A] {strides = array<i32>} : memref<2000xf32, #tpu.memory_space<vmem>>, vector<16xf32>,
        %gt3A = arith.constant -5.000000e+08 : f32
        %gt3A_352 = vector.broadcast %gt3A : f32 to vector<16xf32>
        %gt3A_353 = arith.cmpf ogt, %get3A_351, %gt3A_352 : vector<16xf32>
        %jit3A = arith.constant 1 : i32
        %jit3A_354 = arith.constant 0 : i32
        %broadcast_in_dim3A_355 = vector.broadcast %jit3A : i32 to vector<16xi32>
        %broadcast_in_dim3A_356 = vector.broadcast %jit3A_354 : i32 to vector<16xi32>
        %select_n3A = arith.select %gt3A_353, %broadcast_in_dim3A_355, %broadcast_in_dim3A_356 : vector<16xi1>, vector<16xi32>
        %broadcast_in_dim3A_357 = arith.constant true
        %broadcast_in_dim3A_358 = vector.broadcast %broadcast_in_dim3A_357 : i1 to vector<16xi1>
        %masked_cumsum3A = tpu.scan <sum>, %select_n3A masked %broadcast_in_dim3A_358 : vector<16xi32>, vector<16xi1> -> vector<16xi32>
        %get3A_359 = arith.constant 0 : index
        %get3A_360 = tpu.vector_load %arg32[%get3A_359] {strides = array<i32>} : memref<16xi32, #tpu.memory_space<vmem>>, vector<16xi32>,
        %add3A_361 = arith.addi %get3A_360, %masked_cumsum3A : vector<16xi32>
        %sub3A = arith.constant 1 : i32
        %sub3A_362 = vector.broadcast %sub3A : i32 to vector<16xi32>
        %sub3A_363 = arith.subi %add3A_361, %sub3A_362 : vector<16xi32>
        tpu.vector_store_idx %arg26[%sub3A_363], %get3A_351 masked %gt3A_353 : memref<6144xf32, #tpu.memory_space<vmem>>[vector<16xi32>], vector<16xf32>, vector<16xi1>
        %get3A_364 = arith.index_cast %mul3A_350 : i32 to index
        %get3A_365 = tpu.vector_load %arg15[%get3A_364] {strides = array<i32>} : memref<2000xf32, #tpu.memory_space<vmem>>, vector<16xf32>,
        tpu.vector_store_idx %arg27[%sub3A_363], %get3A_365 masked %gt3A_353 : memref<6144xf32, #tpu.memory_space<vmem>>[vector<16xi32>], vector<16xf32>, vector<16xi1>
        %get3A_366 = arith.index_cast %mul3A_350 : i32 to index
        %get3A_367 = tpu.vector_load %arg16[%get3A_366] {strides = array<i32>} : memref<2000xf32, #tpu.memory_space<vmem>>, vector<16xf32>,
        tpu.vector_store_idx %arg28[%sub3A_363], %get3A_367 masked %gt3A_353 : memref<6144xf32, #tpu.memory_space<vmem>>[vector<16xi32>], vector<16xf32>, vector<16xi1>
        %get3A_368 = arith.index_cast %mul3A_350 : i32 to index
        %get3A_369 = tpu.vector_load %arg17[%get3A_368] {strides = array<i32>} : memref<2000xf32, #tpu.memory_space<vmem>>, vector<16xf32>,
        tpu.vector_store_idx %arg29[%sub3A_363], %get3A_369 masked %gt3A_353 : memref<6144xf32, #tpu.memory_space<vmem>>[vector<16xi32>], vector<16xf32>, vector<16xi1>
        %get3A_370 = arith.index_cast %mul3A_350 : i32 to index
        %get3A_371 = tpu.vector_load %arg18[%get3A_370] {strides = array<i32>} : memref<2000xf32, #tpu.memory_space<vmem>>, vector<16xf32>,
        tpu.vector_store_idx %arg30[%sub3A_363], %get3A_371 masked %gt3A_353 : memref<6144xf32, #tpu.memory_space<vmem>>[vector<16xi32>], vector<16xf32>, vector<16xi1>
        %get3A_372 = arith.index_cast %mul3A_350 : i32 to index
        %get3A_373 = tpu.vector_load %arg19[%get3A_372] {strides = array<i32>} : memref<2000xf32, #tpu.memory_space<vmem>>, vector<16xf32>,
        tpu.vector_store_idx %arg31[%sub3A_363], %get3A_373 masked %gt3A_353 : memref<6144xf32, #tpu.memory_space<vmem>>[vector<16xi32>], vector<16xf32>, vector<16xi1>
        %all_reduce_population_count3A = tpu.all_reduce %gt3A_353 {dim = 0 : i64, kind = #tpu.reduction_kind<sum>} : vector<16xi1> -> vector<16xi32>
        %add3A_374 = arith.addi %get3A_360, %all_reduce_population_count3A : vector<16xi32>
        %swap3A_375 = arith.constant 0 : index
        %swap3A_376 = tpu.vector_load %arg32[%swap3A_375] {strides = array<i32>} : memref<16xi32, #tpu.memory_space<vmem>>, vector<16xi32>,
        tpu.vector_store %arg32[%swap3A_375], %add3A_374 {strides = array<i32>} : memref<16xi32, #tpu.memory_space<vmem>>, vector<16xi32>,
      }
      %scan3A_314 = arith.constant 125 : i32
      %dma_wait3A_315 = tpu.memref_slice %arg2[%add3A_297] : memref<160000xf32, #tpu.memory_space<hbm>> -> memref<2000xf32, #tpu.memory_space<hbm>>
      %dma_wait3A_316 = tpu.memref_slice %arg2[%add3A_297] : memref<160000xf32, #tpu.memory_space<hbm>> -> memref<2000xf32, #tpu.memory_space<hbm>>
      tpu.wait_dma2 semaphore(%arg34 : memref<!tpu.dma_semaphore, #tpu.memory_space<semaphore_mem>>) src(%dma_wait3A_316 : memref<2000xf32, #tpu.memory_space<hbm>>) dst(%arg20 : memref<2000xf32, #tpu.memory_space<vmem>>)
      %dma_wait3A_317 = tpu.memref_slice %arg3[%add3A_297] : memref<160000xf32, #tpu.memory_space<hbm>> -> memref<2000xf32, #tpu.memory_space<hbm>>
      %dma_wait3A_318 = tpu.memref_slice %arg3[%add3A_297] : memref<160000xf32, #tpu.memory_space<hbm>> -> memref<2000xf32, #tpu.memory_space<hbm>>
      tpu.wait_dma2 semaphore(%arg34 : memref<!tpu.dma_semaphore, #tpu.memory_space<semaphore_mem>>) src(%dma_wait3A_318 : memref<2000xf32, #tpu.memory_space<hbm>>) dst(%arg21 : memref<2000xf32, #tpu.memory_space<vmem>>)
      %dma_wait3A_319 = tpu.memref_slice %arg4[%add3A_297] : memref<160000xf32, #tpu.memory_space<hbm>> -> memref<2000xf32, #tpu.memory_space<hbm>>
      %dma_wait3A_320 = tpu.memref_slice %arg4[%add3A_297] : memref<160000xf32, #tpu.memory_space<hbm>> -> memref<2000xf32, #tpu.memory_space<hbm>>
      tpu.wait_dma2 semaphore(%arg34 : memref<!tpu.dma_semaphore, #tpu.memory_space<semaphore_mem>>) src(%dma_wait3A_320 : memref<2000xf32, #tpu.memory_space<hbm>>) dst(%arg22 : memref<2000xf32, #tpu.memory_space<vmem>>)
      %dma_wait3A_321 = tpu.memref_slice %arg5[%add3A_297] : memref<160000xf32, #tpu.memory_space<hbm>> -> memref<2000xf32, #tpu.memory_space<hbm>>
      %dma_wait3A_322 = tpu.memref_slice %arg5[%add3A_297] : memref<160000xf32, #tpu.memory_space<hbm>> -> memref<2000xf32, #tpu.memory_space<hbm>>
      tpu.wait_dma2 semaphore(%arg34 : memref<!tpu.dma_semaphore, #tpu.memory_space<semaphore_mem>>) src(%dma_wait3A_322 : memref<2000xf32, #tpu.memory_space<hbm>>) dst(%arg23 : memref<2000xf32, #tpu.memory_space<vmem>>)
      %dma_wait3A_323 = tpu.memref_slice %arg6[%add3A_297] : memref<160000xf32, #tpu.memory_space<hbm>> -> memref<2000xf32, #tpu.memory_space<hbm>>
      %dma_wait3A_324 = tpu.memref_slice %arg6[%add3A_297] : memref<160000xf32, #tpu.memory_space<hbm>> -> memref<2000xf32, #tpu.memory_space<hbm>>
      tpu.wait_dma2 semaphore(%arg34 : memref<!tpu.dma_semaphore, #tpu.memory_space<semaphore_mem>>) src(%dma_wait3A_324 : memref<2000xf32, #tpu.memory_space<hbm>>) dst(%arg24 : memref<2000xf32, #tpu.memory_space<vmem>>)
      %dma_wait3A_325 = tpu.memref_slice %arg7[%add3A_297] : memref<160000xf32, #tpu.memory_space<hbm>> -> memref<2000xf32, #tpu.memory_space<hbm>>
      %dma_wait3A_326 = tpu.memref_slice %arg7[%add3A_297] : memref<160000xf32, #tpu.memory_space<hbm>> -> memref<2000xf32, #tpu.memory_space<hbm>>
      tpu.wait_dma2 semaphore(%arg34 : memref<!tpu.dma_semaphore, #tpu.memory_space<semaphore_mem>>) src(%dma_wait3A_326 : memref<2000xf32, #tpu.memory_space<hbm>>) dst(%arg25 : memref<2000xf32, #tpu.memory_space<vmem>>)
      %scan3A_327 = arith.constant 0 : i32
      %scan3A_328 = arith.constant 125 : i32
      %scan3A_329 = arith.addi %scan3A_327, %scan3A_328 : i32
      %scan3A_330 = arith.constant 1 : i32
      scf.for %scan3A_344 = %scan3A_327 to %scan3A_329 step %scan3A_330  : i32 {
        %mul3A_345 = arith.constant 1 : i32
        %mul3A_346 = arith.muli %scan3A_344, %mul3A_345 : i32
        %add3A_347 = arith.constant 0 : i32
        %add3A_348 = arith.addi %add3A_347, %mul3A_346 : i32
        %mul3A_349 = arith.constant 16 : i32
        %mul3A_350 = arith.muli %add3A_348, %mul3A_349 : i32
        %get3A = arith.index_cast %mul3A_350 : i32 to index
        %get3A_351 = tpu.vector_load %arg20[%get3A] {strides = array<i32>} : memref<2000xf32, #tpu.memory_space<vmem>>, vector<16xf32>,
        %gt3A = arith.constant -5.000000e+08 : f32
        %gt3A_352 = vector.broadcast %gt3A : f32 to vector<16xf32>
        %gt3A_353 = arith.cmpf ogt, %get3A_351, %gt3A_352 : vector<16xf32>
        %jit3A = arith.constant 1 : i32
        %jit3A_354 = arith.constant 0 : i32
        %broadcast_in_dim3A_355 = vector.broadcast %jit3A : i32 to vector<16xi32>
        %broadcast_in_dim3A_356 = vector.broadcast %jit3A_354 : i32 to vector<16xi32>
        %select_n3A = arith.select %gt3A_353, %broadcast_in_dim3A_355, %broadcast_in_dim3A_356 : vector<16xi1>, vector<16xi32>
        %broadcast_in_dim3A_357 = arith.constant true
        %broadcast_in_dim3A_358 = vector.broadcast %broadcast_in_dim3A_357 : i1 to vector<16xi1>
        %masked_cumsum3A = tpu.scan <sum>, %select_n3A masked %broadcast_in_dim3A_358 : vector<16xi32>, vector<16xi1> -> vector<16xi32>
        %get3A_359 = arith.constant 0 : index
        %get3A_360 = tpu.vector_load %arg32[%get3A_359] {strides = array<i32>} : memref<16xi32, #tpu.memory_space<vmem>>, vector<16xi32>,
        %add3A_361 = arith.addi %get3A_360, %masked_cumsum3A : vector<16xi32>
        %sub3A = arith.constant 1 : i32
        %sub3A_362 = vector.broadcast %sub3A : i32 to vector<16xi32>
        %sub3A_363 = arith.subi %add3A_361, %sub3A_362 : vector<16xi32>
        tpu.vector_store_idx %arg26[%sub3A_363], %get3A_351 masked %gt3A_353 : memref<6144xf32, #tpu.memory_space<vmem>>[vector<16xi32>], vector<16xf32>, vector<16xi1>
        %get3A_364 = arith.index_cast %mul3A_350 : i32 to index
        %get3A_365 = tpu.vector_load %arg21[%get3A_364] {strides = array<i32>} : memref<2000xf32, #tpu.memory_space<vmem>>, vector<16xf32>,
        tpu.vector_store_idx %arg27[%sub3A_363], %get3A_365 masked %gt3A_353 : memref<6144xf32, #tpu.memory_space<vmem>>[vector<16xi32>], vector<16xf32>, vector<16xi1>
        %get3A_366 = arith.index_cast %mul3A_350 : i32 to index
        %get3A_367 = tpu.vector_load %arg22[%get3A_366] {strides = array<i32>} : memref<2000xf32, #tpu.memory_space<vmem>>, vector<16xf32>,
        tpu.vector_store_idx %arg28[%sub3A_363], %get3A_367 masked %gt3A_353 : memref<6144xf32, #tpu.memory_space<vmem>>[vector<16xi32>], vector<16xf32>, vector<16xi1>
        %get3A_368 = arith.index_cast %mul3A_350 : i32 to index
        %get3A_369 = tpu.vector_load %arg23[%get3A_368] {strides = array<i32>} : memref<2000xf32, #tpu.memory_space<vmem>>, vector<16xf32>,
        tpu.vector_store_idx %arg29[%sub3A_363], %get3A_369 masked %gt3A_353 : memref<6144xf32, #tpu.memory_space<vmem>>[vector<16xi32>], vector<16xf32>, vector<16xi1>
        %get3A_370 = arith.index_cast %mul3A_350 : i32 to index
        %get3A_371 = tpu.vector_load %arg24[%get3A_370] {strides = array<i32>} : memref<2000xf32, #tpu.memory_space<vmem>>, vector<16xf32>,
        tpu.vector_store_idx %arg30[%sub3A_363], %get3A_371 masked %gt3A_353 : memref<6144xf32, #tpu.memory_space<vmem>>[vector<16xi32>], vector<16xf32>, vector<16xi1>
        %get3A_372 = arith.index_cast %mul3A_350 : i32 to index
        %get3A_373 = tpu.vector_load %arg25[%get3A_372] {strides = array<i32>} : memref<2000xf32, #tpu.memory_space<vmem>>, vector<16xf32>,
        tpu.vector_store_idx %arg31[%sub3A_363], %get3A_373 masked %gt3A_353 : memref<6144xf32, #tpu.memory_space<vmem>>[vector<16xi32>], vector<16xf32>, vector<16xi1>
        %all_reduce_population_count3A = tpu.all_reduce %gt3A_353 {dim = 0 : i64, kind = #tpu.reduction_kind<sum>} : vector<16xi1> -> vector<16xi32>
        %add3A_374 = arith.addi %get3A_360, %all_reduce_population_count3A : vector<16xi32>
        %swap3A_375 = arith.constant 0 : index
        %swap3A_376 = tpu.vector_load %arg32[%swap3A_375] {strides = array<i32>} : memref<16xi32, #tpu.memory_space<vmem>>, vector<16xi32>,
        tpu.vector_store %arg32[%swap3A_375], %add3A_374 {strides = array<i32>} : memref<16xi32, #tpu.memory_space<vmem>>, vector<16xi32>,
      }
      %scan3A_331 = arith.constant 125 : i32
      %mul3A_332 = arith.constant 6144 : i32
      %mul3A_333 = arith.muli %add3A, %mul3A_332 : i32
      "tpu.region"() ({
        %run_scoped3A = tpu.sem_alloc : memref<!tpu.dma_semaphore, #tpu.memory_space<semaphore_mem>>
        %dma_start3A_344 = tpu.memref_slice %arg8[%mul3A_333] : memref<49152xf32, #tpu.memory_space<hbm>> -> memref<6144xf32, #tpu.memory_space<hbm>>
        %dma_start3A_345 = tpu.memref_slice %arg8[%mul3A_333] : memref<49152xf32, #tpu.memory_space<hbm>> -> memref<6144xf32, #tpu.memory_space<hbm>>
        tpu.enqueue_dma source(%arg26 : memref<6144xf32, #tpu.memory_space<vmem>>) target(%dma_start3A_345 : memref<6144xf32, #tpu.memory_space<hbm>>) target_semaphore(%run_scoped3A : memref<!tpu.dma_semaphore, #tpu.memory_space<semaphore_mem>>)
        %dma_wait3A_346 = tpu.memref_slice %arg8[%mul3A_333] : memref<49152xf32, #tpu.memory_space<hbm>> -> memref<6144xf32, #tpu.memory_space<hbm>>
        %dma_wait3A_347 = tpu.memref_slice %arg8[%mul3A_333] : memref<49152xf32, #tpu.memory_space<hbm>> -> memref<6144xf32, #tpu.memory_space<hbm>>
        tpu.wait_dma2 semaphore(%run_scoped3A : memref<!tpu.dma_semaphore, #tpu.memory_space<semaphore_mem>>) src(%arg26 : memref<6144xf32, #tpu.memory_space<vmem>>) dst(%dma_wait3A_347 : memref<6144xf32, #tpu.memory_space<hbm>>)
        tpu.yield
      }) : () -> ()
      %mul3A_334 = arith.constant 6144 : i32
      %mul3A_335 = arith.muli %add3A, %mul3A_334 : i32
      "tpu.region"() ({
        %run_scoped3A = tpu.sem_alloc : memref<!tpu.dma_semaphore, #tpu.memory_space<semaphore_mem>>
        %dma_start3A_344 = tpu.memref_slice %arg9[%mul3A_335] : memref<49152xf32, #tpu.memory_space<hbm>> -> memref<6144xf32, #tpu.memory_space<hbm>>
        %dma_start3A_345 = tpu.memref_slice %arg9[%mul3A_335] : memref<49152xf32, #tpu.memory_space<hbm>> -> memref<6144xf32, #tpu.memory_space<hbm>>
        tpu.enqueue_dma source(%arg27 : memref<6144xf32, #tpu.memory_space<vmem>>) target(%dma_start3A_345 : memref<6144xf32, #tpu.memory_space<hbm>>) target_semaphore(%run_scoped3A : memref<!tpu.dma_semaphore, #tpu.memory_space<semaphore_mem>>)
        %dma_wait3A_346 = tpu.memref_slice %arg9[%mul3A_335] : memref<49152xf32, #tpu.memory_space<hbm>> -> memref<6144xf32, #tpu.memory_space<hbm>>
        %dma_wait3A_347 = tpu.memref_slice %arg9[%mul3A_335] : memref<49152xf32, #tpu.memory_space<hbm>> -> memref<6144xf32, #tpu.memory_space<hbm>>
        tpu.wait_dma2 semaphore(%run_scoped3A : memref<!tpu.dma_semaphore, #tpu.memory_space<semaphore_mem>>) src(%arg27 : memref<6144xf32, #tpu.memory_space<vmem>>) dst(%dma_wait3A_347 : memref<6144xf32, #tpu.memory_space<hbm>>)
        tpu.yield
      }) : () -> ()
      %mul3A_336 = arith.constant 6144 : i32
      %mul3A_337 = arith.muli %add3A, %mul3A_336 : i32
      "tpu.region"() ({
        %run_scoped3A = tpu.sem_alloc : memref<!tpu.dma_semaphore, #tpu.memory_space<semaphore_mem>>
        %dma_start3A_344 = tpu.memref_slice %arg10[%mul3A_337] : memref<49152xf32, #tpu.memory_space<hbm>> -> memref<6144xf32, #tpu.memory_space<hbm>>
        %dma_start3A_345 = tpu.memref_slice %arg10[%mul3A_337] : memref<49152xf32, #tpu.memory_space<hbm>> -> memref<6144xf32, #tpu.memory_space<hbm>>
        tpu.enqueue_dma source(%arg28 : memref<6144xf32, #tpu.memory_space<vmem>>) target(%dma_start3A_345 : memref<6144xf32, #tpu.memory_space<hbm>>) target_semaphore(%run_scoped3A : memref<!tpu.dma_semaphore, #tpu.memory_space<semaphore_mem>>)
        %dma_wait3A_346 = tpu.memref_slice %arg10[%mul3A_337] : memref<49152xf32, #tpu.memory_space<hbm>> -> memref<6144xf32, #tpu.memory_space<hbm>>
        %dma_wait3A_347 = tpu.memref_slice %arg10[%mul3A_337] : memref<49152xf32, #tpu.memory_space<hbm>> -> memref<6144xf32, #tpu.memory_space<hbm>>
        tpu.wait_dma2 semaphore(%run_scoped3A : memref<!tpu.dma_semaphore, #tpu.memory_space<semaphore_mem>>) src(%arg28 : memref<6144xf32, #tpu.memory_space<vmem>>) dst(%dma_wait3A_347 : memref<6144xf32, #tpu.memory_space<hbm>>)
        tpu.yield
      }) : () -> ()
      %mul3A_338 = arith.constant 6144 : i32
      %mul3A_339 = arith.muli %add3A, %mul3A_338 : i32
      "tpu.region"() ({
        %run_scoped3A = tpu.sem_alloc : memref<!tpu.dma_semaphore, #tpu.memory_space<semaphore_mem>>
        %dma_start3A_344 = tpu.memref_slice %arg11[%mul3A_339] : memref<49152xf32, #tpu.memory_space<hbm>> -> memref<6144xf32, #tpu.memory_space<hbm>>
        %dma_start3A_345 = tpu.memref_slice %arg11[%mul3A_339] : memref<49152xf32, #tpu.memory_space<hbm>> -> memref<6144xf32, #tpu.memory_space<hbm>>
        tpu.enqueue_dma source(%arg29 : memref<6144xf32, #tpu.memory_space<vmem>>) target(%dma_start3A_345 : memref<6144xf32, #tpu.memory_space<hbm>>) target_semaphore(%run_scoped3A : memref<!tpu.dma_semaphore, #tpu.memory_space<semaphore_mem>>)
        %dma_wait3A_346 = tpu.memref_slice %arg11[%mul3A_339] : memref<49152xf32, #tpu.memory_space<hbm>> -> memref<6144xf32, #tpu.memory_space<hbm>>
        %dma_wait3A_347 = tpu.memref_slice %arg11[%mul3A_339] : memref<49152xf32, #tpu.memory_space<hbm>> -> memref<6144xf32, #tpu.memory_space<hbm>>
        tpu.wait_dma2 semaphore(%run_scoped3A : memref<!tpu.dma_semaphore, #tpu.memory_space<semaphore_mem>>) src(%arg29 : memref<6144xf32, #tpu.memory_space<vmem>>) dst(%dma_wait3A_347 : memref<6144xf32, #tpu.memory_space<hbm>>)
        tpu.yield
      }) : () -> ()
      %mul3A_340 = arith.constant 6144 : i32
      %mul3A_341 = arith.muli %add3A, %mul3A_340 : i32
      "tpu.region"() ({
        %run_scoped3A = tpu.sem_alloc : memref<!tpu.dma_semaphore, #tpu.memory_space<semaphore_mem>>
        %dma_start3A_344 = tpu.memref_slice %arg12[%mul3A_341] : memref<49152xf32, #tpu.memory_space<hbm>> -> memref<6144xf32, #tpu.memory_space<hbm>>
        %dma_start3A_345 = tpu.memref_slice %arg12[%mul3A_341] : memref<49152xf32, #tpu.memory_space<hbm>> -> memref<6144xf32, #tpu.memory_space<hbm>>
        tpu.enqueue_dma source(%arg30 : memref<6144xf32, #tpu.memory_space<vmem>>) target(%dma_start3A_345 : memref<6144xf32, #tpu.memory_space<hbm>>) target_semaphore(%run_scoped3A : memref<!tpu.dma_semaphore, #tpu.memory_space<semaphore_mem>>)
        %dma_wait3A_346 = tpu.memref_slice %arg12[%mul3A_341] : memref<49152xf32, #tpu.memory_space<hbm>> -> memref<6144xf32, #tpu.memory_space<hbm>>
        %dma_wait3A_347 = tpu.memref_slice %arg12[%mul3A_341] : memref<49152xf32, #tpu.memory_space<hbm>> -> memref<6144xf32, #tpu.memory_space<hbm>>
        tpu.wait_dma2 semaphore(%run_scoped3A : memref<!tpu.dma_semaphore, #tpu.memory_space<semaphore_mem>>) src(%arg30 : memref<6144xf32, #tpu.memory_space<vmem>>) dst(%dma_wait3A_347 : memref<6144xf32, #tpu.memory_space<hbm>>)
        tpu.yield
      }) : () -> ()
      %mul3A_342 = arith.constant 6144 : i32
      %mul3A_343 = arith.muli %add3A, %mul3A_342 : i32
      "tpu.region"() ({
        %run_scoped3A = tpu.sem_alloc : memref<!tpu.dma_semaphore, #tpu.memory_space<semaphore_mem>>
        %dma_start3A_344 = tpu.memref_slice %arg13[%mul3A_343] : memref<49152xf32, #tpu.memory_space<hbm>> -> memref<6144xf32, #tpu.memory_space<hbm>>
        %dma_start3A_345 = tpu.memref_slice %arg13[%mul3A_343] : memref<49152xf32, #tpu.memory_space<hbm>> -> memref<6144xf32, #tpu.memory_space<hbm>>
        tpu.enqueue_dma source(%arg31 : memref<6144xf32, #tpu.memory_space<vmem>>) target(%dma_start3A_345 : memref<6144xf32, #tpu.memory_space<hbm>>) target_semaphore(%run_scoped3A : memref<!tpu.dma_semaphore, #tpu.memory_space<semaphore_mem>>)
        %dma_wait3A_346 = tpu.memref_slice %arg13[%mul3A_343] : memref<49152xf32, #tpu.memory_space<hbm>> -> memref<6144xf32, #tpu.memory_space<hbm>>
        %dma_wait3A_347 = tpu.memref_slice %arg13[%mul3A_343] : memref<49152xf32, #tpu.memory_space<hbm>> -> memref<6144xf32, #tpu.memory_space<hbm>>
        tpu.wait_dma2 semaphore(%run_scoped3A : memref<!tpu.dma_semaphore, #tpu.memory_space<semaphore_mem>>) src(%arg31 : memref<6144xf32, #tpu.memory_space<vmem>>) dst(%dma_wait3A_347 : memref<6144xf32, #tpu.memory_space<hbm>>)
        tpu.yield
      }) : () -> ()
    } else {
    }
    return
  }
}

module attributes {stable_mosaic.version = 14 : i64} {
  func.func @_prep_kernel(%arg0: memref<8x20000xf32, #tpu.memory_space<vmem>>, %arg1: memref<8x20000xf32, #tpu.memory_space<vmem>>, %arg2: memref<8x20000xf32, #tpu.memory_space<vmem>>, %arg3: memref<8x20000xf32, #tpu.memory_space<vmem>>, %arg4: memref<8x20000xf32, #tpu.memory_space<vmem>>, %arg5: memref<8x20000xf32, #tpu.memory_space<vmem>>, %arg6: memref<8x20000xf32, #tpu.memory_space<vmem>>, %arg7: memref<8x20000xf32, #tpu.memory_space<vmem>>, %arg8: memref<8x20000xf32, #tpu.memory_space<vmem>>, %arg9: memref<8x20000xf32, #tpu.memory_space<vmem>>, %arg10: memref<8x20000xf32, #tpu.memory_space<vmem>>, %arg11: memref<8x20000xf32, #tpu.memory_space<vmem>>, %arg12: memref<8x20000xf32, #tpu.memory_space<vmem>>, %arg13: memref<8x20000xf32, #tpu.memory_space<vmem>>, %arg14: memref<8x20000xf32, #tpu.memory_space<vmem>>, %arg15: memref<8x128xi32, #tpu.memory_space<vmem>>) attributes {dimension_semantics = [], scalar_prefetch = 0 : i64, scratch_operands = 0 : i64, tpu.core_type = #tpu.core_type<tc>} {
    %get3A = arith.constant 0 : index
    %get3A_0 = arith.constant 0 : index
    %get3A_1 = vector.load %arg0[%get3A, %get3A_0] : memref<8x20000xf32, #tpu.memory_space<vmem>>, vector<8x20000xf32>
    %bitcast_convert_type3A = tpu.bitcast %get3A_1 : vector<8x20000xf32> -> vector<8x20000xi32>
    %iota3A = tpu.iota {dimensions = array<i32: 1>} : vector<8x20000xi32>
    %broadcast_in_dim3A = arith.constant 0 : i32
    %broadcast_in_dim3A_2 = vector.broadcast %broadcast_in_dim3A : i32 to vector<8x1xi32>
    %broadcast_in_dim3A_3 = arith.constant 2139095040 : i32
    %broadcast_in_dim3A_4 = vector.broadcast %broadcast_in_dim3A_3 : i32 to vector<8x1xi32>
    %scan3A = arith.constant 0 : i32
    %scan3A_5 = arith.constant 31 : i32
    %scan3A_6 = arith.addi %scan3A, %scan3A_5 : i32
    %scan3A_7 = arith.constant 1 : i32
    %scan3A_8:2 = scf.for %scan3A_141 = %scan3A to %scan3A_6 step %scan3A_7 iter_args(%scan3A_142 = %broadcast_in_dim3A_2, %scan3A_143 = %broadcast_in_dim3A_4) -> (vector<8x1xi32>, vector<8x1xi32>)  : i32 {
      %sub3A_144 = arith.subi %scan3A_143, %scan3A_142 : vector<8x1xi32>
      %shift_right_arithmetic3A = arith.constant 1 : i32
      %shift_right_arithmetic3A_145 = vector.broadcast %shift_right_arithmetic3A : i32 to vector<8x1xi32>
      %shift_right_arithmetic3A_146 = arith.shrsi %sub3A_144, %shift_right_arithmetic3A_145 : vector<8x1xi32>
      %add3A_147 = arith.addi %scan3A_142, %shift_right_arithmetic3A_146 : vector<8x1xi32>
      %ge3A_148 = vector.broadcast %add3A_147 : vector<8x1xi32> to vector<8x20000xi32>
      %ge3A_149 = arith.cmpi sge, %bitcast_convert_type3A, %ge3A_148 : vector<8x20000xi32>
      %convert_element_type3A_150 = arith.extui %ge3A_149 : vector<8x20000xi1> to vector<8x20000xi32>
      %reduce_sum3A_151 = arith.constant dense<0> : vector<8xi32>
      %reduce_sum3A_152 = vector.multi_reduction <add>, %convert_element_type3A_150, %reduce_sum3A_151 [1] : vector<8x20000xi32> to vector<8xi32>
      %broadcast_in_dim3A_153 = vector.shape_cast %reduce_sum3A_152 : vector<8xi32> to vector<8x1xi32>
      %ge3A_154 = arith.constant 6000 : i32
      %ge3A_155 = vector.broadcast %ge3A_154 : i32 to vector<8x1xi32>
      %ge3A_156 = arith.cmpi sge, %broadcast_in_dim3A_153, %ge3A_155 : vector<8x1xi32>
      %select_n3A_157 = arith.select %ge3A_156, %add3A_147, %scan3A_142 : vector<8x1xi1>, vector<8x1xi32>
      %select_n3A_158 = arith.select %ge3A_156, %scan3A_143, %add3A_147 : vector<8x1xi1>, vector<8x1xi32>
      scf.yield %select_n3A_157, %select_n3A_158 : vector<8x1xi32>, vector<8x1xi32>
    }
    %gt3A = vector.broadcast %scan3A_8#0 : vector<8x1xi32> to vector<8x20000xi32>
    %gt3A_9 = arith.cmpi sgt, %bitcast_convert_type3A, %gt3A : vector<8x20000xi32>
    %eq3A = vector.broadcast %scan3A_8#0 : vector<8x1xi32> to vector<8x20000xi32>
    %eq3A_10 = arith.cmpi eq, %bitcast_convert_type3A, %eq3A : vector<8x20000xi32>
    %convert_element_type3A = arith.extui %gt3A_9 : vector<8x20000xi1> to vector<8x20000xi32>
    %reduce_sum3A = arith.constant dense<0> : vector<8xi32>
    %reduce_sum3A_11 = vector.multi_reduction <add>, %convert_element_type3A, %reduce_sum3A [1] : vector<8x20000xi32> to vector<8xi32>
    %broadcast_in_dim3A_12 = vector.shape_cast %reduce_sum3A_11 : vector<8xi32> to vector<8x1xi32>
    %sub3A = arith.constant 6000 : i32
    %sub3A_13 = vector.broadcast %sub3A : i32 to vector<8x1xi32>
    %sub3A_14 = arith.subi %sub3A_13, %broadcast_in_dim3A_12 : vector<8x1xi32>
    %broadcast_in_dim3A_15 = arith.constant -1 : i32
    %broadcast_in_dim3A_16 = vector.broadcast %broadcast_in_dim3A_15 : i32 to vector<8x1xi32>
    %broadcast_in_dim3A_17 = arith.constant 19999 : i32
    %broadcast_in_dim3A_18 = vector.broadcast %broadcast_in_dim3A_17 : i32 to vector<8x1xi32>
    %scan3A_19 = arith.constant 0 : i32
    %scan3A_20 = arith.constant 15 : i32
    %scan3A_21 = arith.addi %scan3A_19, %scan3A_20 : i32
    %scan3A_22 = arith.constant 1 : i32
    %scan3A_23:2 = scf.for %scan3A_141 = %scan3A_19 to %scan3A_21 step %scan3A_22 iter_args(%scan3A_142 = %broadcast_in_dim3A_16, %scan3A_143 = %broadcast_in_dim3A_18) -> (vector<8x1xi32>, vector<8x1xi32>)  : i32 {
      %sub3A_144 = arith.subi %scan3A_143, %scan3A_142 : vector<8x1xi32>
      %shift_right_arithmetic3A = arith.constant 1 : i32
      %shift_right_arithmetic3A_145 = vector.broadcast %shift_right_arithmetic3A : i32 to vector<8x1xi32>
      %shift_right_arithmetic3A_146 = arith.shrsi %sub3A_144, %shift_right_arithmetic3A_145 : vector<8x1xi32>
      %add3A_147 = arith.addi %scan3A_142, %shift_right_arithmetic3A_146 : vector<8x1xi32>
      %le3A_148 = vector.broadcast %add3A_147 : vector<8x1xi32> to vector<8x20000xi32>
      %le3A_149 = arith.cmpi sle, %iota3A, %le3A_148 : vector<8x20000xi32>
      %and3A_150 = arith.andi %eq3A_10, %le3A_149 : vector<8x20000xi1>
      %convert_element_type3A_151 = arith.extui %and3A_150 : vector<8x20000xi1> to vector<8x20000xi32>
      %reduce_sum3A_152 = arith.constant dense<0> : vector<8xi32>
      %reduce_sum3A_153 = vector.multi_reduction <add>, %convert_element_type3A_151, %reduce_sum3A_152 [1] : vector<8x20000xi32> to vector<8xi32>
      %broadcast_in_dim3A_154 = vector.shape_cast %reduce_sum3A_153 : vector<8xi32> to vector<8x1xi32>
      %ge3A_155 = arith.cmpi sge, %broadcast_in_dim3A_154, %sub3A_14 : vector<8x1xi32>
      %select_n3A_156 = arith.select %ge3A_155, %scan3A_142, %add3A_147 : vector<8x1xi1>, vector<8x1xi32>
      %select_n3A_157 = arith.select %ge3A_155, %add3A_147, %scan3A_143 : vector<8x1xi1>, vector<8x1xi32>
      scf.yield %select_n3A_156, %select_n3A_157 : vector<8x1xi32>, vector<8x1xi32>
    }
    %le3A = vector.broadcast %scan3A_23#1 : vector<8x1xi32> to vector<8x20000xi32>
    %le3A_24 = arith.cmpi sle, %iota3A, %le3A : vector<8x20000xi32>
    %and3A = arith.andi %eq3A_10, %le3A_24 : vector<8x20000xi1>
    %or3A = arith.ori %gt3A_9, %and3A : vector<8x20000xi1>
    %get3A_25 = arith.constant 0 : index
    %get3A_26 = arith.constant 0 : index
    %get3A_27 = vector.load %arg5[%get3A_25, %get3A_26] : memref<8x20000xf32, #tpu.memory_space<vmem>>, vector<8x20000xf32>
    %get3A_28 = arith.constant 0 : index
    %get3A_29 = arith.constant 0 : index
    %get3A_30 = vector.load %arg6[%get3A_28, %get3A_29] : memref<8x20000xf32, #tpu.memory_space<vmem>>, vector<8x20000xf32>
    %get3A_31 = arith.constant 0 : index
    %get3A_32 = arith.constant 0 : index
    %get3A_33 = vector.load %arg7[%get3A_31, %get3A_32] : memref<8x20000xf32, #tpu.memory_space<vmem>>, vector<8x20000xf32>
    %get3A_34 = arith.constant 0 : index
    %get3A_35 = arith.constant 0 : index
    %get3A_36 = vector.load %arg8[%get3A_34, %get3A_35] : memref<8x20000xf32, #tpu.memory_space<vmem>>, vector<8x20000xf32>
    %get3A_37 = arith.constant 0 : index
    %get3A_38 = arith.constant 0 : index
    %get3A_39 = vector.load %arg1[%get3A_37, %get3A_38] : memref<8x20000xf32, #tpu.memory_space<vmem>>, vector<8x20000xf32>
    %mul3A = arith.constant 1.000000e-01 : f32
    %mul3A_40 = vector.broadcast %mul3A : f32 to vector<8x20000xf32>
    %mul3A_41 = arith.mulf %get3A_39, %mul3A_40 : vector<8x20000xf32>
    %get3A_42 = arith.constant 0 : index
    %get3A_43 = arith.constant 0 : index
    %get3A_44 = vector.load %arg2[%get3A_42, %get3A_43] : memref<8x20000xf32, #tpu.memory_space<vmem>>, vector<8x20000xf32>
    %mul3A_45 = arith.constant 1.000000e-01 : f32
    %mul3A_46 = vector.broadcast %mul3A_45 : f32 to vector<8x20000xf32>
    %mul3A_47 = arith.mulf %get3A_44, %mul3A_46 : vector<8x20000xf32>
    %get3A_48 = arith.constant 0 : index
    %get3A_49 = arith.constant 0 : index
    %get3A_50 = vector.load %arg3[%get3A_48, %get3A_49] : memref<8x20000xf32, #tpu.memory_space<vmem>>, vector<8x20000xf32>
    %mul3A_51 = arith.constant 2.000000e-01 : f32
    %mul3A_52 = vector.broadcast %mul3A_51 : f32 to vector<8x20000xf32>
    %mul3A_53 = arith.mulf %get3A_50, %mul3A_52 : vector<8x20000xf32>
    %get3A_54 = arith.constant 0 : index
    %get3A_55 = arith.constant 0 : index
    %get3A_56 = vector.load %arg4[%get3A_54, %get3A_55] : memref<8x20000xf32, #tpu.memory_space<vmem>>, vector<8x20000xf32>
    %mul3A_57 = arith.constant 2.000000e-01 : f32
    %mul3A_58 = vector.broadcast %mul3A_57 : f32 to vector<8x20000xf32>
    %mul3A_59 = arith.mulf %get3A_56, %mul3A_58 : vector<8x20000xf32>
    %sub3A_60 = arith.subf %get3A_33, %get3A_27 : vector<8x20000xf32>
    %sub3A_61 = arith.subf %get3A_36, %get3A_30 : vector<8x20000xf32>
    %mul3A_62 = arith.constant 5.000000e-01 : f32
    %mul3A_63 = vector.broadcast %mul3A_62 : f32 to vector<8x20000xf32>
    %mul3A_64 = arith.mulf %mul3A_63, %sub3A_60 : vector<8x20000xf32>
    %add3A = arith.addf %get3A_27, %mul3A_64 : vector<8x20000xf32>
    %mul3A_65 = arith.constant 5.000000e-01 : f32
    %mul3A_66 = vector.broadcast %mul3A_65 : f32 to vector<8x20000xf32>
    %mul3A_67 = arith.mulf %mul3A_66, %sub3A_61 : vector<8x20000xf32>
    %add3A_68 = arith.addf %get3A_30, %mul3A_67 : vector<8x20000xf32>
    %mul3A_69 = arith.mulf %mul3A_41, %sub3A_60 : vector<8x20000xf32>
    %add3A_70 = arith.addf %add3A, %mul3A_69 : vector<8x20000xf32>
    %mul3A_71 = arith.mulf %mul3A_47, %sub3A_61 : vector<8x20000xf32>
    %add3A_72 = arith.addf %add3A_68, %mul3A_71 : vector<8x20000xf32>
    %exp3A = math.exp %mul3A_53 : vector<8x20000xf32>
    %mul3A_73 = arith.mulf %sub3A_60, %exp3A : vector<8x20000xf32>
    %exp3A_74 = math.exp %mul3A_59 : vector<8x20000xf32>
    %mul3A_75 = arith.mulf %sub3A_61, %exp3A_74 : vector<8x20000xf32>
    %mul3A_76 = arith.constant 5.000000e-01 : f32
    %mul3A_77 = vector.broadcast %mul3A_76 : f32 to vector<8x20000xf32>
    %mul3A_78 = arith.mulf %mul3A_77, %mul3A_73 : vector<8x20000xf32>
    %sub3A_79 = arith.subf %add3A_70, %mul3A_78 : vector<8x20000xf32>
    %mul3A_80 = arith.constant 5.000000e-01 : f32
    %mul3A_81 = vector.broadcast %mul3A_80 : f32 to vector<8x20000xf32>
    %mul3A_82 = arith.mulf %mul3A_81, %mul3A_75 : vector<8x20000xf32>
    %sub3A_83 = arith.subf %add3A_72, %mul3A_82 : vector<8x20000xf32>
    %add3A_84 = arith.addf %sub3A_79, %mul3A_73 : vector<8x20000xf32>
    %add3A_85 = arith.addf %sub3A_83, %mul3A_75 : vector<8x20000xf32>
    %jit3A = arith.constant 0.000000e+00 : f32
    %jit3A_86 = arith.constant 1.000000e+00 : f32
    %max3A = vector.broadcast %jit3A : f32 to vector<8x20000xf32>
    %max3A_87 = arith.maximumf %max3A, %sub3A_79 : vector<8x20000xf32>
    %min3A = vector.broadcast %jit3A_86 : f32 to vector<8x20000xf32>
    %min3A_88 = arith.minimumf %min3A, %max3A_87 : vector<8x20000xf32>
    %jit3A_89 = arith.constant 0.000000e+00 : f32
    %jit3A_90 = arith.constant 1.000000e+00 : f32
    %max3A_91 = vector.broadcast %jit3A_89 : f32 to vector<8x20000xf32>
    %max3A_92 = arith.maximumf %max3A_91, %sub3A_83 : vector<8x20000xf32>
    %min3A_93 = vector.broadcast %jit3A_90 : f32 to vector<8x20000xf32>
    %min3A_94 = arith.minimumf %min3A_93, %max3A_92 : vector<8x20000xf32>
    %jit3A_95 = arith.constant 0.000000e+00 : f32
    %jit3A_96 = arith.constant 1.000000e+00 : f32
    %max3A_97 = vector.broadcast %jit3A_95 : f32 to vector<8x20000xf32>
    %max3A_98 = arith.maximumf %max3A_97, %add3A_84 : vector<8x20000xf32>
    %min3A_99 = vector.broadcast %jit3A_96 : f32 to vector<8x20000xf32>
    %min3A_100 = arith.minimumf %min3A_99, %max3A_98 : vector<8x20000xf32>
    %jit3A_101 = arith.constant 0.000000e+00 : f32
    %jit3A_102 = arith.constant 1.000000e+00 : f32
    %max3A_103 = vector.broadcast %jit3A_101 : f32 to vector<8x20000xf32>
    %max3A_104 = arith.maximumf %max3A_103, %add3A_85 : vector<8x20000xf32>
    %min3A_105 = vector.broadcast %jit3A_102 : f32 to vector<8x20000xf32>
    %min3A_106 = arith.minimumf %min3A_105, %max3A_104 : vector<8x20000xf32>
    %swap3A = arith.constant 0 : index
    %swap3A_107 = arith.constant 0 : index
    %swap3A_108 = vector.load %arg10[%swap3A, %swap3A_107] : memref<8x20000xf32, #tpu.memory_space<vmem>>, vector<8x20000xf32>
    tpu.vector_store %arg10[%swap3A, %swap3A_107], %min3A_88 {strides = array<i32>} : memref<8x20000xf32, #tpu.memory_space<vmem>>, vector<8x20000xf32>,
    %swap3A_109 = arith.constant 0 : index
    %swap3A_110 = arith.constant 0 : index
    %swap3A_111 = vector.load %arg11[%swap3A_109, %swap3A_110] : memref<8x20000xf32, #tpu.memory_space<vmem>>, vector<8x20000xf32>
    tpu.vector_store %arg11[%swap3A_109, %swap3A_110], %min3A_94 {strides = array<i32>} : memref<8x20000xf32, #tpu.memory_space<vmem>>, vector<8x20000xf32>,
    %swap3A_112 = arith.constant 0 : index
    %swap3A_113 = arith.constant 0 : index
    %swap3A_114 = vector.load %arg12[%swap3A_112, %swap3A_113] : memref<8x20000xf32, #tpu.memory_space<vmem>>, vector<8x20000xf32>
    tpu.vector_store %arg12[%swap3A_112, %swap3A_113], %min3A_100 {strides = array<i32>} : memref<8x20000xf32, #tpu.memory_space<vmem>>, vector<8x20000xf32>,
    %swap3A_115 = arith.constant 0 : index
    %swap3A_116 = arith.constant 0 : index
    %swap3A_117 = vector.load %arg13[%swap3A_115, %swap3A_116] : memref<8x20000xf32, #tpu.memory_space<vmem>>, vector<8x20000xf32>
    tpu.vector_store %arg13[%swap3A_115, %swap3A_116], %min3A_106 {strides = array<i32>} : memref<8x20000xf32, #tpu.memory_space<vmem>>, vector<8x20000xf32>,
    %sub3A_118 = arith.subf %min3A_100, %min3A_88 : vector<8x20000xf32>
    %sub3A_119 = arith.subf %min3A_106, %min3A_94 : vector<8x20000xf32>
    %mul3A_120 = arith.mulf %sub3A_118, %sub3A_119 : vector<8x20000xf32>
    %swap3A_121 = arith.constant 0 : index
    %swap3A_122 = arith.constant 0 : index
    %swap3A_123 = vector.load %arg14[%swap3A_121, %swap3A_122] : memref<8x20000xf32, #tpu.memory_space<vmem>>, vector<8x20000xf32>
    tpu.vector_store %arg14[%swap3A_121, %swap3A_122], %mul3A_120 {strides = array<i32>} : memref<8x20000xf32, #tpu.memory_space<vmem>>, vector<8x20000xf32>,
    %ge3A = arith.constant 5.000000e-01 : f32
    %ge3A_124 = vector.broadcast %ge3A : f32 to vector<8x20000xf32>
    %ge3A_125 = arith.cmpf oge, %get3A_1, %ge3A_124 : vector<8x20000xf32>
    %and3A_126 = arith.andi %or3A, %ge3A_125 : vector<8x20000xi1>
    %jit3A_127 = arith.constant -1.000000e+09 : f32
    %broadcast_in_dim3A_128 = vector.broadcast %jit3A_127 : f32 to vector<8x20000xf32>
    %select_n3A = arith.select %and3A_126, %get3A_1, %broadcast_in_dim3A_128 : vector<8x20000xi1>, vector<8x20000xf32>
    %swap3A_129 = arith.constant 0 : index
    %swap3A_130 = arith.constant 0 : index
    %swap3A_131 = vector.load %arg9[%swap3A_129, %swap3A_130] : memref<8x20000xf32, #tpu.memory_space<vmem>>, vector<8x20000xf32>
    tpu.vector_store %arg9[%swap3A_129, %swap3A_130], %select_n3A {strides = array<i32>} : memref<8x20000xf32, #tpu.memory_space<vmem>>, vector<8x20000xf32>,
    %convert_element_type3A_132 = arith.extui %and3A_126 : vector<8x20000xi1> to vector<8x20000xi32>
    %reduce_sum3A_133 = arith.constant dense<0> : vector<8xi32>
    %reduce_sum3A_134 = vector.multi_reduction <add>, %convert_element_type3A_132, %reduce_sum3A_133 [1] : vector<8x20000xi32> to vector<8xi32>
    %broadcast_in_dim3A_135 = vector.shape_cast %reduce_sum3A_134 : vector<8xi32> to vector<8x1xi32>
    %broadcast_in_dim3A_136 = vector.shape_cast %broadcast_in_dim3A_135 : vector<8x1xi32> to vector<8x1xi32>
    %broadcast_in_dim3A_137 = vector.broadcast %broadcast_in_dim3A_136 : vector<8x1xi32> to vector<8x128xi32>
    %swap3A_138 = arith.constant 0 : index
    %swap3A_139 = arith.constant 0 : index
    %swap3A_140 = vector.load %arg15[%swap3A_138, %swap3A_139] : memref<8x128xi32, #tpu.memory_space<vmem>>, vector<8x128xi32>
    tpu.vector_store %arg15[%swap3A_138, %swap3A_139], %broadcast_in_dim3A_137 {strides = array<i32>} : memref<8x128xi32, #tpu.memory_space<vmem>>, vector<8x128xi32>,
    return
  }
}

module attributes {stable_mosaic.version = 14 : i64} {
  func.func @_nms_kernel(%arg0: memref<8x6144xf32, #tpu.memory_space<vmem>>, %arg1: memref<8x6144xf32, #tpu.memory_space<vmem>>, %arg2: memref<8x6144xf32, #tpu.memory_space<vmem>>, %arg3: memref<8x6144xf32, #tpu.memory_space<vmem>>, %arg4: memref<8x6144xf32, #tpu.memory_space<vmem>>, %arg5: memref<8x6144xf32, #tpu.memory_space<vmem>>, %arg6: memref<8x128xi32, #tpu.memory_space<vmem>>, %arg7: memref<8x1024xf32, #tpu.memory_space<vmem>>, %arg8: memref<8x1024xf32, #tpu.memory_space<vmem>>, %arg9: memref<8x1024xf32, #tpu.memory_space<vmem>>, %arg10: memref<8x1024xf32, #tpu.memory_space<vmem>>) attributes {dimension_semantics = [], scalar_prefetch = 0 : i64, scratch_operands = 0 : i64, tpu.core_type = #tpu.core_type<tc>} {
    %iota3A = tpu.iota {dimensions = array<i32: 1>} : vector<8x6144xi32>
    %get3A = arith.constant 0 : index
    %get3A_0 = arith.constant 0 : index
    %get3A_1 = vector.load %arg6[%get3A, %get3A_0] : memref<8x128xi32, #tpu.memory_space<vmem>>, vector<8x1xi32>
    %lt3A = vector.broadcast %get3A_1 : vector<8x1xi32> to vector<8x6144xi32>
    %lt3A_2 = arith.cmpi slt, %iota3A, %lt3A : vector<8x6144xi32>
    %get3A_3 = arith.constant 0 : index
    %get3A_4 = arith.constant 0 : index
    %get3A_5 = vector.load %arg0[%get3A_3, %get3A_4] : memref<8x6144xf32, #tpu.memory_space<vmem>>, vector<8x6144xf32>
    %jit3A = arith.constant -1.000000e+09 : f32
    %broadcast_in_dim3A = vector.broadcast %jit3A : f32 to vector<8x6144xf32>
    %select_n3A = arith.select %lt3A_2, %get3A_5, %broadcast_in_dim3A : vector<8x6144xi1>, vector<8x6144xf32>
    %iota3A_6 = tpu.iota {dimensions = array<i32: 1>} : vector<8x128xi32>
    %get3A_7 = arith.constant 0 : index
    %get3A_8 = arith.constant 0 : index
    %get3A_9 = vector.load %arg1[%get3A_7, %get3A_8] : memref<8x6144xf32, #tpu.memory_space<vmem>>, vector<8x6144xf32>
    %get3A_10 = arith.constant 0 : index
    %get3A_11 = arith.constant 0 : index
    %get3A_12 = vector.load %arg2[%get3A_10, %get3A_11] : memref<8x6144xf32, #tpu.memory_space<vmem>>, vector<8x6144xf32>
    %get3A_13 = arith.constant 0 : index
    %get3A_14 = arith.constant 0 : index
    %get3A_15 = vector.load %arg3[%get3A_13, %get3A_14] : memref<8x6144xf32, #tpu.memory_space<vmem>>, vector<8x6144xf32>
    %get3A_16 = arith.constant 0 : index
    %get3A_17 = arith.constant 0 : index
    %get3A_18 = vector.load %arg4[%get3A_16, %get3A_17] : memref<8x6144xf32, #tpu.memory_space<vmem>>, vector<8x6144xf32>
    %get3A_19 = arith.constant 0 : index
    %get3A_20 = arith.constant 0 : index
    %get3A_21 = vector.load %arg5[%get3A_19, %get3A_20] : memref<8x6144xf32, #tpu.memory_space<vmem>>, vector<8x6144xf32>
    %scan3A = arith.constant 0 : i32
    %scan3A_22 = arith.constant 8 : i32
    %scan3A_23 = arith.addi %scan3A, %scan3A_22 : i32
    %scan3A_24 = arith.constant 1 : i32
    %scan3A_25 = scf.for %scan3A_27 = %scan3A to %scan3A_23 step %scan3A_24 iter_args(%scan3A_28 = %select_n3A) -> (vector<8x6144xf32>)  : i32 {
      %broadcast_in_dim3A_29 = arith.constant 0.000000e+00 : f32
      %broadcast_in_dim3A_30 = vector.broadcast %broadcast_in_dim3A_29 : f32 to vector<8x128xf32>
      %scan3A_31 = arith.constant 0 : i32
      %scan3A_32 = arith.constant 128 : i32
      %scan3A_33 = arith.addi %scan3A_31, %scan3A_32 : i32
      %scan3A_34 = arith.constant 8 : i32
      %scan3A_35:5 = scf.for %scan3A_49 = %scan3A_31 to %scan3A_33 step %scan3A_34 iter_args(%scan3A_50 = %scan3A_28, %scan3A_51 = %broadcast_in_dim3A_30, %scan3A_52 = %broadcast_in_dim3A_30, %scan3A_53 = %broadcast_in_dim3A_30, %scan3A_54 = %broadcast_in_dim3A_30) -> (vector<8x6144xf32>, vector<8x128xf32>, vector<8x128xf32>, vector<8x128xf32>, vector<8x128xf32>)  : i32 {
        %reduce_max3A = arith.constant dense<0xFF800000> : vector<8xf32>
        %reduce_max3A_55 = vector.multi_reduction <maximumf>, %scan3A_50, %reduce_max3A [1] : vector<8x6144xf32> to vector<8xf32>
        %broadcast_in_dim3A_56 = vector.shape_cast %reduce_max3A_55 : vector<8xf32> to vector<8x1xf32>
        %eq3A = vector.broadcast %broadcast_in_dim3A_56 : vector<8x1xf32> to vector<8x6144xf32>
        %eq3A_57 = arith.cmpf oeq, %scan3A_50, %eq3A : vector<8x6144xf32>
        %jit3A_58 = arith.constant 6144 : i32
        %broadcast_in_dim3A_59 = vector.broadcast %jit3A_58 : i32 to vector<8x6144xi32>
        %select_n3A_60 = arith.select %eq3A_57, %iota3A, %broadcast_in_dim3A_59 : vector<8x6144xi1>, vector<8x6144xi32>
        %reduce_min3A = arith.constant dense<2147483647> : vector<8xi32>
        %reduce_min3A_61 = vector.multi_reduction <minsi>, %select_n3A_60, %reduce_min3A [1] : vector<8x6144xi32> to vector<8xi32>
        %broadcast_in_dim3A_62 = vector.shape_cast %reduce_min3A_61 : vector<8xi32> to vector<8x1xi32>
        %eq3A_63 = vector.broadcast %broadcast_in_dim3A_62 : vector<8x1xi32> to vector<8x6144xi32>
        %eq3A_64 = arith.cmpi eq, %iota3A, %eq3A_63 : vector<8x6144xi32>
        %broadcast_in_dim3A_65 = arith.constant 0.000000e+00 : f32
        %broadcast_in_dim3A_66 = vector.broadcast %broadcast_in_dim3A_65 : f32 to vector<8x6144xf32>
        %select_n3A_67 = arith.select %eq3A_64, %get3A_9, %broadcast_in_dim3A_66 : vector<8x6144xi1>, vector<8x6144xf32>
        %reduce_sum3A = arith.constant dense<0.000000e+00> : vector<8xf32>
        %reduce_sum3A_68 = vector.multi_reduction <add>, %select_n3A_67, %reduce_sum3A [1] : vector<8x6144xf32> to vector<8xf32>
        %broadcast_in_dim3A_69 = vector.shape_cast %reduce_sum3A_68 : vector<8xf32> to vector<8x1xf32>
        %select_n3A_70 = arith.select %eq3A_64, %get3A_12, %broadcast_in_dim3A_66 : vector<8x6144xi1>, vector<8x6144xf32>
        %reduce_sum3A_71 = arith.constant dense<0.000000e+00> : vector<8xf32>
        %reduce_sum3A_72 = vector.multi_reduction <add>, %select_n3A_70, %reduce_sum3A_71 [1] : vector<8x6144xf32> to vector<8xf32>
        %broadcast_in_dim3A_73 = vector.shape_cast %reduce_sum3A_72 : vector<8xf32> to vector<8x1xf32>
        %select_n3A_74 = arith.select %eq3A_64, %get3A_15, %broadcast_in_dim3A_66 : vector<8x6144xi1>, vector<8x6144xf32>
        %reduce_sum3A_75 = arith.constant dense<0.000000e+00> : vector<8xf32>
        %reduce_sum3A_76 = vector.multi_reduction <add>, %select_n3A_74, %reduce_sum3A_75 [1] : vector<8x6144xf32> to vector<8xf32>
        %broadcast_in_dim3A_77 = vector.shape_cast %reduce_sum3A_76 : vector<8xf32> to vector<8x1xf32>
        %select_n3A_78 = arith.select %eq3A_64, %get3A_18, %broadcast_in_dim3A_66 : vector<8x6144xi1>, vector<8x6144xf32>
        %reduce_sum3A_79 = arith.constant dense<0.000000e+00> : vector<8xf32>
        %reduce_sum3A_80 = vector.multi_reduction <add>, %select_n3A_78, %reduce_sum3A_79 [1] : vector<8x6144xf32> to vector<8xf32>
        %broadcast_in_dim3A_81 = vector.shape_cast %reduce_sum3A_80 : vector<8xf32> to vector<8x1xf32>
        %sub3A = arith.subf %broadcast_in_dim3A_77, %broadcast_in_dim3A_69 : vector<8x1xf32>
        %sub3A_82 = arith.subf %broadcast_in_dim3A_81, %broadcast_in_dim3A_73 : vector<8x1xf32>
        %mul3A_83 = arith.mulf %sub3A, %sub3A_82 : vector<8x1xf32>
        %max3A = vector.broadcast %broadcast_in_dim3A_69 : vector<8x1xf32> to vector<8x6144xf32>
        %max3A_84 = arith.maximumf %max3A, %get3A_9 : vector<8x6144xf32>
        %max3A_85 = vector.broadcast %broadcast_in_dim3A_73 : vector<8x1xf32> to vector<8x6144xf32>
        %max3A_86 = arith.maximumf %max3A_85, %get3A_12 : vector<8x6144xf32>
        %min3A = vector.broadcast %broadcast_in_dim3A_77 : vector<8x1xf32> to vector<8x6144xf32>
        %min3A_87 = arith.minimumf %min3A, %get3A_15 : vector<8x6144xf32>
        %min3A_88 = vector.broadcast %broadcast_in_dim3A_81 : vector<8x1xf32> to vector<8x6144xf32>
        %min3A_89 = arith.minimumf %min3A_88, %get3A_18 : vector<8x6144xf32>
        %sub3A_90 = arith.subf %min3A_87, %max3A_84 : vector<8x6144xf32>
        %max3A_91 = arith.constant 0.000000e+00 : f32
        %max3A_92 = vector.broadcast %max3A_91 : f32 to vector<8x6144xf32>
        %max3A_93 = arith.maximumf %sub3A_90, %max3A_92 : vector<8x6144xf32>
        %sub3A_94 = arith.subf %min3A_89, %max3A_86 : vector<8x6144xf32>
        %max3A_95 = arith.constant 0.000000e+00 : f32
        %max3A_96 = vector.broadcast %max3A_95 : f32 to vector<8x6144xf32>
        %max3A_97 = arith.maximumf %sub3A_94, %max3A_96 : vector<8x6144xf32>
        %mul3A_98 = arith.mulf %max3A_93, %max3A_97 : vector<8x6144xf32>
        %add3A = vector.broadcast %mul3A_83 : vector<8x1xf32> to vector<8x6144xf32>
        %add3A_99 = arith.addf %add3A, %get3A_21 : vector<8x6144xf32>
        %sub3A_100 = arith.subf %add3A_99, %mul3A_98 : vector<8x6144xf32>
        %add3A_101 = arith.constant 9.99999993E-9 : f32
        %add3A_102 = vector.broadcast %add3A_101 : f32 to vector<8x6144xf32>
        %add3A_103 = arith.addf %sub3A_100, %add3A_102 : vector<8x6144xf32>
        %div3A = arith.divf %mul3A_98, %add3A_103 : vector<8x6144xf32>
        %gt3A = arith.constant 0.699999988 : f32
        %gt3A_104 = vector.broadcast %gt3A : f32 to vector<8x6144xf32>
        %gt3A_105 = arith.cmpf ogt, %div3A, %gt3A_104 : vector<8x6144xf32>
        %or3A = arith.ori %gt3A_105, %eq3A_64 : vector<8x6144xi1>
        %jit3A_106 = arith.constant -1.000000e+09 : f32
        %broadcast_in_dim3A_107 = vector.broadcast %jit3A_106 : f32 to vector<8x6144xf32>
        %select_n3A_108 = arith.select %or3A, %broadcast_in_dim3A_107, %scan3A_50 : vector<8x6144xi1>, vector<8x6144xf32>
        %gt3A_109 = arith.constant -5.000000e+08 : f32
        %gt3A_110 = vector.broadcast %gt3A_109 : f32 to vector<8x1xf32>
        %gt3A_111 = arith.cmpf ogt, %broadcast_in_dim3A_56, %gt3A_110 : vector<8x1xf32>
        %broadcast_in_dim3A_112 = arith.constant 0.000000e+00 : f32
        %broadcast_in_dim3A_113 = vector.broadcast %broadcast_in_dim3A_112 : f32 to vector<8x1xf32>
        %eq3A_114 = vector.broadcast %scan3A_49 : i32 to vector<8x128xi32>
        %eq3A_115 = arith.cmpi eq, %iota3A_6, %eq3A_114 : vector<8x128xi32>
        %select_n3A_116 = arith.select %gt3A_111, %broadcast_in_dim3A_69, %broadcast_in_dim3A_113 : vector<8x1xi1>, vector<8x1xf32>
        %broadcast_in_dim3A_117 = vector.shape_cast %select_n3A_116 : vector<8x1xf32> to vector<8x1xf32>
        %broadcast_in_dim3A_118 = vector.broadcast %broadcast_in_dim3A_117 : vector<8x1xf32> to vector<8x128xf32>
        %select_n3A_119 = arith.select %eq3A_115, %broadcast_in_dim3A_118, %scan3A_51 : vector<8x128xi1>, vector<8x128xf32>
        %select_n3A_120 = arith.select %gt3A_111, %broadcast_in_dim3A_73, %broadcast_in_dim3A_113 : vector<8x1xi1>, vector<8x1xf32>
        %broadcast_in_dim3A_121 = vector.shape_cast %select_n3A_120 : vector<8x1xf32> to vector<8x1xf32>
        %broadcast_in_dim3A_122 = vector.broadcast %broadcast_in_dim3A_121 : vector<8x1xf32> to vector<8x128xf32>
        %select_n3A_123 = arith.select %eq3A_115, %broadcast_in_dim3A_122, %scan3A_52 : vector<8x128xi1>, vector<8x128xf32>
        %select_n3A_124 = arith.select %gt3A_111, %broadcast_in_dim3A_77, %broadcast_in_dim3A_113 : vector<8x1xi1>, vector<8x1xf32>
        %broadcast_in_dim3A_125 = vector.shape_cast %select_n3A_124 : vector<8x1xf32> to vector<8x1xf32>
        %broadcast_in_dim3A_126 = vector.broadcast %broadcast_in_dim3A_125 : vector<8x1xf32> to vector<8x128xf32>
        %select_n3A_127 = arith.select %eq3A_115, %broadcast_in_dim3A_126, %scan3A_53 : vector<8x128xi1>, vector<8x128xf32>
        %select_n3A_128 = arith.select %gt3A_111, %broadcast_in_dim3A_81, %broadcast_in_dim3A_113 : vector<8x1xi1>, vector<8x1xf32>
        %broadcast_in_dim3A_129 = vector.shape_cast %select_n3A_128 : vector<8x1xf32> to vector<8x1xf32>
        %broadcast_in_dim3A_130 = vector.broadcast %broadcast_in_dim3A_129 : vector<8x1xf32> to vector<8x128xf32>
        %select_n3A_131 = arith.select %eq3A_115, %broadcast_in_dim3A_130, %scan3A_54 : vector<8x128xi1>, vector<8x128xf32>
        %scan3A_132 = arith.constant 1 : i32
        %scan3A_133 = arith.addi %scan3A_49, %scan3A_132 : i32
        %reduce_max3A_134 = arith.constant dense<0xFF800000> : vector<8xf32>
        %reduce_max3A_135 = vector.multi_reduction <maximumf>, %select_n3A_108, %reduce_max3A_134 [1] : vector<8x6144xf32> to vector<8xf32>
        %broadcast_in_dim3A_136 = vector.shape_cast %reduce_max3A_135 : vector<8xf32> to vector<8x1xf32>
        %eq3A_137 = vector.broadcast %broadcast_in_dim3A_136 : vector<8x1xf32> to vector<8x6144xf32>
        %eq3A_138 = arith.cmpf oeq, %select_n3A_108, %eq3A_137 : vector<8x6144xf32>
        %jit3A_139 = arith.constant 6144 : i32
        %broadcast_in_dim3A_140 = vector.broadcast %jit3A_139 : i32 to vector<8x6144xi32>
        %select_n3A_141 = arith.select %eq3A_138, %iota3A, %broadcast_in_dim3A_140 : vector<8x6144xi1>, vector<8x6144xi32>
        %reduce_min3A_142 = arith.constant dense<2147483647> : vector<8xi32>
        %reduce_min3A_143 = vector.multi_reduction <minsi>, %select_n3A_141, %reduce_min3A_142 [1] : vector<8x6144xi32> to vector<8xi32>
        %broadcast_in_dim3A_144 = vector.shape_cast %reduce_min3A_143 : vector<8xi32> to vector<8x1xi32>
        %eq3A_145 = vector.broadcast %broadcast_in_dim3A_144 : vector<8x1xi32> to vector<8x6144xi32>
        %eq3A_146 = arith.cmpi eq, %iota3A, %eq3A_145 : vector<8x6144xi32>
        %broadcast_in_dim3A_147 = arith.constant 0.000000e+00 : f32
        %broadcast_in_dim3A_148 = vector.broadcast %broadcast_in_dim3A_147 : f32 to vector<8x6144xf32>
        %select_n3A_149 = arith.select %eq3A_146, %get3A_9, %broadcast_in_dim3A_148 : vector<8x6144xi1>, vector<8x6144xf32>
        %reduce_sum3A_150 = arith.constant dense<0.000000e+00> : vector<8xf32>
        %reduce_sum3A_151 = vector.multi_reduction <add>, %select_n3A_149, %reduce_sum3A_150 [1] : vector<8x6144xf32> to vector<8xf32>
        %broadcast_in_dim3A_152 = vector.shape_cast %reduce_sum3A_151 : vector<8xf32> to vector<8x1xf32>
        %select_n3A_153 = arith.select %eq3A_146, %get3A_12, %broadcast_in_dim3A_148 : vector<8x6144xi1>, vector<8x6144xf32>
        %reduce_sum3A_154 = arith.constant dense<0.000000e+00> : vector<8xf32>
        %reduce_sum3A_155 = vector.multi_reduction <add>, %select_n3A_153, %reduce_sum3A_154 [1] : vector<8x6144xf32> to vector<8xf32>
        %broadcast_in_dim3A_156 = vector.shape_cast %reduce_sum3A_155 : vector<8xf32> to vector<8x1xf32>
        %select_n3A_157 = arith.select %eq3A_146, %get3A_15, %broadcast_in_dim3A_148 : vector<8x6144xi1>, vector<8x6144xf32>
        %reduce_sum3A_158 = arith.constant dense<0.000000e+00> : vector<8xf32>
        %reduce_sum3A_159 = vector.multi_reduction <add>, %select_n3A_157, %reduce_sum3A_158 [1] : vector<8x6144xf32> to vector<8xf32>
        %broadcast_in_dim3A_160 = vector.shape_cast %reduce_sum3A_159 : vector<8xf32> to vector<8x1xf32>
        %select_n3A_161 = arith.select %eq3A_146, %get3A_18, %broadcast_in_dim3A_148 : vector<8x6144xi1>, vector<8x6144xf32>
        %reduce_sum3A_162 = arith.constant dense<0.000000e+00> : vector<8xf32>
        %reduce_sum3A_163 = vector.multi_reduction <add>, %select_n3A_161, %reduce_sum3A_162 [1] : vector<8x6144xf32> to vector<8xf32>
        %broadcast_in_dim3A_164 = vector.shape_cast %reduce_sum3A_163 : vector<8xf32> to vector<8x1xf32>
        %sub3A_165 = arith.subf %broadcast_in_dim3A_160, %broadcast_in_dim3A_152 : vector<8x1xf32>
        %sub3A_166 = arith.subf %broadcast_in_dim3A_164, %broadcast_in_dim3A_156 : vector<8x1xf32>
        %mul3A_167 = arith.mulf %sub3A_165, %sub3A_166 : vector<8x1xf32>
        %max3A_168 = vector.broadcast %broadcast_in_dim3A_152 : vector<8x1xf32> to vector<8x6144xf32>
        %max3A_169 = arith.maximumf %max3A_168, %get3A_9 : vector<8x6144xf32>
        %max3A_170 = vector.broadcast %broadcast_in_dim3A_156 : vector<8x1xf32> to vector<8x6144xf32>
        %max3A_171 = arith.maximumf %max3A_170, %get3A_12 : vector<8x6144xf32>
        %min3A_172 = vector.broadcast %broadcast_in_dim3A_160 : vector<8x1xf32> to vector<8x6144xf32>
        %min3A_173 = arith.minimumf %min3A_172, %get3A_15 : vector<8x6144xf32>
        %min3A_174 = vector.broadcast %broadcast_in_dim3A_164 : vector<8x1xf32> to vector<8x6144xf32>
        %min3A_175 = arith.minimumf %min3A_174, %get3A_18 : vector<8x6144xf32>
        %sub3A_176 = arith.subf %min3A_173, %max3A_169 : vector<8x6144xf32>
        %max3A_177 = arith.constant 0.000000e+00 : f32
        %max3A_178 = vector.broadcast %max3A_177 : f32 to vector<8x6144xf32>
        %max3A_179 = arith.maximumf %sub3A_176, %max3A_178 : vector<8x6144xf32>
        %sub3A_180 = arith.subf %min3A_175, %max3A_171 : vector<8x6144xf32>
        %max3A_181 = arith.constant 0.000000e+00 : f32
        %max3A_182 = vector.broadcast %max3A_181 : f32 to vector<8x6144xf32>
        %max3A_183 = arith.maximumf %sub3A_180, %max3A_182 : vector<8x6144xf32>
        %mul3A_184 = arith.mulf %max3A_179, %max3A_183 : vector<8x6144xf32>
        %add3A_185 = vector.broadcast %mul3A_167 : vector<8x1xf32> to vector<8x6144xf32>
        %add3A_186 = arith.addf %add3A_185, %get3A_21 : vector<8x6144xf32>
        %sub3A_187 = arith.subf %add3A_186, %mul3A_184 : vector<8x6144xf32>
        %add3A_188 = arith.constant 9.99999993E-9 : f32
        %add3A_189 = vector.broadcast %add3A_188 : f32 to vector<8x6144xf32>
        %add3A_190 = arith.addf %sub3A_187, %add3A_189 : vector<8x6144xf32>
        %div3A_191 = arith.divf %mul3A_184, %add3A_190 : vector<8x6144xf32>
        %gt3A_192 = arith.constant 0.699999988 : f32
        %gt3A_193 = vector.broadcast %gt3A_192 : f32 to vector<8x6144xf32>
        %gt3A_194 = arith.cmpf ogt, %div3A_191, %gt3A_193 : vector<8x6144xf32>
        %or3A_195 = arith.ori %gt3A_194, %eq3A_146 : vector<8x6144xi1>
        %jit3A_196 = arith.constant -1.000000e+09 : f32
        %broadcast_in_dim3A_197 = vector.broadcast %jit3A_196 : f32 to vector<8x6144xf32>
        %select_n3A_198 = arith.select %or3A_195, %broadcast_in_dim3A_197, %select_n3A_108 : vector<8x6144xi1>, vector<8x6144xf32>
        %gt3A_199 = arith.constant -5.000000e+08 : f32
        %gt3A_200 = vector.broadcast %gt3A_199 : f32 to vector<8x1xf32>
        %gt3A_201 = arith.cmpf ogt, %broadcast_in_dim3A_136, %gt3A_200 : vector<8x1xf32>
        %broadcast_in_dim3A_202 = arith.constant 0.000000e+00 : f32
        %broadcast_in_dim3A_203 = vector.broadcast %broadcast_in_dim3A_202 : f32 to vector<8x1xf32>
        %eq3A_204 = vector.broadcast %scan3A_133 : i32 to vector<8x128xi32>
        %eq3A_205 = arith.cmpi eq, %iota3A_6, %eq3A_204 : vector<8x128xi32>
        %select_n3A_206 = arith.select %gt3A_201, %broadcast_in_dim3A_152, %broadcast_in_dim3A_203 : vector<8x1xi1>, vector<8x1xf32>
        %broadcast_in_dim3A_207 = vector.shape_cast %select_n3A_206 : vector<8x1xf32> to vector<8x1xf32>
        %broadcast_in_dim3A_208 = vector.broadcast %broadcast_in_dim3A_207 : vector<8x1xf32> to vector<8x128xf32>
        %select_n3A_209 = arith.select %eq3A_205, %broadcast_in_dim3A_208, %select_n3A_119 : vector<8x128xi1>, vector<8x128xf32>
        %select_n3A_210 = arith.select %gt3A_201, %broadcast_in_dim3A_156, %broadcast_in_dim3A_203 : vector<8x1xi1>, vector<8x1xf32>
        %broadcast_in_dim3A_211 = vector.shape_cast %select_n3A_210 : vector<8x1xf32> to vector<8x1xf32>
        %broadcast_in_dim3A_212 = vector.broadcast %broadcast_in_dim3A_211 : vector<8x1xf32> to vector<8x128xf32>
        %select_n3A_213 = arith.select %eq3A_205, %broadcast_in_dim3A_212, %select_n3A_123 : vector<8x128xi1>, vector<8x128xf32>
        %select_n3A_214 = arith.select %gt3A_201, %broadcast_in_dim3A_160, %broadcast_in_dim3A_203 : vector<8x1xi1>, vector<8x1xf32>
        %broadcast_in_dim3A_215 = vector.shape_cast %select_n3A_214 : vector<8x1xf32> to vector<8x1xf32>
        %broadcast_in_dim3A_216 = vector.broadcast %broadcast_in_dim3A_215 : vector<8x1xf32> to vector<8x128xf32>
        %select_n3A_217 = arith.select %eq3A_205, %broadcast_in_dim3A_216, %select_n3A_127 : vector<8x128xi1>, vector<8x128xf32>
        %select_n3A_218 = arith.select %gt3A_201, %broadcast_in_dim3A_164, %broadcast_in_dim3A_203 : vector<8x1xi1>, vector<8x1xf32>
        %broadcast_in_dim3A_219 = vector.shape_cast %select_n3A_218 : vector<8x1xf32> to vector<8x1xf32>
        %broadcast_in_dim3A_220 = vector.broadcast %broadcast_in_dim3A_219 : vector<8x1xf32> to vector<8x128xf32>
        %select_n3A_221 = arith.select %eq3A_205, %broadcast_in_dim3A_220, %select_n3A_131 : vector<8x128xi1>, vector<8x128xf32>
        %scan3A_222 = arith.constant 2 : i32
        %scan3A_223 = arith.addi %scan3A_49, %scan3A_222 : i32
        %reduce_max3A_224 = arith.constant dense<0xFF800000> : vector<8xf32>
        %reduce_max3A_225 = vector.multi_reduction <maximumf>, %select_n3A_198, %reduce_max3A_224 [1] : vector<8x6144xf32> to vector<8xf32>
        %broadcast_in_dim3A_226 = vector.shape_cast %reduce_max3A_225 : vector<8xf32> to vector<8x1xf32>
        %eq3A_227 = vector.broadcast %broadcast_in_dim3A_226 : vector<8x1xf32> to vector<8x6144xf32>
        %eq3A_228 = arith.cmpf oeq, %select_n3A_198, %eq3A_227 : vector<8x6144xf32>
        %jit3A_229 = arith.constant 6144 : i32
        %broadcast_in_dim3A_230 = vector.broadcast %jit3A_229 : i32 to vector<8x6144xi32>
        %select_n3A_231 = arith.select %eq3A_228, %iota3A, %broadcast_in_dim3A_230 : vector<8x6144xi1>, vector<8x6144xi32>
        %reduce_min3A_232 = arith.constant dense<2147483647> : vector<8xi32>
        %reduce_min3A_233 = vector.multi_reduction <minsi>, %select_n3A_231, %reduce_min3A_232 [1] : vector<8x6144xi32> to vector<8xi32>
        %broadcast_in_dim3A_234 = vector.shape_cast %reduce_min3A_233 : vector<8xi32> to vector<8x1xi32>
        %eq3A_235 = vector.broadcast %broadcast_in_dim3A_234 : vector<8x1xi32> to vector<8x6144xi32>
        %eq3A_236 = arith.cmpi eq, %iota3A, %eq3A_235 : vector<8x6144xi32>
        %broadcast_in_dim3A_237 = arith.constant 0.000000e+00 : f32
        %broadcast_in_dim3A_238 = vector.broadcast %broadcast_in_dim3A_237 : f32 to vector<8x6144xf32>
        %select_n3A_239 = arith.select %eq3A_236, %get3A_9, %broadcast_in_dim3A_238 : vector<8x6144xi1>, vector<8x6144xf32>
        %reduce_sum3A_240 = arith.constant dense<0.000000e+00> : vector<8xf32>
        %reduce_sum3A_241 = vector.multi_reduction <add>, %select_n3A_239, %reduce_sum3A_240 [1] : vector<8x6144xf32> to vector<8xf32>
        %broadcast_in_dim3A_242 = vector.shape_cast %reduce_sum3A_241 : vector<8xf32> to vector<8x1xf32>
        %select_n3A_243 = arith.select %eq3A_236, %get3A_12, %broadcast_in_dim3A_238 : vector<8x6144xi1>, vector<8x6144xf32>
        %reduce_sum3A_244 = arith.constant dense<0.000000e+00> : vector<8xf32>
        %reduce_sum3A_245 = vector.multi_reduction <add>, %select_n3A_243, %reduce_sum3A_244 [1] : vector<8x6144xf32> to vector<8xf32>
        %broadcast_in_dim3A_246 = vector.shape_cast %reduce_sum3A_245 : vector<8xf32> to vector<8x1xf32>
        %select_n3A_247 = arith.select %eq3A_236, %get3A_15, %broadcast_in_dim3A_238 : vector<8x6144xi1>, vector<8x6144xf32>
        %reduce_sum3A_248 = arith.constant dense<0.000000e+00> : vector<8xf32>
        %reduce_sum3A_249 = vector.multi_reduction <add>, %select_n3A_247, %reduce_sum3A_248 [1] : vector<8x6144xf32> to vector<8xf32>
        %broadcast_in_dim3A_250 = vector.shape_cast %reduce_sum3A_249 : vector<8xf32> to vector<8x1xf32>
        %select_n3A_251 = arith.select %eq3A_236, %get3A_18, %broadcast_in_dim3A_238 : vector<8x6144xi1>, vector<8x6144xf32>
        %reduce_sum3A_252 = arith.constant dense<0.000000e+00> : vector<8xf32>
        %reduce_sum3A_253 = vector.multi_reduction <add>, %select_n3A_251, %reduce_sum3A_252 [1] : vector<8x6144xf32> to vector<8xf32>
        %broadcast_in_dim3A_254 = vector.shape_cast %reduce_sum3A_253 : vector<8xf32> to vector<8x1xf32>
        %sub3A_255 = arith.subf %broadcast_in_dim3A_250, %broadcast_in_dim3A_242 : vector<8x1xf32>
        %sub3A_256 = arith.subf %broadcast_in_dim3A_254, %broadcast_in_dim3A_246 : vector<8x1xf32>
        %mul3A_257 = arith.mulf %sub3A_255, %sub3A_256 : vector<8x1xf32>
        %max3A_258 = vector.broadcast %broadcast_in_dim3A_242 : vector<8x1xf32> to vector<8x6144xf32>
        %max3A_259 = arith.maximumf %max3A_258, %get3A_9 : vector<8x6144xf32>
        %max3A_260 = vector.broadcast %broadcast_in_dim3A_246 : vector<8x1xf32> to vector<8x6144xf32>
        %max3A_261 = arith.maximumf %max3A_260, %get3A_12 : vector<8x6144xf32>
        %min3A_262 = vector.broadcast %broadcast_in_dim3A_250 : vector<8x1xf32> to vector<8x6144xf32>
        %min3A_263 = arith.minimumf %min3A_262, %get3A_15 : vector<8x6144xf32>
        %min3A_264 = vector.broadcast %broadcast_in_dim3A_254 : vector<8x1xf32> to vector<8x6144xf32>
        %min3A_265 = arith.minimumf %min3A_264, %get3A_18 : vector<8x6144xf32>
        %sub3A_266 = arith.subf %min3A_263, %max3A_259 : vector<8x6144xf32>
        %max3A_267 = arith.constant 0.000000e+00 : f32
        %max3A_268 = vector.broadcast %max3A_267 : f32 to vector<8x6144xf32>
        %max3A_269 = arith.maximumf %sub3A_266, %max3A_268 : vector<8x6144xf32>
        %sub3A_270 = arith.subf %min3A_265, %max3A_261 : vector<8x6144xf32>
        %max3A_271 = arith.constant 0.000000e+00 : f32
        %max3A_272 = vector.broadcast %max3A_271 : f32 to vector<8x6144xf32>
        %max3A_273 = arith.maximumf %sub3A_270, %max3A_272 : vector<8x6144xf32>
        %mul3A_274 = arith.mulf %max3A_269, %max3A_273 : vector<8x6144xf32>
        %add3A_275 = vector.broadcast %mul3A_257 : vector<8x1xf32> to vector<8x6144xf32>
        %add3A_276 = arith.addf %add3A_275, %get3A_21 : vector<8x6144xf32>
        %sub3A_277 = arith.subf %add3A_276, %mul3A_274 : vector<8x6144xf32>
        %add3A_278 = arith.constant 9.99999993E-9 : f32
        %add3A_279 = vector.broadcast %add3A_278 : f32 to vector<8x6144xf32>
        %add3A_280 = arith.addf %sub3A_277, %add3A_279 : vector<8x6144xf32>
        %div3A_281 = arith.divf %mul3A_274, %add3A_280 : vector<8x6144xf32>
        %gt3A_282 = arith.constant 0.699999988 : f32
        %gt3A_283 = vector.broadcast %gt3A_282 : f32 to vector<8x6144xf32>
        %gt3A_284 = arith.cmpf ogt, %div3A_281, %gt3A_283 : vector<8x6144xf32>
        %or3A_285 = arith.ori %gt3A_284, %eq3A_236 : vector<8x6144xi1>
        %jit3A_286 = arith.constant -1.000000e+09 : f32
        %broadcast_in_dim3A_287 = vector.broadcast %jit3A_286 : f32 to vector<8x6144xf32>
        %select_n3A_288 = arith.select %or3A_285, %broadcast_in_dim3A_287, %select_n3A_198 : vector<8x6144xi1>, vector<8x6144xf32>
        %gt3A_289 = arith.constant -5.000000e+08 : f32
        %gt3A_290 = vector.broadcast %gt3A_289 : f32 to vector<8x1xf32>
        %gt3A_291 = arith.cmpf ogt, %broadcast_in_dim3A_226, %gt3A_290 : vector<8x1xf32>
        %broadcast_in_dim3A_292 = arith.constant 0.000000e+00 : f32
        %broadcast_in_dim3A_293 = vector.broadcast %broadcast_in_dim3A_292 : f32 to vector<8x1xf32>
        %eq3A_294 = vector.broadcast %scan3A_223 : i32 to vector<8x128xi32>
        %eq3A_295 = arith.cmpi eq, %iota3A_6, %eq3A_294 : vector<8x128xi32>
        %select_n3A_296 = arith.select %gt3A_291, %broadcast_in_dim3A_242, %broadcast_in_dim3A_293 : vector<8x1xi1>, vector<8x1xf32>
        %broadcast_in_dim3A_297 = vector.shape_cast %select_n3A_296 : vector<8x1xf32> to vector<8x1xf32>
        %broadcast_in_dim3A_298 = vector.broadcast %broadcast_in_dim3A_297 : vector<8x1xf32> to vector<8x128xf32>
        %select_n3A_299 = arith.select %eq3A_295, %broadcast_in_dim3A_298, %select_n3A_209 : vector<8x128xi1>, vector<8x128xf32>
        %select_n3A_300 = arith.select %gt3A_291, %broadcast_in_dim3A_246, %broadcast_in_dim3A_293 : vector<8x1xi1>, vector<8x1xf32>
        %broadcast_in_dim3A_301 = vector.shape_cast %select_n3A_300 : vector<8x1xf32> to vector<8x1xf32>
        %broadcast_in_dim3A_302 = vector.broadcast %broadcast_in_dim3A_301 : vector<8x1xf32> to vector<8x128xf32>
        %select_n3A_303 = arith.select %eq3A_295, %broadcast_in_dim3A_302, %select_n3A_213 : vector<8x128xi1>, vector<8x128xf32>
        %select_n3A_304 = arith.select %gt3A_291, %broadcast_in_dim3A_250, %broadcast_in_dim3A_293 : vector<8x1xi1>, vector<8x1xf32>
        %broadcast_in_dim3A_305 = vector.shape_cast %select_n3A_304 : vector<8x1xf32> to vector<8x1xf32>
        %broadcast_in_dim3A_306 = vector.broadcast %broadcast_in_dim3A_305 : vector<8x1xf32> to vector<8x128xf32>
        %select_n3A_307 = arith.select %eq3A_295, %broadcast_in_dim3A_306, %select_n3A_217 : vector<8x128xi1>, vector<8x128xf32>
        %select_n3A_308 = arith.select %gt3A_291, %broadcast_in_dim3A_254, %broadcast_in_dim3A_293 : vector<8x1xi1>, vector<8x1xf32>
        %broadcast_in_dim3A_309 = vector.shape_cast %select_n3A_308 : vector<8x1xf32> to vector<8x1xf32>
        %broadcast_in_dim3A_310 = vector.broadcast %broadcast_in_dim3A_309 : vector<8x1xf32> to vector<8x128xf32>
        %select_n3A_311 = arith.select %eq3A_295, %broadcast_in_dim3A_310, %select_n3A_221 : vector<8x128xi1>, vector<8x128xf32>
        %scan3A_312 = arith.constant 3 : i32
        %scan3A_313 = arith.addi %scan3A_49, %scan3A_312 : i32
        %reduce_max3A_314 = arith.constant dense<0xFF800000> : vector<8xf32>
        %reduce_max3A_315 = vector.multi_reduction <maximumf>, %select_n3A_288, %reduce_max3A_314 [1] : vector<8x6144xf32> to vector<8xf32>
        %broadcast_in_dim3A_316 = vector.shape_cast %reduce_max3A_315 : vector<8xf32> to vector<8x1xf32>
        %eq3A_317 = vector.broadcast %broadcast_in_dim3A_316 : vector<8x1xf32> to vector<8x6144xf32>
        %eq3A_318 = arith.cmpf oeq, %select_n3A_288, %eq3A_317 : vector<8x6144xf32>
        %jit3A_319 = arith.constant 6144 : i32
        %broadcast_in_dim3A_320 = vector.broadcast %jit3A_319 : i32 to vector<8x6144xi32>
        %select_n3A_321 = arith.select %eq3A_318, %iota3A, %broadcast_in_dim3A_320 : vector<8x6144xi1>, vector<8x6144xi32>
        %reduce_min3A_322 = arith.constant dense<2147483647> : vector<8xi32>
        %reduce_min3A_323 = vector.multi_reduction <minsi>, %select_n3A_321, %reduce_min3A_322 [1] : vector<8x6144xi32> to vector<8xi32>
        %broadcast_in_dim3A_324 = vector.shape_cast %reduce_min3A_323 : vector<8xi32> to vector<8x1xi32>
        %eq3A_325 = vector.broadcast %broadcast_in_dim3A_324 : vector<8x1xi32> to vector<8x6144xi32>
        %eq3A_326 = arith.cmpi eq, %iota3A, %eq3A_325 : vector<8x6144xi32>
        %broadcast_in_dim3A_327 = arith.constant 0.000000e+00 : f32
        %broadcast_in_dim3A_328 = vector.broadcast %broadcast_in_dim3A_327 : f32 to vector<8x6144xf32>
        %select_n3A_329 = arith.select %eq3A_326, %get3A_9, %broadcast_in_dim3A_328 : vector<8x6144xi1>, vector<8x6144xf32>
        %reduce_sum3A_330 = arith.constant dense<0.000000e+00> : vector<8xf32>
        %reduce_sum3A_331 = vector.multi_reduction <add>, %select_n3A_329, %reduce_sum3A_330 [1] : vector<8x6144xf32> to vector<8xf32>
        %broadcast_in_dim3A_332 = vector.shape_cast %reduce_sum3A_331 : vector<8xf32> to vector<8x1xf32>
        %select_n3A_333 = arith.select %eq3A_326, %get3A_12, %broadcast_in_dim3A_328 : vector<8x6144xi1>, vector<8x6144xf32>
        %reduce_sum3A_334 = arith.constant dense<0.000000e+00> : vector<8xf32>
        %reduce_sum3A_335 = vector.multi_reduction <add>, %select_n3A_333, %reduce_sum3A_334 [1] : vector<8x6144xf32> to vector<8xf32>
        %broadcast_in_dim3A_336 = vector.shape_cast %reduce_sum3A_335 : vector<8xf32> to vector<8x1xf32>
        %select_n3A_337 = arith.select %eq3A_326, %get3A_15, %broadcast_in_dim3A_328 : vector<8x6144xi1>, vector<8x6144xf32>
        %reduce_sum3A_338 = arith.constant dense<0.000000e+00> : vector<8xf32>
        %reduce_sum3A_339 = vector.multi_reduction <add>, %select_n3A_337, %reduce_sum3A_338 [1] : vector<8x6144xf32> to vector<8xf32>
        %broadcast_in_dim3A_340 = vector.shape_cast %reduce_sum3A_339 : vector<8xf32> to vector<8x1xf32>
        %select_n3A_341 = arith.select %eq3A_326, %get3A_18, %broadcast_in_dim3A_328 : vector<8x6144xi1>, vector<8x6144xf32>
        %reduce_sum3A_342 = arith.constant dense<0.000000e+00> : vector<8xf32>
        %reduce_sum3A_343 = vector.multi_reduction <add>, %select_n3A_341, %reduce_sum3A_342 [1] : vector<8x6144xf32> to vector<8xf32>
        %broadcast_in_dim3A_344 = vector.shape_cast %reduce_sum3A_343 : vector<8xf32> to vector<8x1xf32>
        %sub3A_345 = arith.subf %broadcast_in_dim3A_340, %broadcast_in_dim3A_332 : vector<8x1xf32>
        %sub3A_346 = arith.subf %broadcast_in_dim3A_344, %broadcast_in_dim3A_336 : vector<8x1xf32>
        %mul3A_347 = arith.mulf %sub3A_345, %sub3A_346 : vector<8x1xf32>
        %max3A_348 = vector.broadcast %broadcast_in_dim3A_332 : vector<8x1xf32> to vector<8x6144xf32>
        %max3A_349 = arith.maximumf %max3A_348, %get3A_9 : vector<8x6144xf32>
        %max3A_350 = vector.broadcast %broadcast_in_dim3A_336 : vector<8x1xf32> to vector<8x6144xf32>
        %max3A_351 = arith.maximumf %max3A_350, %get3A_12 : vector<8x6144xf32>
        %min3A_352 = vector.broadcast %broadcast_in_dim3A_340 : vector<8x1xf32> to vector<8x6144xf32>
        %min3A_353 = arith.minimumf %min3A_352, %get3A_15 : vector<8x6144xf32>
        %min3A_354 = vector.broadcast %broadcast_in_dim3A_344 : vector<8x1xf32> to vector<8x6144xf32>
        %min3A_355 = arith.minimumf %min3A_354, %get3A_18 : vector<8x6144xf32>
        %sub3A_356 = arith.subf %min3A_353, %max3A_349 : vector<8x6144xf32>
        %max3A_357 = arith.constant 0.000000e+00 : f32
        %max3A_358 = vector.broadcast %max3A_357 : f32 to vector<8x6144xf32>
        %max3A_359 = arith.maximumf %sub3A_356, %max3A_358 : vector<8x6144xf32>
        %sub3A_360 = arith.subf %min3A_355, %max3A_351 : vector<8x6144xf32>
        %max3A_361 = arith.constant 0.000000e+00 : f32
        %max3A_362 = vector.broadcast %max3A_361 : f32 to vector<8x6144xf32>
        %max3A_363 = arith.maximumf %sub3A_360, %max3A_362 : vector<8x6144xf32>
        %mul3A_364 = arith.mulf %max3A_359, %max3A_363 : vector<8x6144xf32>
        %add3A_365 = vector.broadcast %mul3A_347 : vector<8x1xf32> to vector<8x6144xf32>
        %add3A_366 = arith.addf %add3A_365, %get3A_21 : vector<8x6144xf32>
        %sub3A_367 = arith.subf %add3A_366, %mul3A_364 : vector<8x6144xf32>
        %add3A_368 = arith.constant 9.99999993E-9 : f32
        %add3A_369 = vector.broadcast %add3A_368 : f32 to vector<8x6144xf32>
        %add3A_370 = arith.addf %sub3A_367, %add3A_369 : vector<8x6144xf32>
        %div3A_371 = arith.divf %mul3A_364, %add3A_370 : vector<8x6144xf32>
        %gt3A_372 = arith.constant 0.699999988 : f32
        %gt3A_373 = vector.broadcast %gt3A_372 : f32 to vector<8x6144xf32>
        %gt3A_374 = arith.cmpf ogt, %div3A_371, %gt3A_373 : vector<8x6144xf32>
        %or3A_375 = arith.ori %gt3A_374, %eq3A_326 : vector<8x6144xi1>
        %jit3A_376 = arith.constant -1.000000e+09 : f32
        %broadcast_in_dim3A_377 = vector.broadcast %jit3A_376 : f32 to vector<8x6144xf32>
        %select_n3A_378 = arith.select %or3A_375, %broadcast_in_dim3A_377, %select_n3A_288 : vector<8x6144xi1>, vector<8x6144xf32>
        %gt3A_379 = arith.constant -5.000000e+08 : f32
        %gt3A_380 = vector.broadcast %gt3A_379 : f32 to vector<8x1xf32>
        %gt3A_381 = arith.cmpf ogt, %broadcast_in_dim3A_316, %gt3A_380 : vector<8x1xf32>
        %broadcast_in_dim3A_382 = arith.constant 0.000000e+00 : f32
        %broadcast_in_dim3A_383 = vector.broadcast %broadcast_in_dim3A_382 : f32 to vector<8x1xf32>
        %eq3A_384 = vector.broadcast %scan3A_313 : i32 to vector<8x128xi32>
        %eq3A_385 = arith.cmpi eq, %iota3A_6, %eq3A_384 : vector<8x128xi32>
        %select_n3A_386 = arith.select %gt3A_381, %broadcast_in_dim3A_332, %broadcast_in_dim3A_383 : vector<8x1xi1>, vector<8x1xf32>
        %broadcast_in_dim3A_387 = vector.shape_cast %select_n3A_386 : vector<8x1xf32> to vector<8x1xf32>
        %broadcast_in_dim3A_388 = vector.broadcast %broadcast_in_dim3A_387 : vector<8x1xf32> to vector<8x128xf32>
        %select_n3A_389 = arith.select %eq3A_385, %broadcast_in_dim3A_388, %select_n3A_299 : vector<8x128xi1>, vector<8x128xf32>
        %select_n3A_390 = arith.select %gt3A_381, %broadcast_in_dim3A_336, %broadcast_in_dim3A_383 : vector<8x1xi1>, vector<8x1xf32>
        %broadcast_in_dim3A_391 = vector.shape_cast %select_n3A_390 : vector<8x1xf32> to vector<8x1xf32>
        %broadcast_in_dim3A_392 = vector.broadcast %broadcast_in_dim3A_391 : vector<8x1xf32> to vector<8x128xf32>
        %select_n3A_393 = arith.select %eq3A_385, %broadcast_in_dim3A_392, %select_n3A_303 : vector<8x128xi1>, vector<8x128xf32>
        %select_n3A_394 = arith.select %gt3A_381, %broadcast_in_dim3A_340, %broadcast_in_dim3A_383 : vector<8x1xi1>, vector<8x1xf32>
        %broadcast_in_dim3A_395 = vector.shape_cast %select_n3A_394 : vector<8x1xf32> to vector<8x1xf32>
        %broadcast_in_dim3A_396 = vector.broadcast %broadcast_in_dim3A_395 : vector<8x1xf32> to vector<8x128xf32>
        %select_n3A_397 = arith.select %eq3A_385, %broadcast_in_dim3A_396, %select_n3A_307 : vector<8x128xi1>, vector<8x128xf32>
        %select_n3A_398 = arith.select %gt3A_381, %broadcast_in_dim3A_344, %broadcast_in_dim3A_383 : vector<8x1xi1>, vector<8x1xf32>
        %broadcast_in_dim3A_399 = vector.shape_cast %select_n3A_398 : vector<8x1xf32> to vector<8x1xf32>
        %broadcast_in_dim3A_400 = vector.broadcast %broadcast_in_dim3A_399 : vector<8x1xf32> to vector<8x128xf32>
        %select_n3A_401 = arith.select %eq3A_385, %broadcast_in_dim3A_400, %select_n3A_311 : vector<8x128xi1>, vector<8x128xf32>
        %scan3A_402 = arith.constant 4 : i32
        %scan3A_403 = arith.addi %scan3A_49, %scan3A_402 : i32
        %reduce_max3A_404 = arith.constant dense<0xFF800000> : vector<8xf32>
        %reduce_max3A_405 = vector.multi_reduction <maximumf>, %select_n3A_378, %reduce_max3A_404 [1] : vector<8x6144xf32> to vector<8xf32>
        %broadcast_in_dim3A_406 = vector.shape_cast %reduce_max3A_405 : vector<8xf32> to vector<8x1xf32>
        %eq3A_407 = vector.broadcast %broadcast_in_dim3A_406 : vector<8x1xf32> to vector<8x6144xf32>
        %eq3A_408 = arith.cmpf oeq, %select_n3A_378, %eq3A_407 : vector<8x6144xf32>
        %jit3A_409 = arith.constant 6144 : i32
        %broadcast_in_dim3A_410 = vector.broadcast %jit3A_409 : i32 to vector<8x6144xi32>
        %select_n3A_411 = arith.select %eq3A_408, %iota3A, %broadcast_in_dim3A_410 : vector<8x6144xi1>, vector<8x6144xi32>
        %reduce_min3A_412 = arith.constant dense<2147483647> : vector<8xi32>
        %reduce_min3A_413 = vector.multi_reduction <minsi>, %select_n3A_411, %reduce_min3A_412 [1] : vector<8x6144xi32> to vector<8xi32>
        %broadcast_in_dim3A_414 = vector.shape_cast %reduce_min3A_413 : vector<8xi32> to vector<8x1xi32>
        %eq3A_415 = vector.broadcast %broadcast_in_dim3A_414 : vector<8x1xi32> to vector<8x6144xi32>
        %eq3A_416 = arith.cmpi eq, %iota3A, %eq3A_415 : vector<8x6144xi32>
        %broadcast_in_dim3A_417 = arith.constant 0.000000e+00 : f32
        %broadcast_in_dim3A_418 = vector.broadcast %broadcast_in_dim3A_417 : f32 to vector<8x6144xf32>
        %select_n3A_419 = arith.select %eq3A_416, %get3A_9, %broadcast_in_dim3A_418 : vector<8x6144xi1>, vector<8x6144xf32>
        %reduce_sum3A_420 = arith.constant dense<0.000000e+00> : vector<8xf32>
        %reduce_sum3A_421 = vector.multi_reduction <add>, %select_n3A_419, %reduce_sum3A_420 [1] : vector<8x6144xf32> to vector<8xf32>
        %broadcast_in_dim3A_422 = vector.shape_cast %reduce_sum3A_421 : vector<8xf32> to vector<8x1xf32>
        %select_n3A_423 = arith.select %eq3A_416, %get3A_12, %broadcast_in_dim3A_418 : vector<8x6144xi1>, vector<8x6144xf32>
        %reduce_sum3A_424 = arith.constant dense<0.000000e+00> : vector<8xf32>
        %reduce_sum3A_425 = vector.multi_reduction <add>, %select_n3A_423, %reduce_sum3A_424 [1] : vector<8x6144xf32> to vector<8xf32>
        %broadcast_in_dim3A_426 = vector.shape_cast %reduce_sum3A_425 : vector<8xf32> to vector<8x1xf32>
        %select_n3A_427 = arith.select %eq3A_416, %get3A_15, %broadcast_in_dim3A_418 : vector<8x6144xi1>, vector<8x6144xf32>
        %reduce_sum3A_428 = arith.constant dense<0.000000e+00> : vector<8xf32>
        %reduce_sum3A_429 = vector.multi_reduction <add>, %select_n3A_427, %reduce_sum3A_428 [1] : vector<8x6144xf32> to vector<8xf32>
        %broadcast_in_dim3A_430 = vector.shape_cast %reduce_sum3A_429 : vector<8xf32> to vector<8x1xf32>
        %select_n3A_431 = arith.select %eq3A_416, %get3A_18, %broadcast_in_dim3A_418 : vector<8x6144xi1>, vector<8x6144xf32>
        %reduce_sum3A_432 = arith.constant dense<0.000000e+00> : vector<8xf32>
        %reduce_sum3A_433 = vector.multi_reduction <add>, %select_n3A_431, %reduce_sum3A_432 [1] : vector<8x6144xf32> to vector<8xf32>
        %broadcast_in_dim3A_434 = vector.shape_cast %reduce_sum3A_433 : vector<8xf32> to vector<8x1xf32>
        %sub3A_435 = arith.subf %broadcast_in_dim3A_430, %broadcast_in_dim3A_422 : vector<8x1xf32>
        %sub3A_436 = arith.subf %broadcast_in_dim3A_434, %broadcast_in_dim3A_426 : vector<8x1xf32>
        %mul3A_437 = arith.mulf %sub3A_435, %sub3A_436 : vector<8x1xf32>
        %max3A_438 = vector.broadcast %broadcast_in_dim3A_422 : vector<8x1xf32> to vector<8x6144xf32>
        %max3A_439 = arith.maximumf %max3A_438, %get3A_9 : vector<8x6144xf32>
        %max3A_440 = vector.broadcast %broadcast_in_dim3A_426 : vector<8x1xf32> to vector<8x6144xf32>
        %max3A_441 = arith.maximumf %max3A_440, %get3A_12 : vector<8x6144xf32>
        %min3A_442 = vector.broadcast %broadcast_in_dim3A_430 : vector<8x1xf32> to vector<8x6144xf32>
        %min3A_443 = arith.minimumf %min3A_442, %get3A_15 : vector<8x6144xf32>
        %min3A_444 = vector.broadcast %broadcast_in_dim3A_434 : vector<8x1xf32> to vector<8x6144xf32>
        %min3A_445 = arith.minimumf %min3A_444, %get3A_18 : vector<8x6144xf32>
        %sub3A_446 = arith.subf %min3A_443, %max3A_439 : vector<8x6144xf32>
        %max3A_447 = arith.constant 0.000000e+00 : f32
        %max3A_448 = vector.broadcast %max3A_447 : f32 to vector<8x6144xf32>
        %max3A_449 = arith.maximumf %sub3A_446, %max3A_448 : vector<8x6144xf32>
        %sub3A_450 = arith.subf %min3A_445, %max3A_441 : vector<8x6144xf32>
        %max3A_451 = arith.constant 0.000000e+00 : f32
        %max3A_452 = vector.broadcast %max3A_451 : f32 to vector<8x6144xf32>
        %max3A_453 = arith.maximumf %sub3A_450, %max3A_452 : vector<8x6144xf32>
        %mul3A_454 = arith.mulf %max3A_449, %max3A_453 : vector<8x6144xf32>
        %add3A_455 = vector.broadcast %mul3A_437 : vector<8x1xf32> to vector<8x6144xf32>
        %add3A_456 = arith.addf %add3A_455, %get3A_21 : vector<8x6144xf32>
        %sub3A_457 = arith.subf %add3A_456, %mul3A_454 : vector<8x6144xf32>
        %add3A_458 = arith.constant 9.99999993E-9 : f32
        %add3A_459 = vector.broadcast %add3A_458 : f32 to vector<8x6144xf32>
        %add3A_460 = arith.addf %sub3A_457, %add3A_459 : vector<8x6144xf32>
        %div3A_461 = arith.divf %mul3A_454, %add3A_460 : vector<8x6144xf32>
        %gt3A_462 = arith.constant 0.699999988 : f32
        %gt3A_463 = vector.broadcast %gt3A_462 : f32 to vector<8x6144xf32>
        %gt3A_464 = arith.cmpf ogt, %div3A_461, %gt3A_463 : vector<8x6144xf32>
        %or3A_465 = arith.ori %gt3A_464, %eq3A_416 : vector<8x6144xi1>
        %jit3A_466 = arith.constant -1.000000e+09 : f32
        %broadcast_in_dim3A_467 = vector.broadcast %jit3A_466 : f32 to vector<8x6144xf32>
        %select_n3A_468 = arith.select %or3A_465, %broadcast_in_dim3A_467, %select_n3A_378 : vector<8x6144xi1>, vector<8x6144xf32>
        %gt3A_469 = arith.constant -5.000000e+08 : f32
        %gt3A_470 = vector.broadcast %gt3A_469 : f32 to vector<8x1xf32>
        %gt3A_471 = arith.cmpf ogt, %broadcast_in_dim3A_406, %gt3A_470 : vector<8x1xf32>
        %broadcast_in_dim3A_472 = arith.constant 0.000000e+00 : f32
        %broadcast_in_dim3A_473 = vector.broadcast %broadcast_in_dim3A_472 : f32 to vector<8x1xf32>
        %eq3A_474 = vector.broadcast %scan3A_403 : i32 to vector<8x128xi32>
        %eq3A_475 = arith.cmpi eq, %iota3A_6, %eq3A_474 : vector<8x128xi32>
        %select_n3A_476 = arith.select %gt3A_471, %broadcast_in_dim3A_422, %broadcast_in_dim3A_473 : vector<8x1xi1>, vector<8x1xf32>
        %broadcast_in_dim3A_477 = vector.shape_cast %select_n3A_476 : vector<8x1xf32> to vector<8x1xf32>
        %broadcast_in_dim3A_478 = vector.broadcast %broadcast_in_dim3A_477 : vector<8x1xf32> to vector<8x128xf32>
        %select_n3A_479 = arith.select %eq3A_475, %broadcast_in_dim3A_478, %select_n3A_389 : vector<8x128xi1>, vector<8x128xf32>
        %select_n3A_480 = arith.select %gt3A_471, %broadcast_in_dim3A_426, %broadcast_in_dim3A_473 : vector<8x1xi1>, vector<8x1xf32>
        %broadcast_in_dim3A_481 = vector.shape_cast %select_n3A_480 : vector<8x1xf32> to vector<8x1xf32>
        %broadcast_in_dim3A_482 = vector.broadcast %broadcast_in_dim3A_481 : vector<8x1xf32> to vector<8x128xf32>
        %select_n3A_483 = arith.select %eq3A_475, %broadcast_in_dim3A_482, %select_n3A_393 : vector<8x128xi1>, vector<8x128xf32>
        %select_n3A_484 = arith.select %gt3A_471, %broadcast_in_dim3A_430, %broadcast_in_dim3A_473 : vector<8x1xi1>, vector<8x1xf32>
        %broadcast_in_dim3A_485 = vector.shape_cast %select_n3A_484 : vector<8x1xf32> to vector<8x1xf32>
        %broadcast_in_dim3A_486 = vector.broadcast %broadcast_in_dim3A_485 : vector<8x1xf32> to vector<8x128xf32>
        %select_n3A_487 = arith.select %eq3A_475, %broadcast_in_dim3A_486, %select_n3A_397 : vector<8x128xi1>, vector<8x128xf32>
        %select_n3A_488 = arith.select %gt3A_471, %broadcast_in_dim3A_434, %broadcast_in_dim3A_473 : vector<8x1xi1>, vector<8x1xf32>
        %broadcast_in_dim3A_489 = vector.shape_cast %select_n3A_488 : vector<8x1xf32> to vector<8x1xf32>
        %broadcast_in_dim3A_490 = vector.broadcast %broadcast_in_dim3A_489 : vector<8x1xf32> to vector<8x128xf32>
        %select_n3A_491 = arith.select %eq3A_475, %broadcast_in_dim3A_490, %select_n3A_401 : vector<8x128xi1>, vector<8x128xf32>
        %scan3A_492 = arith.constant 5 : i32
        %scan3A_493 = arith.addi %scan3A_49, %scan3A_492 : i32
        %reduce_max3A_494 = arith.constant dense<0xFF800000> : vector<8xf32>
        %reduce_max3A_495 = vector.multi_reduction <maximumf>, %select_n3A_468, %reduce_max3A_494 [1] : vector<8x6144xf32> to vector<8xf32>
        %broadcast_in_dim3A_496 = vector.shape_cast %reduce_max3A_495 : vector<8xf32> to vector<8x1xf32>
        %eq3A_497 = vector.broadcast %broadcast_in_dim3A_496 : vector<8x1xf32> to vector<8x6144xf32>
        %eq3A_498 = arith.cmpf oeq, %select_n3A_468, %eq3A_497 : vector<8x6144xf32>
        %jit3A_499 = arith.constant 6144 : i32
        %broadcast_in_dim3A_500 = vector.broadcast %jit3A_499 : i32 to vector<8x6144xi32>
        %select_n3A_501 = arith.select %eq3A_498, %iota3A, %broadcast_in_dim3A_500 : vector<8x6144xi1>, vector<8x6144xi32>
        %reduce_min3A_502 = arith.constant dense<2147483647> : vector<8xi32>
        %reduce_min3A_503 = vector.multi_reduction <minsi>, %select_n3A_501, %reduce_min3A_502 [1] : vector<8x6144xi32> to vector<8xi32>
        %broadcast_in_dim3A_504 = vector.shape_cast %reduce_min3A_503 : vector<8xi32> to vector<8x1xi32>
        %eq3A_505 = vector.broadcast %broadcast_in_dim3A_504 : vector<8x1xi32> to vector<8x6144xi32>
        %eq3A_506 = arith.cmpi eq, %iota3A, %eq3A_505 : vector<8x6144xi32>
        %broadcast_in_dim3A_507 = arith.constant 0.000000e+00 : f32
        %broadcast_in_dim3A_508 = vector.broadcast %broadcast_in_dim3A_507 : f32 to vector<8x6144xf32>
        %select_n3A_509 = arith.select %eq3A_506, %get3A_9, %broadcast_in_dim3A_508 : vector<8x6144xi1>, vector<8x6144xf32>
        %reduce_sum3A_510 = arith.constant dense<0.000000e+00> : vector<8xf32>
        %reduce_sum3A_511 = vector.multi_reduction <add>, %select_n3A_509, %reduce_sum3A_510 [1] : vector<8x6144xf32> to vector<8xf32>
        %broadcast_in_dim3A_512 = vector.shape_cast %reduce_sum3A_511 : vector<8xf32> to vector<8x1xf32>
        %select_n3A_513 = arith.select %eq3A_506, %get3A_12, %broadcast_in_dim3A_508 : vector<8x6144xi1>, vector<8x6144xf32>
        %reduce_sum3A_514 = arith.constant dense<0.000000e+00> : vector<8xf32>
        %reduce_sum3A_515 = vector.multi_reduction <add>, %select_n3A_513, %reduce_sum3A_514 [1] : vector<8x6144xf32> to vector<8xf32>
        %broadcast_in_dim3A_516 = vector.shape_cast %reduce_sum3A_515 : vector<8xf32> to vector<8x1xf32>
        %select_n3A_517 = arith.select %eq3A_506, %get3A_15, %broadcast_in_dim3A_508 : vector<8x6144xi1>, vector<8x6144xf32>
        %reduce_sum3A_518 = arith.constant dense<0.000000e+00> : vector<8xf32>
        %reduce_sum3A_519 = vector.multi_reduction <add>, %select_n3A_517, %reduce_sum3A_518 [1] : vector<8x6144xf32> to vector<8xf32>
        %broadcast_in_dim3A_520 = vector.shape_cast %reduce_sum3A_519 : vector<8xf32> to vector<8x1xf32>
        %select_n3A_521 = arith.select %eq3A_506, %get3A_18, %broadcast_in_dim3A_508 : vector<8x6144xi1>, vector<8x6144xf32>
        %reduce_sum3A_522 = arith.constant dense<0.000000e+00> : vector<8xf32>
        %reduce_sum3A_523 = vector.multi_reduction <add>, %select_n3A_521, %reduce_sum3A_522 [1] : vector<8x6144xf32> to vector<8xf32>
        %broadcast_in_dim3A_524 = vector.shape_cast %reduce_sum3A_523 : vector<8xf32> to vector<8x1xf32>
        %sub3A_525 = arith.subf %broadcast_in_dim3A_520, %broadcast_in_dim3A_512 : vector<8x1xf32>
        %sub3A_526 = arith.subf %broadcast_in_dim3A_524, %broadcast_in_dim3A_516 : vector<8x1xf32>
        %mul3A_527 = arith.mulf %sub3A_525, %sub3A_526 : vector<8x1xf32>
        %max3A_528 = vector.broadcast %broadcast_in_dim3A_512 : vector<8x1xf32> to vector<8x6144xf32>
        %max3A_529 = arith.maximumf %max3A_528, %get3A_9 : vector<8x6144xf32>
        %max3A_530 = vector.broadcast %broadcast_in_dim3A_516 : vector<8x1xf32> to vector<8x6144xf32>
        %max3A_531 = arith.maximumf %max3A_530, %get3A_12 : vector<8x6144xf32>
        %min3A_532 = vector.broadcast %broadcast_in_dim3A_520 : vector<8x1xf32> to vector<8x6144xf32>
        %min3A_533 = arith.minimumf %min3A_532, %get3A_15 : vector<8x6144xf32>
        %min3A_534 = vector.broadcast %broadcast_in_dim3A_524 : vector<8x1xf32> to vector<8x6144xf32>
        %min3A_535 = arith.minimumf %min3A_534, %get3A_18 : vector<8x6144xf32>
        %sub3A_536 = arith.subf %min3A_533, %max3A_529 : vector<8x6144xf32>
        %max3A_537 = arith.constant 0.000000e+00 : f32
        %max3A_538 = vector.broadcast %max3A_537 : f32 to vector<8x6144xf32>
        %max3A_539 = arith.maximumf %sub3A_536, %max3A_538 : vector<8x6144xf32>
        %sub3A_540 = arith.subf %min3A_535, %max3A_531 : vector<8x6144xf32>
        %max3A_541 = arith.constant 0.000000e+00 : f32
        %max3A_542 = vector.broadcast %max3A_541 : f32 to vector<8x6144xf32>
        %max3A_543 = arith.maximumf %sub3A_540, %max3A_542 : vector<8x6144xf32>
        %mul3A_544 = arith.mulf %max3A_539, %max3A_543 : vector<8x6144xf32>
        %add3A_545 = vector.broadcast %mul3A_527 : vector<8x1xf32> to vector<8x6144xf32>
        %add3A_546 = arith.addf %add3A_545, %get3A_21 : vector<8x6144xf32>
        %sub3A_547 = arith.subf %add3A_546, %mul3A_544 : vector<8x6144xf32>
        %add3A_548 = arith.constant 9.99999993E-9 : f32
        %add3A_549 = vector.broadcast %add3A_548 : f32 to vector<8x6144xf32>
        %add3A_550 = arith.addf %sub3A_547, %add3A_549 : vector<8x6144xf32>
        %div3A_551 = arith.divf %mul3A_544, %add3A_550 : vector<8x6144xf32>
        %gt3A_552 = arith.constant 0.699999988 : f32
        %gt3A_553 = vector.broadcast %gt3A_552 : f32 to vector<8x6144xf32>
        %gt3A_554 = arith.cmpf ogt, %div3A_551, %gt3A_553 : vector<8x6144xf32>
        %or3A_555 = arith.ori %gt3A_554, %eq3A_506 : vector<8x6144xi1>
        %jit3A_556 = arith.constant -1.000000e+09 : f32
        %broadcast_in_dim3A_557 = vector.broadcast %jit3A_556 : f32 to vector<8x6144xf32>
        %select_n3A_558 = arith.select %or3A_555, %broadcast_in_dim3A_557, %select_n3A_468 : vector<8x6144xi1>, vector<8x6144xf32>
        %gt3A_559 = arith.constant -5.000000e+08 : f32
        %gt3A_560 = vector.broadcast %gt3A_559 : f32 to vector<8x1xf32>
        %gt3A_561 = arith.cmpf ogt, %broadcast_in_dim3A_496, %gt3A_560 : vector<8x1xf32>
        %broadcast_in_dim3A_562 = arith.constant 0.000000e+00 : f32
        %broadcast_in_dim3A_563 = vector.broadcast %broadcast_in_dim3A_562 : f32 to vector<8x1xf32>
        %eq3A_564 = vector.broadcast %scan3A_493 : i32 to vector<8x128xi32>
        %eq3A_565 = arith.cmpi eq, %iota3A_6, %eq3A_564 : vector<8x128xi32>
        %select_n3A_566 = arith.select %gt3A_561, %broadcast_in_dim3A_512, %broadcast_in_dim3A_563 : vector<8x1xi1>, vector<8x1xf32>
        %broadcast_in_dim3A_567 = vector.shape_cast %select_n3A_566 : vector<8x1xf32> to vector<8x1xf32>
        %broadcast_in_dim3A_568 = vector.broadcast %broadcast_in_dim3A_567 : vector<8x1xf32> to vector<8x128xf32>
        %select_n3A_569 = arith.select %eq3A_565, %broadcast_in_dim3A_568, %select_n3A_479 : vector<8x128xi1>, vector<8x128xf32>
        %select_n3A_570 = arith.select %gt3A_561, %broadcast_in_dim3A_516, %broadcast_in_dim3A_563 : vector<8x1xi1>, vector<8x1xf32>
        %broadcast_in_dim3A_571 = vector.shape_cast %select_n3A_570 : vector<8x1xf32> to vector<8x1xf32>
        %broadcast_in_dim3A_572 = vector.broadcast %broadcast_in_dim3A_571 : vector<8x1xf32> to vector<8x128xf32>
        %select_n3A_573 = arith.select %eq3A_565, %broadcast_in_dim3A_572, %select_n3A_483 : vector<8x128xi1>, vector<8x128xf32>
        %select_n3A_574 = arith.select %gt3A_561, %broadcast_in_dim3A_520, %broadcast_in_dim3A_563 : vector<8x1xi1>, vector<8x1xf32>
        %broadcast_in_dim3A_575 = vector.shape_cast %select_n3A_574 : vector<8x1xf32> to vector<8x1xf32>
        %broadcast_in_dim3A_576 = vector.broadcast %broadcast_in_dim3A_575 : vector<8x1xf32> to vector<8x128xf32>
        %select_n3A_577 = arith.select %eq3A_565, %broadcast_in_dim3A_576, %select_n3A_487 : vector<8x128xi1>, vector<8x128xf32>
        %select_n3A_578 = arith.select %gt3A_561, %broadcast_in_dim3A_524, %broadcast_in_dim3A_563 : vector<8x1xi1>, vector<8x1xf32>
        %broadcast_in_dim3A_579 = vector.shape_cast %select_n3A_578 : vector<8x1xf32> to vector<8x1xf32>
        %broadcast_in_dim3A_580 = vector.broadcast %broadcast_in_dim3A_579 : vector<8x1xf32> to vector<8x128xf32>
        %select_n3A_581 = arith.select %eq3A_565, %broadcast_in_dim3A_580, %select_n3A_491 : vector<8x128xi1>, vector<8x128xf32>
        %scan3A_582 = arith.constant 6 : i32
        %scan3A_583 = arith.addi %scan3A_49, %scan3A_582 : i32
        %reduce_max3A_584 = arith.constant dense<0xFF800000> : vector<8xf32>
        %reduce_max3A_585 = vector.multi_reduction <maximumf>, %select_n3A_558, %reduce_max3A_584 [1] : vector<8x6144xf32> to vector<8xf32>
        %broadcast_in_dim3A_586 = vector.shape_cast %reduce_max3A_585 : vector<8xf32> to vector<8x1xf32>
        %eq3A_587 = vector.broadcast %broadcast_in_dim3A_586 : vector<8x1xf32> to vector<8x6144xf32>
        %eq3A_588 = arith.cmpf oeq, %select_n3A_558, %eq3A_587 : vector<8x6144xf32>
        %jit3A_589 = arith.constant 6144 : i32
        %broadcast_in_dim3A_590 = vector.broadcast %jit3A_589 : i32 to vector<8x6144xi32>
        %select_n3A_591 = arith.select %eq3A_588, %iota3A, %broadcast_in_dim3A_590 : vector<8x6144xi1>, vector<8x6144xi32>
        %reduce_min3A_592 = arith.constant dense<2147483647> : vector<8xi32>
        %reduce_min3A_593 = vector.multi_reduction <minsi>, %select_n3A_591, %reduce_min3A_592 [1] : vector<8x6144xi32> to vector<8xi32>
        %broadcast_in_dim3A_594 = vector.shape_cast %reduce_min3A_593 : vector<8xi32> to vector<8x1xi32>
        %eq3A_595 = vector.broadcast %broadcast_in_dim3A_594 : vector<8x1xi32> to vector<8x6144xi32>
        %eq3A_596 = arith.cmpi eq, %iota3A, %eq3A_595 : vector<8x6144xi32>
        %broadcast_in_dim3A_597 = arith.constant 0.000000e+00 : f32
        %broadcast_in_dim3A_598 = vector.broadcast %broadcast_in_dim3A_597 : f32 to vector<8x6144xf32>
        %select_n3A_599 = arith.select %eq3A_596, %get3A_9, %broadcast_in_dim3A_598 : vector<8x6144xi1>, vector<8x6144xf32>
        %reduce_sum3A_600 = arith.constant dense<0.000000e+00> : vector<8xf32>
        %reduce_sum3A_601 = vector.multi_reduction <add>, %select_n3A_599, %reduce_sum3A_600 [1] : vector<8x6144xf32> to vector<8xf32>
        %broadcast_in_dim3A_602 = vector.shape_cast %reduce_sum3A_601 : vector<8xf32> to vector<8x1xf32>
        %select_n3A_603 = arith.select %eq3A_596, %get3A_12, %broadcast_in_dim3A_598 : vector<8x6144xi1>, vector<8x6144xf32>
        %reduce_sum3A_604 = arith.constant dense<0.000000e+00> : vector<8xf32>
        %reduce_sum3A_605 = vector.multi_reduction <add>, %select_n3A_603, %reduce_sum3A_604 [1] : vector<8x6144xf32> to vector<8xf32>
        %broadcast_in_dim3A_606 = vector.shape_cast %reduce_sum3A_605 : vector<8xf32> to vector<8x1xf32>
        %select_n3A_607 = arith.select %eq3A_596, %get3A_15, %broadcast_in_dim3A_598 : vector<8x6144xi1>, vector<8x6144xf32>
        %reduce_sum3A_608 = arith.constant dense<0.000000e+00> : vector<8xf32>
        %reduce_sum3A_609 = vector.multi_reduction <add>, %select_n3A_607, %reduce_sum3A_608 [1] : vector<8x6144xf32> to vector<8xf32>
        %broadcast_in_dim3A_610 = vector.shape_cast %reduce_sum3A_609 : vector<8xf32> to vector<8x1xf32>
        %select_n3A_611 = arith.select %eq3A_596, %get3A_18, %broadcast_in_dim3A_598 : vector<8x6144xi1>, vector<8x6144xf32>
        %reduce_sum3A_612 = arith.constant dense<0.000000e+00> : vector<8xf32>
        %reduce_sum3A_613 = vector.multi_reduction <add>, %select_n3A_611, %reduce_sum3A_612 [1] : vector<8x6144xf32> to vector<8xf32>
        %broadcast_in_dim3A_614 = vector.shape_cast %reduce_sum3A_613 : vector<8xf32> to vector<8x1xf32>
        %sub3A_615 = arith.subf %broadcast_in_dim3A_610, %broadcast_in_dim3A_602 : vector<8x1xf32>
        %sub3A_616 = arith.subf %broadcast_in_dim3A_614, %broadcast_in_dim3A_606 : vector<8x1xf32>
        %mul3A_617 = arith.mulf %sub3A_615, %sub3A_616 : vector<8x1xf32>
        %max3A_618 = vector.broadcast %broadcast_in_dim3A_602 : vector<8x1xf32> to vector<8x6144xf32>
        %max3A_619 = arith.maximumf %max3A_618, %get3A_9 : vector<8x6144xf32>
        %max3A_620 = vector.broadcast %broadcast_in_dim3A_606 : vector<8x1xf32> to vector<8x6144xf32>
        %max3A_621 = arith.maximumf %max3A_620, %get3A_12 : vector<8x6144xf32>
        %min3A_622 = vector.broadcast %broadcast_in_dim3A_610 : vector<8x1xf32> to vector<8x6144xf32>
        %min3A_623 = arith.minimumf %min3A_622, %get3A_15 : vector<8x6144xf32>
        %min3A_624 = vector.broadcast %broadcast_in_dim3A_614 : vector<8x1xf32> to vector<8x6144xf32>
        %min3A_625 = arith.minimumf %min3A_624, %get3A_18 : vector<8x6144xf32>
        %sub3A_626 = arith.subf %min3A_623, %max3A_619 : vector<8x6144xf32>
        %max3A_627 = arith.constant 0.000000e+00 : f32
        %max3A_628 = vector.broadcast %max3A_627 : f32 to vector<8x6144xf32>
        %max3A_629 = arith.maximumf %sub3A_626, %max3A_628 : vector<8x6144xf32>
        %sub3A_630 = arith.subf %min3A_625, %max3A_621 : vector<8x6144xf32>
        %max3A_631 = arith.constant 0.000000e+00 : f32
        %max3A_632 = vector.broadcast %max3A_631 : f32 to vector<8x6144xf32>
        %max3A_633 = arith.maximumf %sub3A_630, %max3A_632 : vector<8x6144xf32>
        %mul3A_634 = arith.mulf %max3A_629, %max3A_633 : vector<8x6144xf32>
        %add3A_635 = vector.broadcast %mul3A_617 : vector<8x1xf32> to vector<8x6144xf32>
        %add3A_636 = arith.addf %add3A_635, %get3A_21 : vector<8x6144xf32>
        %sub3A_637 = arith.subf %add3A_636, %mul3A_634 : vector<8x6144xf32>
        %add3A_638 = arith.constant 9.99999993E-9 : f32
        %add3A_639 = vector.broadcast %add3A_638 : f32 to vector<8x6144xf32>
        %add3A_640 = arith.addf %sub3A_637, %add3A_639 : vector<8x6144xf32>
        %div3A_641 = arith.divf %mul3A_634, %add3A_640 : vector<8x6144xf32>
        %gt3A_642 = arith.constant 0.699999988 : f32
        %gt3A_643 = vector.broadcast %gt3A_642 : f32 to vector<8x6144xf32>
        %gt3A_644 = arith.cmpf ogt, %div3A_641, %gt3A_643 : vector<8x6144xf32>
        %or3A_645 = arith.ori %gt3A_644, %eq3A_596 : vector<8x6144xi1>
        %jit3A_646 = arith.constant -1.000000e+09 : f32
        %broadcast_in_dim3A_647 = vector.broadcast %jit3A_646 : f32 to vector<8x6144xf32>
        %select_n3A_648 = arith.select %or3A_645, %broadcast_in_dim3A_647, %select_n3A_558 : vector<8x6144xi1>, vector<8x6144xf32>
        %gt3A_649 = arith.constant -5.000000e+08 : f32
        %gt3A_650 = vector.broadcast %gt3A_649 : f32 to vector<8x1xf32>
        %gt3A_651 = arith.cmpf ogt, %broadcast_in_dim3A_586, %gt3A_650 : vector<8x1xf32>
        %broadcast_in_dim3A_652 = arith.constant 0.000000e+00 : f32
        %broadcast_in_dim3A_653 = vector.broadcast %broadcast_in_dim3A_652 : f32 to vector<8x1xf32>
        %eq3A_654 = vector.broadcast %scan3A_583 : i32 to vector<8x128xi32>
        %eq3A_655 = arith.cmpi eq, %iota3A_6, %eq3A_654 : vector<8x128xi32>
        %select_n3A_656 = arith.select %gt3A_651, %broadcast_in_dim3A_602, %broadcast_in_dim3A_653 : vector<8x1xi1>, vector<8x1xf32>
        %broadcast_in_dim3A_657 = vector.shape_cast %select_n3A_656 : vector<8x1xf32> to vector<8x1xf32>
        %broadcast_in_dim3A_658 = vector.broadcast %broadcast_in_dim3A_657 : vector<8x1xf32> to vector<8x128xf32>
        %select_n3A_659 = arith.select %eq3A_655, %broadcast_in_dim3A_658, %select_n3A_569 : vector<8x128xi1>, vector<8x128xf32>
        %select_n3A_660 = arith.select %gt3A_651, %broadcast_in_dim3A_606, %broadcast_in_dim3A_653 : vector<8x1xi1>, vector<8x1xf32>
        %broadcast_in_dim3A_661 = vector.shape_cast %select_n3A_660 : vector<8x1xf32> to vector<8x1xf32>
        %broadcast_in_dim3A_662 = vector.broadcast %broadcast_in_dim3A_661 : vector<8x1xf32> to vector<8x128xf32>
        %select_n3A_663 = arith.select %eq3A_655, %broadcast_in_dim3A_662, %select_n3A_573 : vector<8x128xi1>, vector<8x128xf32>
        %select_n3A_664 = arith.select %gt3A_651, %broadcast_in_dim3A_610, %broadcast_in_dim3A_653 : vector<8x1xi1>, vector<8x1xf32>
        %broadcast_in_dim3A_665 = vector.shape_cast %select_n3A_664 : vector<8x1xf32> to vector<8x1xf32>
        %broadcast_in_dim3A_666 = vector.broadcast %broadcast_in_dim3A_665 : vector<8x1xf32> to vector<8x128xf32>
        %select_n3A_667 = arith.select %eq3A_655, %broadcast_in_dim3A_666, %select_n3A_577 : vector<8x128xi1>, vector<8x128xf32>
        %select_n3A_668 = arith.select %gt3A_651, %broadcast_in_dim3A_614, %broadcast_in_dim3A_653 : vector<8x1xi1>, vector<8x1xf32>
        %broadcast_in_dim3A_669 = vector.shape_cast %select_n3A_668 : vector<8x1xf32> to vector<8x1xf32>
        %broadcast_in_dim3A_670 = vector.broadcast %broadcast_in_dim3A_669 : vector<8x1xf32> to vector<8x128xf32>
        %select_n3A_671 = arith.select %eq3A_655, %broadcast_in_dim3A_670, %select_n3A_581 : vector<8x128xi1>, vector<8x128xf32>
        %scan3A_672 = arith.constant 7 : i32
        %scan3A_673 = arith.addi %scan3A_49, %scan3A_672 : i32
        %reduce_max3A_674 = arith.constant dense<0xFF800000> : vector<8xf32>
        %reduce_max3A_675 = vector.multi_reduction <maximumf>, %select_n3A_648, %reduce_max3A_674 [1] : vector<8x6144xf32> to vector<8xf32>
        %broadcast_in_dim3A_676 = vector.shape_cast %reduce_max3A_675 : vector<8xf32> to vector<8x1xf32>
        %eq3A_677 = vector.broadcast %broadcast_in_dim3A_676 : vector<8x1xf32> to vector<8x6144xf32>
        %eq3A_678 = arith.cmpf oeq, %select_n3A_648, %eq3A_677 : vector<8x6144xf32>
        %jit3A_679 = arith.constant 6144 : i32
        %broadcast_in_dim3A_680 = vector.broadcast %jit3A_679 : i32 to vector<8x6144xi32>
        %select_n3A_681 = arith.select %eq3A_678, %iota3A, %broadcast_in_dim3A_680 : vector<8x6144xi1>, vector<8x6144xi32>
        %reduce_min3A_682 = arith.constant dense<2147483647> : vector<8xi32>
        %reduce_min3A_683 = vector.multi_reduction <minsi>, %select_n3A_681, %reduce_min3A_682 [1] : vector<8x6144xi32> to vector<8xi32>
        %broadcast_in_dim3A_684 = vector.shape_cast %reduce_min3A_683 : vector<8xi32> to vector<8x1xi32>
        %eq3A_685 = vector.broadcast %broadcast_in_dim3A_684 : vector<8x1xi32> to vector<8x6144xi32>
        %eq3A_686 = arith.cmpi eq, %iota3A, %eq3A_685 : vector<8x6144xi32>
        %broadcast_in_dim3A_687 = arith.constant 0.000000e+00 : f32
        %broadcast_in_dim3A_688 = vector.broadcast %broadcast_in_dim3A_687 : f32 to vector<8x6144xf32>
        %select_n3A_689 = arith.select %eq3A_686, %get3A_9, %broadcast_in_dim3A_688 : vector<8x6144xi1>, vector<8x6144xf32>
        %reduce_sum3A_690 = arith.constant dense<0.000000e+00> : vector<8xf32>
        %reduce_sum3A_691 = vector.multi_reduction <add>, %select_n3A_689, %reduce_sum3A_690 [1] : vector<8x6144xf32> to vector<8xf32>
        %broadcast_in_dim3A_692 = vector.shape_cast %reduce_sum3A_691 : vector<8xf32> to vector<8x1xf32>
        %select_n3A_693 = arith.select %eq3A_686, %get3A_12, %broadcast_in_dim3A_688 : vector<8x6144xi1>, vector<8x6144xf32>
        %reduce_sum3A_694 = arith.constant dense<0.000000e+00> : vector<8xf32>
        %reduce_sum3A_695 = vector.multi_reduction <add>, %select_n3A_693, %reduce_sum3A_694 [1] : vector<8x6144xf32> to vector<8xf32>
        %broadcast_in_dim3A_696 = vector.shape_cast %reduce_sum3A_695 : vector<8xf32> to vector<8x1xf32>
        %select_n3A_697 = arith.select %eq3A_686, %get3A_15, %broadcast_in_dim3A_688 : vector<8x6144xi1>, vector<8x6144xf32>
        %reduce_sum3A_698 = arith.constant dense<0.000000e+00> : vector<8xf32>
        %reduce_sum3A_699 = vector.multi_reduction <add>, %select_n3A_697, %reduce_sum3A_698 [1] : vector<8x6144xf32> to vector<8xf32>
        %broadcast_in_dim3A_700 = vector.shape_cast %reduce_sum3A_699 : vector<8xf32> to vector<8x1xf32>
        %select_n3A_701 = arith.select %eq3A_686, %get3A_18, %broadcast_in_dim3A_688 : vector<8x6144xi1>, vector<8x6144xf32>
        %reduce_sum3A_702 = arith.constant dense<0.000000e+00> : vector<8xf32>
        %reduce_sum3A_703 = vector.multi_reduction <add>, %select_n3A_701, %reduce_sum3A_702 [1] : vector<8x6144xf32> to vector<8xf32>
        %broadcast_in_dim3A_704 = vector.shape_cast %reduce_sum3A_703 : vector<8xf32> to vector<8x1xf32>
        %sub3A_705 = arith.subf %broadcast_in_dim3A_700, %broadcast_in_dim3A_692 : vector<8x1xf32>
        %sub3A_706 = arith.subf %broadcast_in_dim3A_704, %broadcast_in_dim3A_696 : vector<8x1xf32>
        %mul3A_707 = arith.mulf %sub3A_705, %sub3A_706 : vector<8x1xf32>
        %max3A_708 = vector.broadcast %broadcast_in_dim3A_692 : vector<8x1xf32> to vector<8x6144xf32>
        %max3A_709 = arith.maximumf %max3A_708, %get3A_9 : vector<8x6144xf32>
        %max3A_710 = vector.broadcast %broadcast_in_dim3A_696 : vector<8x1xf32> to vector<8x6144xf32>
        %max3A_711 = arith.maximumf %max3A_710, %get3A_12 : vector<8x6144xf32>
        %min3A_712 = vector.broadcast %broadcast_in_dim3A_700 : vector<8x1xf32> to vector<8x6144xf32>
        %min3A_713 = arith.minimumf %min3A_712, %get3A_15 : vector<8x6144xf32>
        %min3A_714 = vector.broadcast %broadcast_in_dim3A_704 : vector<8x1xf32> to vector<8x6144xf32>
        %min3A_715 = arith.minimumf %min3A_714, %get3A_18 : vector<8x6144xf32>
        %sub3A_716 = arith.subf %min3A_713, %max3A_709 : vector<8x6144xf32>
        %max3A_717 = arith.constant 0.000000e+00 : f32
        %max3A_718 = vector.broadcast %max3A_717 : f32 to vector<8x6144xf32>
        %max3A_719 = arith.maximumf %sub3A_716, %max3A_718 : vector<8x6144xf32>
        %sub3A_720 = arith.subf %min3A_715, %max3A_711 : vector<8x6144xf32>
        %max3A_721 = arith.constant 0.000000e+00 : f32
        %max3A_722 = vector.broadcast %max3A_721 : f32 to vector<8x6144xf32>
        %max3A_723 = arith.maximumf %sub3A_720, %max3A_722 : vector<8x6144xf32>
        %mul3A_724 = arith.mulf %max3A_719, %max3A_723 : vector<8x6144xf32>
        %add3A_725 = vector.broadcast %mul3A_707 : vector<8x1xf32> to vector<8x6144xf32>
        %add3A_726 = arith.addf %add3A_725, %get3A_21 : vector<8x6144xf32>
        %sub3A_727 = arith.subf %add3A_726, %mul3A_724 : vector<8x6144xf32>
        %add3A_728 = arith.constant 9.99999993E-9 : f32
        %add3A_729 = vector.broadcast %add3A_728 : f32 to vector<8x6144xf32>
        %add3A_730 = arith.addf %sub3A_727, %add3A_729 : vector<8x6144xf32>
        %div3A_731 = arith.divf %mul3A_724, %add3A_730 : vector<8x6144xf32>
        %gt3A_732 = arith.constant 0.699999988 : f32
        %gt3A_733 = vector.broadcast %gt3A_732 : f32 to vector<8x6144xf32>
        %gt3A_734 = arith.cmpf ogt, %div3A_731, %gt3A_733 : vector<8x6144xf32>
        %or3A_735 = arith.ori %gt3A_734, %eq3A_686 : vector<8x6144xi1>
        %jit3A_736 = arith.constant -1.000000e+09 : f32
        %broadcast_in_dim3A_737 = vector.broadcast %jit3A_736 : f32 to vector<8x6144xf32>
        %select_n3A_738 = arith.select %or3A_735, %broadcast_in_dim3A_737, %select_n3A_648 : vector<8x6144xi1>, vector<8x6144xf32>
        %gt3A_739 = arith.constant -5.000000e+08 : f32
        %gt3A_740 = vector.broadcast %gt3A_739 : f32 to vector<8x1xf32>
        %gt3A_741 = arith.cmpf ogt, %broadcast_in_dim3A_676, %gt3A_740 : vector<8x1xf32>
        %broadcast_in_dim3A_742 = arith.constant 0.000000e+00 : f32
        %broadcast_in_dim3A_743 = vector.broadcast %broadcast_in_dim3A_742 : f32 to vector<8x1xf32>
        %eq3A_744 = vector.broadcast %scan3A_673 : i32 to vector<8x128xi32>
        %eq3A_745 = arith.cmpi eq, %iota3A_6, %eq3A_744 : vector<8x128xi32>
        %select_n3A_746 = arith.select %gt3A_741, %broadcast_in_dim3A_692, %broadcast_in_dim3A_743 : vector<8x1xi1>, vector<8x1xf32>
        %broadcast_in_dim3A_747 = vector.shape_cast %select_n3A_746 : vector<8x1xf32> to vector<8x1xf32>
        %broadcast_in_dim3A_748 = vector.broadcast %broadcast_in_dim3A_747 : vector<8x1xf32> to vector<8x128xf32>
        %select_n3A_749 = arith.select %eq3A_745, %broadcast_in_dim3A_748, %select_n3A_659 : vector<8x128xi1>, vector<8x128xf32>
        %select_n3A_750 = arith.select %gt3A_741, %broadcast_in_dim3A_696, %broadcast_in_dim3A_743 : vector<8x1xi1>, vector<8x1xf32>
        %broadcast_in_dim3A_751 = vector.shape_cast %select_n3A_750 : vector<8x1xf32> to vector<8x1xf32>
        %broadcast_in_dim3A_752 = vector.broadcast %broadcast_in_dim3A_751 : vector<8x1xf32> to vector<8x128xf32>
        %select_n3A_753 = arith.select %eq3A_745, %broadcast_in_dim3A_752, %select_n3A_663 : vector<8x128xi1>, vector<8x128xf32>
        %select_n3A_754 = arith.select %gt3A_741, %broadcast_in_dim3A_700, %broadcast_in_dim3A_743 : vector<8x1xi1>, vector<8x1xf32>
        %broadcast_in_dim3A_755 = vector.shape_cast %select_n3A_754 : vector<8x1xf32> to vector<8x1xf32>
        %broadcast_in_dim3A_756 = vector.broadcast %broadcast_in_dim3A_755 : vector<8x1xf32> to vector<8x128xf32>
        %select_n3A_757 = arith.select %eq3A_745, %broadcast_in_dim3A_756, %select_n3A_667 : vector<8x128xi1>, vector<8x128xf32>
        %select_n3A_758 = arith.select %gt3A_741, %broadcast_in_dim3A_704, %broadcast_in_dim3A_743 : vector<8x1xi1>, vector<8x1xf32>
        %broadcast_in_dim3A_759 = vector.shape_cast %select_n3A_758 : vector<8x1xf32> to vector<8x1xf32>
        %broadcast_in_dim3A_760 = vector.broadcast %broadcast_in_dim3A_759 : vector<8x1xf32> to vector<8x128xf32>
        %select_n3A_761 = arith.select %eq3A_745, %broadcast_in_dim3A_760, %select_n3A_671 : vector<8x128xi1>, vector<8x128xf32>
        scf.yield %select_n3A_738, %select_n3A_749, %select_n3A_753, %select_n3A_757, %select_n3A_761 : vector<8x6144xf32>, vector<8x128xf32>, vector<8x128xf32>, vector<8x128xf32>, vector<8x128xf32>
      }
      %scan3A_36 = arith.constant 128 : i32
      %mul3A = arith.constant 128 : i32
      %mul3A_37 = arith.muli %scan3A_27, %mul3A : i32
      %swap3A = arith.constant 0 : index
      %swap3A_38 = arith.index_cast %mul3A_37 : i32 to index
      %swap3A_39 = vector.load %arg7[%swap3A, %swap3A_38] : memref<8x1024xf32, #tpu.memory_space<vmem>>, vector<8x128xf32>
      tpu.vector_store %arg7[%swap3A, %swap3A_38], %scan3A_35#1 {strides = array<i32>} : memref<8x1024xf32, #tpu.memory_space<vmem>>, vector<8x128xf32>,
      %swap3A_40 = arith.constant 0 : index
      %swap3A_41 = arith.index_cast %mul3A_37 : i32 to index
      %swap3A_42 = vector.load %arg8[%swap3A_40, %swap3A_41] : memref<8x1024xf32, #tpu.memory_space<vmem>>, vector<8x128xf32>
      tpu.vector_store %arg8[%swap3A_40, %swap3A_41], %scan3A_35#2 {strides = array<i32>} : memref<8x1024xf32, #tpu.memory_space<vmem>>, vector<8x128xf32>,
      %swap3A_43 = arith.constant 0 : index
      %swap3A_44 = arith.index_cast %mul3A_37 : i32 to index
      %swap3A_45 = vector.load %arg9[%swap3A_43, %swap3A_44] : memref<8x1024xf32, #tpu.memory_space<vmem>>, vector<8x128xf32>
      tpu.vector_store %arg9[%swap3A_43, %swap3A_44], %scan3A_35#3 {strides = array<i32>} : memref<8x1024xf32, #tpu.memory_space<vmem>>, vector<8x128xf32>,
      %swap3A_46 = arith.constant 0 : index
      %swap3A_47 = arith.index_cast %mul3A_37 : i32 to index
      %swap3A_48 = vector.load %arg10[%swap3A_46, %swap3A_47] : memref<8x1024xf32, #tpu.memory_space<vmem>>, vector<8x128xf32>
      tpu.vector_store %arg10[%swap3A_46, %swap3A_47], %scan3A_35#4 {strides = array<i32>} : memref<8x1024xf32, #tpu.memory_space<vmem>>, vector<8x128xf32>,
      scf.yield %scan3A_35#0 : vector<8x6144xf32>
    }
    %scan3A_26 = arith.constant 8 : i32
    return
  }
}

</mosaic_0001>

<sc_bundles>
// kernel: kernel.5.cloned.1.call-start
scs
__scs_entry_jumppad:
0x0: {  	(pc) =	sbr.rel $0x88, $3  }
0x1: {  	(tag) =	ssettag $0x0;
	lr =	simm.s32 $0x1  }
0x2: {  	[smem:$0x3F9E] =	sst lr;
	_ =	strace $0xD0000000  }
0x3: {  	_ = 	snop  }
0x4: {  	_ = 	snop  }
0x5: {  	_ = 	snop  }
0x6: {  	_ = 	snop  }
0x7: {  	_ = 	snop  }
__scs_overlays_trampoline_lowered:
0x8: {  	[smem:$0x3FAD] =	sst s0  }
0x9: {  	[smem:$0x3FAE] =	sst s1  }
0xa: {  	[smem:$0x3FAF] =	sst s2  }
0xb: {  	[smem:$0x3FB0] =	sst s3  }
0xc: {  	[smem:$0x3FB1] =	sst s4  }
0xd: {  	[smem:$0x3FB2] =	sst s5  }
0xe: {  	[smem:$0x3FB3] =	sst s6  }
0xf: {  	[smem:$0x3FB4] =	sst s7  }
0x10: {  	[smem:$0x3FB5] =	sst s8  }
0x11: {  	[smem:$0x3FB6] =	sst s9;
	s0 =	simm.s32 @!p0 $0x0  }
0x12: {  	s1 =	sld [smem:$0x3F9C];
	s0 =	simm.s32 @p0 $0x1  }
0x13: {  	[smem:$0x3FB7] =	sst s0;
	s0 =	simm.s32 @!p1 $0x0  }
0x14: {  	s2 =	sld [smem:$0x3F9B];
	s0 =	simm.s32 @p1 $0x1  }
0x15: {  	[smem:$0x3FB8] =	sst s0;
	s0 =	simm.s32 @!p2 $0x0  }
0x16: {  	s3 =	sld [smem:$0x3FDB];
	s0 =	simm.s32 @p2 $0x1  }
0x17: {  	s4 =	simm.s32 $0x1BF5;
	[smem:$0x3FBA] =	sst s0  }
0x18: {  	s0 =	sld [smem:$0x3F9D];
	_ =	swait.ge [sflag:s4], $0x0  }
0x19: {  	s7 =	sld [smem:$0x3F9E]  }
0x1a: {  	s8 =	sadd.s32 $0xFFFFE003, lr  }
0x1b: {  	s9 =	sadd.s32 $0xFFFFFEF7, lr;
	s5 =	simm.s32 $0xFFFFFFFF;
	p2 =	slt.u32 s8, $0xFFFFF086  }
0x1c: {  	p1 =	slt.u32 s9, $0xF7A;
	s5 =	simm.s32 @!p2 $0x0  }
0x1d: {  	s5 =	simm.s32 @p1 $0x1;
	p0 =	seq.s32 s7, s2  }
0x1e: {  	s7 =	smul.u32 @!p0 $0xF7A, s2;
	p2 =	seq.s32 @!p0 s5, $0x0  }
0x1f: {  	s9 =	smul.u32 $0xF7A, s1;
	s8 =	simm.s32 @!p0 $0x1BF5;
	p2 =	por !p2, p0  }
0x20: {  	[sflag:s8] =	ssyncset.s32 @!p0 $0xFFFFF086;
	s6 =	sadd.s32 @!p0 s3, s7;
	s7 =	simm.s32 @!p0 $0x108  }
0x21: {  	s3 =	sadd.s32 s3, s9;
	s6 =	sadd.s32 @!p0 $0x88, s6;
	s7 =	simm.s32 @p2 $0x1082  }
0x22: {  	[simem:s7], [sflag:s8] =	dma.local @!p0 [hbm:s6], $0xF7A  }
0x23: {  	s9 =	sor.u32 $0xD0000000, s2;
	s6 =	simm.s32 $0x108;
	_ =	swait.ge @!p0 [sflag:s8], $0x0  }
0x24: {  	s3 =	sadd.s32 $0x88, s3;
	s6 =	simm.s32 @!p1 $0x1082;
	[sflag:s4] =	ssyncset.s32 $0xFFFFF086  }
0x25: {  	[simem:s6], [sflag:s4] =	dma.local [hbm:s3], $0xF7A  }
0x26: {  	[smem:$0x3F9E] =	sst s1;
	(tag) =	ssettag s2;
	_ =	strace s9  }
0x27: {  	s1 =	sld [smem:$0x3FAE]  }
0x28: {  	s2 =	sld [smem:$0x3FAF]  }
0x29: {  	s4 =	sld [smem:$0x3FB1]  }
0x2a: {  	p0 =	seq.s32 s5, $0x0;
	s5 =	sld [smem:$0x3FB2]  }
0x2b: {  	s6 =	sld [smem:$0x3FB3]  }
0x2c: {  	s7 =	sld [smem:$0x3FB4]  }
0x2d: {  	s3 =	simm.s32 $0x108;
	s8 =	sld [smem:$0x3FB5]  }
0x2e: {  	s3 =	simm.s32 @!p0 $0x1082;
	s9 =	sld [smem:$0x3FB6]  }
0x2f: {  	lr =	sadd.s32 s0, s3;
	s0 =	sld [smem:$0x3FAD]  }
0x30: {  	s3 =	sld [smem:$0x3FB0]  }
0x31: {  	[smem:$0x3FB9] =	sst s10  }
0x32: {  	s10 =	sld [smem:$0x3FB7];
	_ =	sdelay $0x3  }
0x33: {  	p0 =	seq.s32 s10, $0x1;
	s10 =	sld [smem:$0x3FB9];
	_ =	sdelay $0x3  }
0x34: {  	[smem:$0x3FB9] =	sst s10  }
0x35: {  	s10 =	sld [smem:$0x3FB8];
	_ =	sdelay $0x3  }
0x36: {  	p1 =	seq.s32 s10, $0x1;
	s10 =	sld [smem:$0x3FB9];
	_ =	sdelay $0x3  }
0x37: {  	[smem:$0x3FB9] =	sst s10  }
0x38: {  	s10 =	sld [smem:$0x3FBA]  }
0x39: {  	_ = 	snop;
	(pc) =	sbr.ind lr, $3  }
0x3a: {  	_ = 	snop  }
0x3b: {  	_ = 	snop  }
0x3c: {  	p2 =	seq.s32 s10, $0x1;
	s10 =	sld [smem:$0x3FB9]  }
0x3d: {  	_ =	shalt  }
0x3e: {  	_ =	shalt  }
0x3f: {  	_ =	shalt  }
0x40: {  	_ =	shalt  }
0x41: {  	_ =	shalt  }
0x42: {  	_ =	shalt  }
0x43: {  	_ =	shalt  }
0x44: {  	_ =	shalt  }
0x45: {  	_ =	shalt  }
0x46: {  	_ =	shalt  }
0x47: {  	_ =	shalt  }
0x48: {  	_ =	shalt  }
0x49: {  	_ =	shalt  }
0x4a: {  	_ =	shalt  }
0x4b: {  	_ =	shalt  }
0x4c: {  	_ =	shalt  }
0x4d: {  	_ =	shalt  }
0x4e: {  	_ =	shalt  }
0x4f: {  	_ =	shalt  }
0x50: {  	_ =	shalt  }
0x51: {  	_ =	shalt  }
0x52: {  	_ =	shalt  }
0x53: {  	_ =	shalt  }
0x54: {  	_ =	shalt  }
0x55: {  	_ =	shalt  }
0x56: {  	_ =	shalt  }
0x57: {  	_ =	shalt  }
0x58: {  	_ =	shalt  }
0x59: {  	_ =	shalt  }
0x5a: {  	_ =	shalt  }
0x5b: {  	_ =	shalt  }
0x5c: {  	_ =	shalt  }
0x5d: {  	_ =	shalt  }
0x5e: {  	_ =	shalt  }
0x5f: {  	_ =	shalt  }
0x60: {  	_ =	shalt  }
0x61: {  	_ =	shalt  }
0x62: {  	_ =	shalt  }
0x63: {  	_ =	shalt  }
0x64: {  	_ =	shalt  }
0x65: {  	_ =	shalt  }
0x66: {  	_ =	shalt  }
0x67: {  	_ =	shalt  }
0x68: {  	_ =	shalt  }
0x69: {  	_ =	shalt  }
0x6a: {  	_ =	shalt  }
0x6b: {  	_ =	shalt  }
0x6c: {  	_ =	shalt  }
0x6d: {  	_ =	shalt  }
0x6e: {  	_ =	shalt  }
0x6f: {  	_ =	shalt  }
0x70: {  	_ =	shalt  }
0x71: {  	_ =	shalt  }
0x72: {  	_ =	shalt  }
0x73: {  	_ =	shalt  }
0x74: {  	_ =	shalt  }
0x75: {  	_ =	shalt  }
0x76: {  	_ =	shalt  }
0x77: {  	_ =	shalt  }
0x78: {  	_ =	shalt  }
0x79: {  	_ =	shalt  }
0x7a: {  	_ =	shalt  }
0x7b: {  	_ =	shalt  }
0x7c: {  	_ =	shalt  }
0x7d: {  	_ =	shalt  }
0x7e: {  	_ =	shalt  }
0x7f: {  	_ =	shalt  }
0x80: {  	_ =	shalt  }
0x81: {  	_ =	shalt  }
0x82: {  	_ =	shalt  }
0x83: {  	_ =	shalt  }
0x84: {  	_ =	shalt  }
0x85: {  	_ =	shalt  }
0x86: {  	_ =	shalt  }
0x87: {  	_ =	shalt  }
.Lfunc_end0:
.L_simem_size_0:
called_computation_lowered:
.L_overlay_start_0:
0x88: {  	s2 =	sld [smem:$0x3FD9]  }
0x89: {  	s3 =	sld [smem:$0x3FFE];
	_ =	sdelay $0x1  }
0x8a: {  	s1 =	srdreg.scid  }
0x8b: {  	s0 =	sand.u32 $0x1, s1  }
0x8c: {  	s16 =	sshll.u32 s0, $0xA;
	s2 =	sadd.s32 s3, s2  }
0x8d: {  	s2 =	sadd.s32 s2, s16  }
0x8e: {  	[smem:$0x3FC5] =	sst s2  }
0x8f: {  	_ = 	snop  }
0x90: {  	(tm) =	ssettm $0x1  }
0x91: {  	s17 =	sld [smem:$0x3FFB];
	_ =	sdelay $0x3  }
0x92: {  	_ =	strace s17  }
0x93: {  	s2 =	sld [smem:$0x3FFC];
	_ =	sdelay $0x3  }
0x94: {  	_ =	strace s2  }
0x95: {  	s2 =	sld [smem:$0x3FFD];
	_ =	sdelay $0x3  }
0x96: {  	_ =	strace s2  }
0x97: {  	_ =	strace $0x8FFFFFFF  }
0x98: {  	s18 =	sld [smem:$0x3FDB];
	_ =	sdelay $0x1  }
0x99: {  	s19 =	simm.s32 $_scs_section_size  }
0x9a: {  	s4 =	simm.s32 $_size__tile_overlayer_lowered;
	s5 =	simm.s32 $_tile_overlayer_lowered  }
0x9b: {  	s22 =	simm.s32 $0x1BFF;
	s21 =	sshll.u32 s5, $0x1;
	s2 =	sadd.s32 s19, s18  }
0x9c: {  	s6 =	simm.s32 $0x0;
	s20 =	sshll.u32 s4, $0x1;
	s4 =	sadd.s32 s21, s2  }
0x9d: {  	[timem:s6], [sflag:s22] =	dma.local [hbm:s4], s20  }
0x9e: {  	_ =	swait.ge [sflag:s22], s20  }
0x9f: {  	s3 =	ssub.s32 $0x0, s20;
	[sflag:s22] =	ssyncset.done $0x0  }
0xa0: {  	[sflag:s22] =	ssyncadd.s32 s3;
	_ =	sdelay $0x1  }
0xa1: {  	s23 =	simm.s32 $0x1B8B  }
0xa2: {  	_ =	swait.ge [sflag:s23], $0x1  }
0xa3: {  	[sflag:s23] =	ssyncset.done $0x0  }
0xa4: {  	s25 =	simm.s32 $0x1B8E;
	s24 =	sld [smem:$0x3FFE];
	[sflag:s23] =	ssyncadd.s32 $0xFFFFFFFF  }
0xa5: {  	s26 =	simm.s32 $execute0_lowered;
	[smem:$0x3FD2] =	sst s25  }
0xa6: {  	s4 =	sshll.u32 s26, $0x1;
	_ =	strace $0x80000046;
	[dreg:$0x1] =	wrdreg $0xFFFFFFFF  }
0xa7: {  	s28 =	simm.s32 $_size_execute0_lowered;
	s2 =	sadd.s32 s2, s4;
	[dreg:$0x0] =	wrdreg $0x0  }
0xa8: {  	s4 =	sshll.u32 s28, $0x1;
	[dreg:$0x2] =	wrdreg s2  }
0xa9: {  	[dreg:$0x3] =	wrdreg s4  }
0xaa: {  	[dreg:$0x4] =	wrdreg $0xC0  }
0xab: {  	_ =	task [dreg:s6], $0x5FFFF  }
0xac: {  	[dreg:$0x1] =	wrdreg $0xFFFFFFFF  }
0xad: {  	[dreg:$0x0] =	wrdreg $0x60  }
0xae: {  	[dreg:$0x2] =	wrdreg s24  }
0xaf: {  	[dreg:$0x3] =	wrdreg $0x9  }
0xb0: {  	_ =	task.clear_ibuf [dreg:s6], $0x4FFFF;
	_ =	strace $0x90000046  }
0xb1: {  	s29 =	simm.s32 $0x9;
	_ =	strace $0x80000048  }
0xb2: {  	_ =	swait.ge [sflag:s29], $0x1  }
0xb3: {  	[sflag:s29] =	ssyncadd.s32 $0xFFFFFFFF  }
0xb4: {  	_ =	strace $0x90000048  }
0xb5: {  	_ =	sfence  }
0xb6: {  	s30 =	sld [smem:$0x0];
	_ =	sdelay $0x2  }
0xb7: {  	s31 =	sshll.u32 s1, $0xD;
	s1 =	sshrl.u32 s1, $0x2  }
0xb8: {  	s3 =	sand.u32 $0x4000, s31;
	s1 =	sadd.s32 s1, s30  }
0xb9: {  	s0 =	sor.u32 s3, s0;
	s1 =	sshll.u32 s1, $0x11  }
0xba: {  	s0 =	sor.u32 s1, s0  }
0xbb: {  	s0 =	sadd.s32 $0x8F2B, s0  }
0xbc: {  	[sflag:s0] =	ssyncadd.remote.s32 $0x1  }
0xbd: {  	_ =	sfence.sel $0xFFFF  }
0xbe: {  	[dreg:$0x0] =	wrdreg $0xFFFFFFFF;
	(pc) =	sbr.abs _section_cstart, $3  }
0xbf: {  	[dreg:$0x1] =	wrdreg $0xFFFFFFFF  }
0xc0: {  	_ =	task.clear_ibuf [dreg:s6], $0x2FFFF;
	_ =	strace $0x9FFFFFFF  }
0xc1: {  	(tm) =	ssettm $0x7FFFFFFF  }
tec
execute0_lowered:
.L_overlay_start_1:
0x0: {  	(tag) =	ssettag $0x1  }
0x1: {  	s0 =	stileid.u32  }
0x2: {  	p0 =	sgt.u32 s0, $0x3  }
.Ltmp0:
0x3: {  	_ = 	snop;
	(pc) =	sbr.rel @p0 .LBB2_23-.Ltmp0, $4  }
0x4: {  	_ = 	snop  }
0x5: {  	s2 =	simm.s32 $0x0  }
0x6: {  	[smem:$0x7FF] =	sst s2  }
0x7: {  	s8 =	rddreg [dreg:$0x0];
	_ =	strace $0x80000047  }
0x8: {  	s0 =	srdreg.scid;
	s16 =	stileid.u32  }
0x9: {  	s9 =	sand.u32 $0x1, s0;
	s0 =	sshll.u32 s16, $0x1  }
0xa: {  	s4 =	sor.u32 s9, s0  }
0xb: {  	s7 =	smul.u32 $0x4E20, s4;
	_ =	sdelay $0x1  }
0xc: {  	s10 =	smul.u32 $0x300, s4;
	s4 =	sshrl.u32 s7, $0x3  }
0xd: {  	s0 =	sadd.s32 $0x1C00, s8;
	s17 =	sadd.s32 $0xFA, s4  }
0xe: {  	s1 =	sadd.s32 $0x6C00, s8;
	s3 =	sadd.s32 $0xBC00, s8;
	s11 =	sadd.s32 s0, s17  }
0xf: {  	s5 =	sadd.s32 $0x10C00, s8;
	s18 =	sadd.s32 s1, s17;
	[dreg:$0x2] =	wrdreg s11  }
0x10: {  	s6 =	sadd.s32 $0x15C00, s8;
	s19 =	sadd.s32 s3, s17;
	[dreg:$0x3] =	wrdreg s18  }
0x11: {  	s7 =	sadd.s32 $0x1AC00, s8;
	s20 =	sadd.s32 s5, s17;
	[dreg:$0x4] =	wrdreg s19  }
0x12: {  	s8 =	sadd.s32 s10, s8;
	s21 =	sadd.s32 s6, s17;
	[dreg:$0x5] =	wrdreg s20  }
0x13: {  	s22 =	sadd.s32 $0x1F4, s4;
	s10 =	sadd.s32 s7, s17;
	[dreg:$0x6] =	wrdreg s21  }
0x14: {  	s23 =	sadd.s32 s0, s22;
	[dreg:$0x7] =	wrdreg s10  }
0x15: {  	s24 =	sadd.s32 s1, s22;
	[dreg:$0x8] =	wrdreg s23  }
0x16: {  	s25 =	sadd.s32 s3, s22;
	[dreg:$0x9] =	wrdreg s24  }
0x17: {  	s26 =	sadd.s32 s5, s22;
	[dreg:$0xa] =	wrdreg s25  }
0x18: {  	s12 =	sadd.s32 s6, s22;
	[dreg:$0xb] =	wrdreg s26  }
0x19: {  	s14 =	sadd.s32 $0x2EE, s4;
	s13 =	sadd.s32 s7, s22;
	[dreg:$0xc] =	wrdreg s12  }
0x1a: {  	s15 =	sadd.s32 s0, s14;
	[dreg:$0xd] =	wrdreg s13  }
0x1b: {  	s16 =	sadd.s32 s1, s14;
	[dreg:$0xe] =	wrdreg s15  }
0x1c: {  	[dreg:$0xf] =	wrdreg s16;
	s12 =	sadd.s32 s3, s14  }
0x1d: {  	s18 =	sadd.s32 s5, s14;
	[dreg:$0x10] =	wrdreg s12  }
0x1e: {  	s19 =	sadd.s32 s6, s14;
	[dreg:$0x11] =	wrdreg s18  }
0x1f: {  	s10 =	sadd.s32 s7, s14;
	s20 =	sadd.s32 $0x3E8, s4;
	[dreg:$0x12] =	wrdreg s19  }
0x20: {  	[dreg:$0x13] =	wrdreg s10;
	s21 =	sadd.s32 s0, s20  }
0x21: {  	s22 =	sadd.s32 s1, s20;
	[dreg:$0x14] =	wrdreg s21  }
0x22: {  	s23 =	sadd.s32 s3, s20;
	[dreg:$0x15] =	wrdreg s22  }
0x23: {  	s24 =	sadd.s32 s5, s20;
	[dreg:$0x16] =	wrdreg s23  }
0x24: {  	s25 =	sadd.s32 s6, s20;
	[dreg:$0x17] =	wrdreg s24  }
0x25: {  	s26 =	sadd.s32 $0x4E2, s4;
	s10 =	sadd.s32 s7, s20;
	[dreg:$0x18] =	wrdreg s25  }
0x26: {  	s12 =	sadd.s32 s0, s26;
	[dreg:$0x19] =	wrdreg s10  }
0x27: {  	s13 =	sadd.s32 s1, s26;
	[dreg:$0x1a] =	wrdreg s12  }
0x28: {  	s9 =	ssub.s32 $0x2, s9;
	s14 =	sadd.s32 s3, s26;
	[dreg:$0x1b] =	wrdreg s13  }
0x29: {  	s17 =	sshrl.u32 s9, $0x1;
	s15 =	sadd.s32 s5, s26;
	[dreg:$0x1c] =	wrdreg s14  }
0x2a: {  	s9 =	ssub.s32 s9, s17;
	s17 =	sadd.s32 s6, s26;
	[dreg:$0x1d] =	wrdreg s15  }
0x2b: {  	s16 =	sadd.s32 $0x5DC, s4;
	s11 =	sadd.s32 s7, s26;
	[dreg:$0x1e] =	wrdreg s17  }
0x2c: {  	s18 =	sadd.s32 s0, s16;
	[dreg:$0x1f] =	wrdreg s11  }
0x2d: {  	s19 =	sadd.s32 s1, s16;
	[smem:$0x7DF] =	sst s18  }
0x2e: {  	s20 =	sadd.s32 s3, s16;
	[smem:$0x7E0] =	sst s19  }
0x2f: {  	[smem:$0x7E1] =	sst s20;
	s21 =	sadd.s32 s5, s16  }
0x30: {  	s22 =	sadd.s32 s6, s16;
	[smem:$0x7E2] =	sst s21  }
0x31: {  	s10 =	sadd.s32 s7, s16;
	s23 =	sadd.s32 $0x6D6, s4;
	[smem:$0x7E3] =	sst s22  }
0x32: {  	[smem:$0x7E4] =	sst s10;
	s24 =	sadd.s32 s0, s23  }
0x33: {  	s25 =	sadd.s32 s1, s23;
	[smem:$0x7E5] =	sst s24  }
0x34: {  	s26 =	sadd.s32 s3, s23;
	[smem:$0x7E6] =	sst s25  }
0x35: {  	s12 =	sadd.s32 s5, s23;
	[smem:$0x7E7] =	sst s26  }
0x36: {  	s28 =	simm.s32 $0xD800;
	s13 =	sadd.s32 s6, s23;
	[smem:$0x7E8] =	sst s12  }
0x37: {  	s14 =	sadd.s32 $0x7D0, s4;
	s10 =	sadd.s32 s7, s23;
	[smem:$0x7E9] =	sst s13  }
0x38: {  	s29 =	simm.s32 $0x2;
	s15 =	sadd.s32 s0, s14;
	[smem:$0x7EA] =	sst s10  }
0x39: {  	s30 =	simm.s32 $0x3;
	s16 =	sadd.s32 s1, s14;
	[smem:$0x7EB] =	sst s15  }
0x3a: {  	s31 =	simm.s32 $0x0;
	s17 =	sadd.s32 s3, s14;
	[smem:$0x7EC] =	sst s16  }
0x3b: {  	s9 =	smax.u32 s9, $0x1;
	s18 =	sadd.s32 s5, s14;
	[smem:$0x7ED] =	sst s17  }
0x3c: {  	s19 =	sadd.s32 $0x8CA, s4;
	s20 =	sadd.s32 s6, s14;
	[smem:$0x7EE] =	sst s18  }
0x3d: {  	s11 =	sadd.s32 s7, s14;
	s21 =	sadd.s32 s0, s19;
	[smem:$0x7EF] =	sst s20  }
0x3e: {  	s22 =	sadd.s32 s1, s19;
	s23 =	sadd.s32 s3, s19;
	[smem:$0x7F0] =	sst s11  }
0x3f: {  	s3 =	sadd.s32 s3, s4;
	s1 =	sadd.s32 s1, s4;
	[smem:$0x7F1] =	sst s21  }
0x40: {  	s0 =	sadd.s32 s0, s4;
	s14 =	simm.s32 $0x2800;
	[smem:$0x7F2] =	sst s22  }
0x41: {  	[smem:$0x7F3] =	sst s23;
	s24 =	sadd.s32 s5, s19;
	s25 =	sadd.s32 s6, s19  }
0x42: {  	s10 =	sadd.s32 s7, s19;
	s7 =	sadd.s32 s7, s4;
	[smem:$0x7FA] =	sst s3  }
0x43: {  	s6 =	sadd.s32 s6, s4;
	s5 =	sadd.s32 s5, s4;
	[smem:$0x7FB] =	sst s1  }
0x44: {  	[smem:$0x7FC] =	sst s0;
	s26 =	sadd.s32 $0x1FC00, s8;
	s4 =	sadd.s32 $0x21400, s8  }
0x45: {  	s11 =	simm.s32 $0x1000;
	s12 =	simm.s32 $0x1800;
	[smem:$0x7F4] =	sst s24  }
0x46: {  	s13 =	simm.s32 $0x2000;
	s15 =	simm.s32 $0x1;
	[smem:$0x7F5] =	sst s25  }
0x47: {  	s16 =	simm.s32 $0x3000;
	s17 =	simm.s32 $0x3800;
	[smem:$0x7F6] =	sst s10  }
0x48: {  	s18 =	simm.s32 $0x4000;
	s19 =	simm.s32 $0x4800;
	[smem:$0x7F7] =	sst s7  }
0x49: {  	s20 =	simm.s32 $0x5000;
	s21 =	simm.s32 $0x5800;
	[smem:$0x7F8] =	sst s6  }
0x4a: {  	s22 =	simm.s32 $0x6000;
	s23 =	simm.s32 $0x7800;
	[smem:$0x7F9] =	sst s5  }
0x4b: {  	[smem:$0x7FD] =	sst s26;
	s5 =	sadd.s32 $0x22C00, s8;
	s6 =	sadd.s32 $0x24400, s8  }
0x4c: {  	s7 =	sadd.s32 $0x25C00, s8;
	s8 =	sadd.s32 $0x27400, s8;
	s10 =	simm.s32 $0x800  }
0x4d: {  	v0 =	vimm.s32 $0x0;
	s24 =	simm.s32 $0x9000;
	s25 =	simm.s32 $0xA800;
	s26 =	simm.s32 $0xC000  }
.LBB2_2:
0x4e: {  	s1 =	sld [smem:$0x7FC];
	_ =	sdelay $0x1  }
0x4f: {  	[tilespmem:$0xF000] =	vst v0;
	s0 =	simm.s32 $0x0;
	s3 =	sld [smem:$0x7FB]  }
0x50: {  	[tilespmem:s0], [sflag:$0x1] =	stream.linear.gather [hbm4b:s1+s0], $0x7D0, $0x38;
	[tilespmem:$0xF080] =	vst v63  }
0x51: {  	_ = 	snop  }
0x52: {  	[tilespmem:s10], [sflag:$0x1] =	stream.linear.gather [hbm4b:s3+s0], $0x7D0, $0x38;
	[tilespmem:$0xF080] =	vst v63  }
0x53: {  	s3 =	sld [smem:$0x7FA];
	_ =	sdelay $0x2  }
0x54: {  	[tilespmem:s11], [sflag:$0x1] =	stream.linear.gather [hbm4b:s3+s0], $0x7D0, $0x38;
	[tilespmem:$0xF080] =	vst v63  }
0x55: {  	s3 =	sld [smem:$0x7F9];
	_ =	sdelay $0x2  }
0x56: {  	[tilespmem:s12], [sflag:$0x1] =	stream.linear.gather [hbm4b:s3+s0], $0x7D0, $0x38;
	[tilespmem:$0xF080] =	vst v63  }
0x57: {  	s3 =	sld [smem:$0x7F8];
	_ =	sdelay $0x2  }
0x58: {  	[tilespmem:s13], [sflag:$0x1] =	stream.linear.gather [hbm4b:s3+s0], $0x7D0, $0x38;
	[tilespmem:$0xF080] =	vst v63  }
0x59: {  	s3 =	sld [smem:$0x7F7];
	_ =	sdelay $0x2  }
0x5a: {  	[tilespmem:s14], [sflag:$0x1] =	stream.linear.gather [hbm4b:s3+s0], $0x7D0, $0x38;
	[tilespmem:$0xF080] =	vst v63  }
0x5b: {  	_ =	swait.ge [sflag:s15], $0x7D0  }
0x5c: {  	[sflag:s15] =	ssyncset.done $0x0  }
0x5d: {  	[sflag:s15] =	ssyncadd.s32 $0xFFFFF830  }
0x5e: {  	_ =	swait.ge [sflag:s15], $0x7D0  }
0x5f: {  	[sflag:s15] =	ssyncset.done $0x0  }
0x60: {  	[sflag:s15] =	ssyncadd.s32 $0xFFFFF830  }
0x61: {  	_ =	swait.ge [sflag:s15], $0x7D0  }
0x62: {  	[sflag:s15] =	ssyncset.done $0x0  }
0x63: {  	[sflag:s15] =	ssyncadd.s32 $0xFFFFF830  }
0x64: {  	_ =	swait.ge [sflag:s15], $0x7D0  }
0x65: {  	[sflag:s15] =	ssyncset.done $0x0  }
0x66: {  	[sflag:s15] =	ssyncadd.s32 $0xFFFFF830  }
0x67: {  	_ =	swait.ge [sflag:s15], $0x7D0  }
0x68: {  	[sflag:s15] =	ssyncset.done $0x0  }
0x69: {  	[sflag:s15] =	ssyncadd.s32 $0xFFFFF830  }
0x6a: {  	_ =	swait.ge [sflag:s15], $0x7D0  }
0x6b: {  	[sflag:s15] =	ssyncset.done $0x0  }
0x6c: {  	s3 =	rddreg [dreg:$0x2];
	[sflag:s15] =	ssyncadd.s32 $0xFFFFF830  }
0x6d: {  	[tilespmem:s16], [sflag:$0x2] =	stream.linear.gather [hbm4b:s3+s0], $0x7D0, $0x38;
	[tilespmem:$0xF080] =	vst v63  }
0x6e: {  	s3 =	rddreg [dreg:$0x3]  }
0x6f: {  	[tilespmem:s17], [sflag:$0x2] =	stream.linear.gather [hbm4b:s3+s0], $0x7D0, $0x38;
	[tilespmem:$0xF080] =	vst v63  }
0x70: {  	s3 =	rddreg [dreg:$0x4]  }
0x71: {  	[tilespmem:s18], [sflag:$0x2] =	stream.linear.gather [hbm4b:s3+s0], $0x7D0, $0x38;
	[tilespmem:$0xF080] =	vst v63  }
0x72: {  	s3 =	rddreg [dreg:$0x5]  }
0x73: {  	[tilespmem:s19], [sflag:$0x2] =	stream.linear.gather [hbm4b:s3+s0], $0x7D0, $0x38;
	[tilespmem:$0xF080] =	vst v63  }
0x74: {  	s3 =	rddreg [dreg:$0x6]  }
0x75: {  	[tilespmem:s20], [sflag:$0x2] =	stream.linear.gather [hbm4b:s3+s0], $0x7D0, $0x38;
	[tilespmem:$0xF080] =	vst v63  }
0x76: {  	s3 =	rddreg [dreg:$0x7]  }
0x77: {  	[tilespmem:s21], [sflag:$0x2] =	stream.linear.gather [hbm4b:s3+s0], $0x7D0, $0x38;
	[tilespmem:$0xF080] =	vst v63  }
0x78: {  	s0 =	simm.s32 $0x0  }
0x79: {  	s1 =	simm.s32 $0x40;
	v1 =	vld [tilespmem:s0+$0x0]  }
.LBB2_3:
0x7a: {  	p0 =	sne.s32 s1, $0x1F00;
	v2 =	vld [tilespmem:$0xF000];
	_ =	sdelay $0x3  }
0x7b: {  	vm0 =	vgt.f32 v1, $-5.000000000e+08  }
0x7c: {  	v3 =	vsel vm0, $0x1, v0;
	v4 =	vmpcnt.ones.xlane vm0  }
0x7d: {  	(xrf0) =	vadd.scan.msk.s32 $0xffff, v3;
	_ =	sdelay $0x5  }
0x7e: {  	v3, _, _ =	vpop (xrf0)  }
0x7f: {  	v3 =	vadd.s32 v3, v2  }
0x80: {  	v3 =	vadd.s32 $0xFFFFFFFF, v3;
	_ =	sdelay $0x4  }
0x81: {  	[tilespmem:v3+s22+$0x0] =	vst.idx.msk vm0, v1  }
0x82: {  	v1 =	vld [tilespmem:s0+$0x800];
	_ =	sdelay $0x4  }
0x83: {  	[tilespmem:v3+s23+$0x0] =	vst.idx.msk vm0, v1  }
0x84: {  	v1 =	vld [tilespmem:s0+$0x1000];
	_ =	sdelay $0x4  }
0x85: {  	[tilespmem:v3+s24+$0x0] =	vst.idx.msk vm0, v1  }
0x86: {  	v1 =	vld [tilespmem:s0+$0x1800];
	_ =	sdelay $0x4  }
0x87: {  	[tilespmem:v3+s25+$0x0] =	vst.idx.msk vm0, v1  }
0x88: {  	v1 =	vld [tilespmem:s0+$0x2000];
	_ =	sdelay $0x4  }
0x89: {  	[tilespmem:v3+s26+$0x0] =	vst.idx.msk vm0, v1  }
0x8a: {  	v1 =	vld [tilespmem:s0+$0x2800];
	_ =	sdelay $0x2  }
.Ltmp1:
0x8b: {  	(pc) =	sbr.rel @p0 .LBB2_3-.Ltmp1, $4  }
0x8c: {  	_ = 	snop  }
0x8d: {  	[tilespmem:v3+s28+$0x0] =	vst.idx.msk vm0, v1;
	v1 =	vadd.s32 v2, v4  }
0x8e: {  	s0 =	sshra.s32 s1, $0x2;
	[tilespmem:$0xF000] =	vst v1  }
0x8f: {  	s1 =	sadd.s32 $0x40, s1;
	v1 =	vld [tilespmem:s0+$0x0]  }
0x90: {  	_ =	sdelay $0x3  }
0x91: {  	vm0 =	vgt.f32 v1, $-5.000000000e+08  }
0x92: {  	v2 =	vsel vm0, $0x1, v0  }
0x93: {  	(xrf0) =	vadd.scan.msk.s32 $0xffff, v2;
	_ =	sdelay $0x1  }
0x94: {  	v2 =	vld [tilespmem:$0xF000];
	_ =	sdelay $0x3  }
0x95: {  	v3, _, _ =	vpop (xrf0)  }
0x96: {  	v3 =	vadd.s32 v3, v2  }
0x97: {  	v3 =	vadd.s32 $0xFFFFFFFF, v3;
	_ =	sdelay $0x4  }
0x98: {  	[tilespmem:v3+s22+$0x0] =	vst.idx.msk vm0, v1  }
0x99: {  	v1 =	vld [tilespmem:s0+$0x800];
	_ =	sdelay $0x4  }
0x9a: {  	[tilespmem:v3+s23+$0x0] =	vst.idx.msk vm0, v1  }
0x9b: {  	v1 =	vld [tilespmem:s0+$0x1000];
	_ =	sdelay $0x4  }
0x9c: {  	[tilespmem:v3+s24+$0x0] =	vst.idx.msk vm0, v1  }
0x9d: {  	v1 =	vld [tilespmem:s0+$0x1800];
	_ =	sdelay $0x4  }
0x9e: {  	[tilespmem:v3+s25+$0x0] =	vst.idx.msk vm0, v1  }
0x9f: {  	v1 =	vld [tilespmem:s0+$0x2000];
	_ =	sdelay $0x4  }
0xa0: {  	[tilespmem:v3+s26+$0x0] =	vst.idx.msk vm0, v1  }
0xa1: {  	v1 =	vld [tilespmem:s0+$0x2800];
	_ =	sdelay $0x2  }
0xa2: {  	v4 =	vmpcnt.ones.xlane vm0;
	_ =	sdelay $0x1  }
0xa3: {  	[tilespmem:v3+s28+$0x0] =	vst.idx.msk vm0, v1;
	v1 =	vadd.s32 v2, v4  }
0xa4: {  	[tilespmem:$0xF000] =	vst v1  }
0xa5: {  	_ =	swait.ge [sflag:s29], $0x7D0  }
0xa6: {  	[sflag:s29] =	ssyncset.done $0x0  }
0xa7: {  	[sflag:s29] =	ssyncadd.s32 $0xFFFFF830  }
0xa8: {  	_ =	swait.ge [sflag:s29], $0x7D0  }
0xa9: {  	[sflag:s29] =	ssyncset.done $0x0  }
0xaa: {  	[sflag:s29] =	ssyncadd.s32 $0xFFFFF830  }
0xab: {  	_ =	swait.ge [sflag:s29], $0x7D0  }
0xac: {  	[sflag:s29] =	ssyncset.done $0x0  }
0xad: {  	[sflag:s29] =	ssyncadd.s32 $0xFFFFF830  }
0xae: {  	_ =	swait.ge [sflag:s29], $0x7D0  }
0xaf: {  	[sflag:s29] =	ssyncset.done $0x0  }
0xb0: {  	[sflag:s29] =	ssyncadd.s32 $0xFFFFF830  }
0xb1: {  	_ =	swait.ge [sflag:s29], $0x7D0  }
0xb2: {  	[sflag:s29] =	ssyncset.done $0x0  }
0xb3: {  	[sflag:s29] =	ssyncadd.s32 $0xFFFFF830  }
0xb4: {  	_ =	swait.ge [sflag:s29], $0x7D0  }
0xb5: {  	[sflag:s29] =	ssyncset.done $0x0  }
0xb6: {  	s0 =	simm.s32 $0x0;
	s1 =	rddreg [dreg:$0x8];
	[sflag:s29] =	ssyncadd.s32 $0xFFFFF830  }
0xb7: {  	[tilespmem:s0], [sflag:$0x1] =	stream.linear.gather [hbm4b:s1+s0], $0x7D0, $0x38;
	[tilespmem:$0xF080] =	vst v63  }
0xb8: {  	s3 =	rddreg [dreg:$0x9]  }
0xb9: {  	[tilespmem:s10], [sflag:$0x1] =	stream.linear.gather [hbm4b:s3+s0], $0x7D0, $0x38;
	[tilespmem:$0xF080] =	vst v63  }
0xba: {  	s3 =	rddreg [dreg:$0xa]  }
0xbb: {  	[tilespmem:s11], [sflag:$0x1] =	stream.linear.gather [hbm4b:s3+s0], $0x7D0, $0x38;
	[tilespmem:$0xF080] =	vst v63  }
0xbc: {  	s3 =	rddreg [dreg:$0xb]  }
0xbd: {  	[tilespmem:s12], [sflag:$0x1] =	stream.linear.gather [hbm4b:s3+s0], $0x7D0, $0x38;
	[tilespmem:$0xF080] =	vst v63  }
0xbe: {  	s3 =	rddreg [dreg:$0xc]  }
0xbf: {  	[tilespmem:s13], [sflag:$0x1] =	stream.linear.gather [hbm4b:s3+s0], $0x7D0, $0x38;
	[tilespmem:$0xF080] =	vst v63  }
0xc0: {  	s3 =	rddreg [dreg:$0xd]  }
0xc1: {  	[tilespmem:s14], [sflag:$0x1] =	stream.linear.gather [hbm4b:s3+s0], $0x7D0, $0x38;
	[tilespmem:$0xF080] =	vst v63  }
0xc2: {  	s0 =	simm.s32 $0x0  }
0xc3: {  	s1 =	simm.s32 $0x40;
	v1 =	vld [tilespmem:s0+$0x3000]  }
.LBB2_5:
0xc4: {  	p0 =	sne.s32 s1, $0x1F00;
	v2 =	vld [tilespmem:$0xF000];
	_ =	sdelay $0x3  }
0xc5: {  	vm0 =	vgt.f32 v1, $-5.000000000e+08  }
0xc6: {  	v3 =	vsel vm0, $0x1, v0;
	v4 =	vmpcnt.ones.xlane vm0  }
0xc7: {  	(xrf0) =	vadd.scan.msk.s32 $0xffff, v3;
	_ =	sdelay $0x5  }
0xc8: {  	v3, _, _ =	vpop (xrf0)  }
0xc9: {  	v3 =	vadd.s32 v3, v2  }
0xca: {  	v3 =	vadd.s32 $0xFFFFFFFF, v3;
	_ =	sdelay $0x4  }
0xcb: {  	[tilespmem:v3+s22+$0x0] =	vst.idx.msk vm0, v1  }
0xcc: {  	v1 =	vld [tilespmem:s0+$0x3800];
	_ =	sdelay $0x4  }
0xcd: {  	[tilespmem:v3+s23+$0x0] =	vst.idx.msk vm0, v1  }
0xce: {  	v1 =	vld [tilespmem:s0+$0x4000];
	_ =	sdelay $0x4  }
0xcf: {  	[tilespmem:v3+s24+$0x0] =	vst.idx.msk vm0, v1  }
0xd0: {  	v1 =	vld [tilespmem:s0+$0x4800];
	_ =	sdelay $0x4  }
0xd1: {  	[tilespmem:v3+s25+$0x0] =	vst.idx.msk vm0, v1  }
0xd2: {  	v1 =	vld [tilespmem:s0+$0x5000];
	_ =	sdelay $0x4  }
0xd3: {  	[tilespmem:v3+s26+$0x0] =	vst.idx.msk vm0, v1  }
0xd4: {  	v1 =	vld [tilespmem:s0+$0x5800];
	_ =	sdelay $0x2  }
.Ltmp2:
0xd5: {  	(pc) =	sbr.rel @p0 .LBB2_5-.Ltmp2, $4  }
0xd6: {  	_ = 	snop  }
0xd7: {  	[tilespmem:v3+s28+$0x0] =	vst.idx.msk vm0, v1;
	v1 =	vadd.s32 v2, v4  }
0xd8: {  	s0 =	sshra.s32 s1, $0x2;
	[tilespmem:$0xF000] =	vst v1  }
0xd9: {  	s1 =	sadd.s32 $0x40, s1;
	v1 =	vld [tilespmem:s0+$0x3000]  }
0xda: {  	_ =	sdelay $0x3  }
0xdb: {  	vm0 =	vgt.f32 v1, $-5.000000000e+08  }
0xdc: {  	v2 =	vsel vm0, $0x1, v0  }
0xdd: {  	(xrf0) =	vadd.scan.msk.s32 $0xffff, v2;
	_ =	sdelay $0x1  }
0xde: {  	v2 =	vld [tilespmem:$0xF000];
	_ =	sdelay $0x3  }
0xdf: {  	v3, _, _ =	vpop (xrf0)  }
0xe0: {  	v3 =	vadd.s32 v3, v2  }
0xe1: {  	v3 =	vadd.s32 $0xFFFFFFFF, v3;
	_ =	sdelay $0x4  }
0xe2: {  	[tilespmem:v3+s22+$0x0] =	vst.idx.msk vm0, v1  }
0xe3: {  	v1 =	vld [tilespmem:s0+$0x3800];
	_ =	sdelay $0x4  }
0xe4: {  	[tilespmem:v3+s23+$0x0] =	vst.idx.msk vm0, v1  }
0xe5: {  	v1 =	vld [tilespmem:s0+$0x4000];
	_ =	sdelay $0x4  }
0xe6: {  	[tilespmem:v3+s24+$0x0] =	vst.idx.msk vm0, v1  }
0xe7: {  	v1 =	vld [tilespmem:s0+$0x4800];
	_ =	sdelay $0x4  }
0xe8: {  	[tilespmem:v3+s25+$0x0] =	vst.idx.msk vm0, v1  }
0xe9: {  	v1 =	vld [tilespmem:s0+$0x5000];
	_ =	sdelay $0x4  }
0xea: {  	[tilespmem:v3+s26+$0x0] =	vst.idx.msk vm0, v1  }
0xeb: {  	v1 =	vld [tilespmem:s0+$0x5800];
	_ =	sdelay $0x2  }
0xec: {  	v4 =	vmpcnt.ones.xlane vm0;
	_ =	sdelay $0x1  }
0xed: {  	[tilespmem:v3+s28+$0x0] =	vst.idx.msk vm0, v1;
	v1 =	vadd.s32 v2, v4  }
0xee: {  	[tilespmem:$0xF000] =	vst v1  }
0xef: {  	_ =	swait.ge [sflag:s15], $0x7D0  }
0xf0: {  	[sflag:s15] =	ssyncset.done $0x0  }
0xf1: {  	[sflag:s15] =	ssyncadd.s32 $0xFFFFF830  }
0xf2: {  	_ =	swait.ge [sflag:s15], $0x7D0  }
0xf3: {  	[sflag:s15] =	ssyncset.done $0x0  }
0xf4: {  	[sflag:s15] =	ssyncadd.s32 $0xFFFFF830  }
0xf5: {  	_ =	swait.ge [sflag:s15], $0x7D0  }
0xf6: {  	[sflag:s15] =	ssyncset.done $0x0  }
0xf7: {  	[sflag:s15] =	ssyncadd.s32 $0xFFFFF830  }
0xf8: {  	_ =	swait.ge [sflag:s15], $0x7D0  }
0xf9: {  	[sflag:s15] =	ssyncset.done $0x0  }
0xfa: {  	[sflag:s15] =	ssyncadd.s32 $0xFFFFF830  }
0xfb: {  	_ =	swait.ge [sflag:s15], $0x7D0  }
0xfc: {  	[sflag:s15] =	ssyncset.done $0x0  }
0xfd: {  	[sflag:s15] =	ssyncadd.s32 $0xFFFFF830  }
0xfe: {  	_ =	swait.ge [sflag:s15], $0x7D0  }
0xff: {  	[sflag:s15] =	ssyncset.done $0x0  }
0x100: {  	s0 =	simm.s32 $0x0;
	s1 =	rddreg [dreg:$0xe];
	[sflag:s15] =	ssyncadd.s32 $0xFFFFF830  }
0x101: {  	[tilespmem:s16], [sflag:$0x2] =	stream.linear.gather [hbm4b:s1+s0], $0x7D0, $0x38;
	[tilespmem:$0xF080] =	vst v63  }
0x102: {  	s3 =	rddreg [dreg:$0xf]  }
0x103: {  	[tilespmem:s17], [sflag:$0x2] =	stream.linear.gather [hbm4b:s3+s0], $0x7D0, $0x38;
	[tilespmem:$0xF080] =	vst v63  }
0x104: {  	s3 =	rddreg [dreg:$0x10]  }
0x105: {  	[tilespmem:s18], [sflag:$0x2] =	stream.linear.gather [hbm4b:s3+s0], $0x7D0, $0x38;
	[tilespmem:$0xF080] =	vst v63  }
0x106: {  	s3 =	rddreg [dreg:$0x11]  }
0x107: {  	[tilespmem:s19], [sflag:$0x2] =	stream.linear.gather [hbm4b:s3+s0], $0x7D0, $0x38;
	[tilespmem:$0xF080] =	vst v63  }
0x108: {  	s3 =	rddreg [dreg:$0x12]  }
0x109: {  	[tilespmem:s20], [sflag:$0x2] =	stream.linear.gather [hbm4b:s3+s0], $0x7D0, $0x38;
	[tilespmem:$0xF080] =	vst v63  }
0x10a: {  	s3 =	rddreg [dreg:$0x13]  }
0x10b: {  	[tilespmem:s21], [sflag:$0x2] =	stream.linear.gather [hbm4b:s3+s0], $0x7D0, $0x38;
	[tilespmem:$0xF080] =	vst v63  }
0x10c: {  	s0 =	simm.s32 $0x0  }
0x10d: {  	s1 =	simm.s32 $0x40;
	v1 =	vld [tilespmem:s0+$0x0]  }
.LBB2_7:
0x10e: {  	p0 =	sne.s32 s1, $0x1F00;
	v2 =	vld [tilespmem:$0xF000];
	_ =	sdelay $0x3  }
0x10f: {  	vm0 =	vgt.f32 v1, $-5.000000000e+08  }
0x110: {  	v3 =	vsel vm0, $0x1, v0;
	v4 =	vmpcnt.ones.xlane vm0  }
0x111: {  	(xrf0) =	vadd.scan.msk.s32 $0xffff, v3;
	_ =	sdelay $0x5  }
0x112: {  	v3, _, _ =	vpop (xrf0)  }
0x113: {  	v3 =	vadd.s32 v3, v2  }
0x114: {  	v3 =	vadd.s32 $0xFFFFFFFF, v3;
	_ =	sdelay $0x4  }
0x115: {  	[tilespmem:v3+s22+$0x0] =	vst.idx.msk vm0, v1  }
0x116: {  	v1 =	vld [tilespmem:s0+$0x800];
	_ =	sdelay $0x4  }
0x117: {  	[tilespmem:v3+s23+$0x0] =	vst.idx.msk vm0, v1  }
0x118: {  	v1 =	vld [tilespmem:s0+$0x1000];
	_ =	sdelay $0x4  }
0x119: {  	[tilespmem:v3+s24+$0x0] =	vst.idx.msk vm0, v1  }
0x11a: {  	v1 =	vld [tilespmem:s0+$0x1800];
	_ =	sdelay $0x4  }
0x11b: {  	[tilespmem:v3+s25+$0x0] =	vst.idx.msk vm0, v1  }
0x11c: {  	v1 =	vld [tilespmem:s0+$0x2000];
	_ =	sdelay $0x4  }
0x11d: {  	[tilespmem:v3+s26+$0x0] =	vst.idx.msk vm0, v1  }
0x11e: {  	v1 =	vld [tilespmem:s0+$0x2800];
	_ =	sdelay $0x2  }
.Ltmp3:
0x11f: {  	(pc) =	sbr.rel @p0 .LBB2_7-.Ltmp3, $4  }
0x120: {  	_ = 	snop  }
0x121: {  	[tilespmem:v3+s28+$0x0] =	vst.idx.msk vm0, v1;
	v1 =	vadd.s32 v2, v4  }
0x122: {  	s0 =	sshra.s32 s1, $0x2;
	[tilespmem:$0xF000] =	vst v1  }
0x123: {  	s1 =	sadd.s32 $0x40, s1;
	v1 =	vld [tilespmem:s0+$0x0]  }
0x124: {  	_ =	sdelay $0x3  }
0x125: {  	vm0 =	vgt.f32 v1, $-5.000000000e+08  }
0x126: {  	v2 =	vsel vm0, $0x1, v0  }
0x127: {  	(xrf0) =	vadd.scan.msk.s32 $0xffff, v2;
	_ =	sdelay $0x1  }
0x128: {  	v2 =	vld [tilespmem:$0xF000];
	_ =	sdelay $0x3  }
0x129: {  	v3, _, _ =	vpop (xrf0)  }
0x12a: {  	v3 =	vadd.s32 v3, v2  }
0x12b: {  	v3 =	vadd.s32 $0xFFFFFFFF, v3;
	_ =	sdelay $0x4  }
0x12c: {  	[tilespmem:v3+s22+$0x0] =	vst.idx.msk vm0, v1  }
0x12d: {  	v1 =	vld [tilespmem:s0+$0x800];
	_ =	sdelay $0x4  }
0x12e: {  	[tilespmem:v3+s23+$0x0] =	vst.idx.msk vm0, v1  }
0x12f: {  	v1 =	vld [tilespmem:s0+$0x1000];
	_ =	sdelay $0x4  }
0x130: {  	[tilespmem:v3+s24+$0x0] =	vst.idx.msk vm0, v1  }
0x131: {  	v1 =	vld [tilespmem:s0+$0x1800];
	_ =	sdelay $0x4  }
0x132: {  	[tilespmem:v3+s25+$0x0] =	vst.idx.msk vm0, v1  }
0x133: {  	v1 =	vld [tilespmem:s0+$0x2000];
	_ =	sdelay $0x4  }
0x134: {  	[tilespmem:v3+s26+$0x0] =	vst.idx.msk vm0, v1  }
0x135: {  	v1 =	vld [tilespmem:s0+$0x2800];
	_ =	sdelay $0x2  }
0x136: {  	v4 =	vmpcnt.ones.xlane vm0;
	_ =	sdelay $0x1  }
0x137: {  	[tilespmem:v3+s28+$0x0] =	vst.idx.msk vm0, v1;
	v1 =	vadd.s32 v2, v4  }
0x138: {  	[tilespmem:$0xF000] =	vst v1  }
0x139: {  	_ =	swait.ge [sflag:s29], $0x7D0  }
0x13a: {  	[sflag:s29] =	ssyncset.done $0x0  }
0x13b: {  	[sflag:s29] =	ssyncadd.s32 $0xFFFFF830  }
0x13c: {  	_ =	swait.ge [sflag:s29], $0x7D0  }
0x13d: {  	[sflag:s29] =	ssyncset.done $0x0  }
0x13e: {  	[sflag:s29] =	ssyncadd.s32 $0xFFFFF830  }
0x13f: {  	_ =	swait.ge [sflag:s29], $0x7D0  }
0x140: {  	[sflag:s29] =	ssyncset.done $0x0  }
0x141: {  	[sflag:s29] =	ssyncadd.s32 $0xFFFFF830  }
0x142: {  	_ =	swait.ge [sflag:s29], $0x7D0  }
0x143: {  	[sflag:s29] =	ssyncset.done $0x0  }
0x144: {  	[sflag:s29] =	ssyncadd.s32 $0xFFFFF830  }
0x145: {  	_ =	swait.ge [sflag:s29], $0x7D0  }
0x146: {  	[sflag:s29] =	ssyncset.done $0x0  }
0x147: {  	[sflag:s29] =	ssyncadd.s32 $0xFFFFF830  }
0x148: {  	_ =	swait.ge [sflag:s29], $0x7D0  }
0x149: {  	[sflag:s29] =	ssyncset.done $0x0  }
0x14a: {  	s0 =	simm.s32 $0x0;
	s1 =	rddreg [dreg:$0x14];
	[sflag:s29] =	ssyncadd.s32 $0xFFFFF830  }
0x14b: {  	[tilespmem:s0], [sflag:$0x1] =	stream.linear.gather [hbm4b:s1+s0], $0x7D0, $0x38;
	[tilespmem:$0xF080] =	vst v63  }
0x14c: {  	s3 =	rddreg [dreg:$0x15]  }
0x14d: {  	[tilespmem:s10], [sflag:$0x1] =	stream.linear.gather [hbm4b:s3+s0], $0x7D0, $0x38;
	[tilespmem:$0xF080] =	vst v63  }
0x14e: {  	s3 =	rddreg [dreg:$0x16]  }
0x14f: {  	[tilespmem:s11], [sflag:$0x1] =	stream.linear.gather [hbm4b:s3+s0], $0x7D0, $0x38;
	[tilespmem:$0xF080] =	vst v63  }
0x150: {  	s3 =	rddreg [dreg:$0x17]  }
0x151: {  	[tilespmem:s12], [sflag:$0x1] =	stream.linear.gather [hbm4b:s3+s0], $0x7D0, $0x38;
	[tilespmem:$0xF080] =	vst v63  }
0x152: {  	s3 =	rddreg [dreg:$0x18]  }
0x153: {  	[tilespmem:s13], [sflag:$0x1] =	stream.linear.gather [hbm4b:s3+s0], $0x7D0, $0x38;
	[tilespmem:$0xF080] =	vst v63  }
0x154: {  	s3 =	rddreg [dreg:$0x19]  }
0x155: {  	[tilespmem:s14], [sflag:$0x1] =	stream.linear.gather [hbm4b:s3+s0], $0x7D0, $0x38;
	[tilespmem:$0xF080] =	vst v63  }
0x156: {  	s0 =	simm.s32 $0x0  }
0x157: {  	s1 =	simm.s32 $0x40;
	v1 =	vld [tilespmem:s0+$0x3000]  }
.LBB2_9:
0x158: {  	p0 =	sne.s32 s1, $0x1F00;
	v2 =	vld [tilespmem:$0xF000];
	_ =	sdelay $0x3  }
0x159: {  	vm0 =	vgt.f32 v1, $-5.000000000e+08  }
0x15a: {  	v3 =	vsel vm0, $0x1, v0;
	v4 =	vmpcnt.ones.xlane vm0  }
0x15b: {  	(xrf0) =	vadd.scan.msk.s32 $0xffff, v3;
	_ =	sdelay $0x5  }
0x15c: {  	v3, _, _ =	vpop (xrf0)  }
0x15d: {  	v3 =	vadd.s32 v3, v2  }
0x15e: {  	v3 =	vadd.s32 $0xFFFFFFFF, v3;
	_ =	sdelay $0x4  }
0x15f: {  	[tilespmem:v3+s22+$0x0] =	vst.idx.msk vm0, v1  }
0x160: {  	v1 =	vld [tilespmem:s0+$0x3800];
	_ =	sdelay $0x4  }
0x161: {  	[tilespmem:v3+s23+$0x0] =	vst.idx.msk vm0, v1  }
0x162: {  	v1 =	vld [tilespmem:s0+$0x4000];
	_ =	sdelay $0x4  }
0x163: {  	[tilespmem:v3+s24+$0x0] =	vst.idx.msk vm0, v1  }
0x164: {  	v1 =	vld [tilespmem:s0+$0x4800];
	_ =	sdelay $0x4  }
0x165: {  	[tilespmem:v3+s25+$0x0] =	vst.idx.msk vm0, v1  }
0x166: {  	v1 =	vld [tilespmem:s0+$0x5000];
	_ =	sdelay $0x4  }
0x167: {  	[tilespmem:v3+s26+$0x0] =	vst.idx.msk vm0, v1  }
0x168: {  	v1 =	vld [tilespmem:s0+$0x5800];
	_ =	sdelay $0x2  }
.Ltmp4:
0x169: {  	(pc) =	sbr.rel @p0 .LBB2_9-.Ltmp4, $4  }
0x16a: {  	_ = 	snop  }
0x16b: {  	[tilespmem:v3+s28+$0x0] =	vst.idx.msk vm0, v1;
	v1 =	vadd.s32 v2, v4  }
0x16c: {  	s0 =	sshra.s32 s1, $0x2;
	[tilespmem:$0xF000] =	vst v1  }
0x16d: {  	s1 =	sadd.s32 $0x40, s1;
	v1 =	vld [tilespmem:s0+$0x3000]  }
0x16e: {  	_ =	sdelay $0x3  }
0x16f: {  	vm0 =	vgt.f32 v1, $-5.000000000e+08  }
0x170: {  	v2 =	vsel vm0, $0x1, v0  }
0x171: {  	(xrf0) =	vadd.scan.msk.s32 $0xffff, v2;
	_ =	sdelay $0x1  }
0x172: {  	v2 =	vld [tilespmem:$0xF000];
	_ =	sdelay $0x3  }
0x173: {  	v3, _, _ =	vpop (xrf0)  }
0x174: {  	v3 =	vadd.s32 v3, v2  }
0x175: {  	v3 =	vadd.s32 $0xFFFFFFFF, v3;
	_ =	sdelay $0x4  }
0x176: {  	[tilespmem:v3+s22+$0x0] =	vst.idx.msk vm0, v1  }
0x177: {  	v1 =	vld [tilespmem:s0+$0x3800];
	_ =	sdelay $0x4  }
0x178: {  	[tilespmem:v3+s23+$0x0] =	vst.idx.msk vm0, v1  }
0x179: {  	v1 =	vld [tilespmem:s0+$0x4000];
	_ =	sdelay $0x4  }
0x17a: {  	[tilespmem:v3+s24+$0x0] =	vst.idx.msk vm0, v1  }
0x17b: {  	v1 =	vld [tilespmem:s0+$0x4800];
	_ =	sdelay $0x4  }
0x17c: {  	[tilespmem:v3+s25+$0x0] =	vst.idx.msk vm0, v1  }
0x17d: {  	v1 =	vld [tilespmem:s0+$0x5000];
	_ =	sdelay $0x4  }
0x17e: {  	[tilespmem:v3+s26+$0x0] =	vst.idx.msk vm0, v1  }
0x17f: {  	v1 =	vld [tilespmem:s0+$0x5800];
	_ =	sdelay $0x2  }
0x180: {  	v4 =	vmpcnt.ones.xlane vm0;
	_ =	sdelay $0x1  }
0x181: {  	[tilespmem:v3+s28+$0x0] =	vst.idx.msk vm0, v1;
	v1 =	vadd.s32 v2, v4  }
0x182: {  	[tilespmem:$0xF000] =	vst v1  }
0x183: {  	_ =	swait.ge [sflag:s15], $0x7D0  }
0x184: {  	[sflag:s15] =	ssyncset.done $0x0  }
0x185: {  	[sflag:s15] =	ssyncadd.s32 $0xFFFFF830  }
0x186: {  	_ =	swait.ge [sflag:s15], $0x7D0  }
0x187: {  	[sflag:s15] =	ssyncset.done $0x0  }
0x188: {  	[sflag:s15] =	ssyncadd.s32 $0xFFFFF830  }
0x189: {  	_ =	swait.ge [sflag:s15], $0x7D0  }
0x18a: {  	[sflag:s15] =	ssyncset.done $0x0  }
0x18b: {  	[sflag:s15] =	ssyncadd.s32 $0xFFFFF830  }
0x18c: {  	_ =	swait.ge [sflag:s15], $0x7D0  }
0x18d: {  	[sflag:s15] =	ssyncset.done $0x0  }
0x18e: {  	[sflag:s15] =	ssyncadd.s32 $0xFFFFF830  }
0x18f: {  	_ =	swait.ge [sflag:s15], $0x7D0  }
0x190: {  	[sflag:s15] =	ssyncset.done $0x0  }
0x191: {  	[sflag:s15] =	ssyncadd.s32 $0xFFFFF830  }
0x192: {  	_ =	swait.ge [sflag:s15], $0x7D0  }
0x193: {  	[sflag:s15] =	ssyncset.done $0x0  }
0x194: {  	s0 =	simm.s32 $0x0;
	s1 =	rddreg [dreg:$0x1a];
	[sflag:s15] =	ssyncadd.s32 $0xFFFFF830  }
0x195: {  	[tilespmem:s16], [sflag:$0x2] =	stream.linear.gather [hbm4b:s1+s0], $0x7D0, $0x38;
	[tilespmem:$0xF080] =	vst v63  }
0x196: {  	s3 =	rddreg [dreg:$0x1b]  }
0x197: {  	[tilespmem:s17], [sflag:$0x2] =	stream.linear.gather [hbm4b:s3+s0], $0x7D0, $0x38;
	[tilespmem:$0xF080] =	vst v63  }
0x198: {  	s3 =	rddreg [dreg:$0x1c]  }
0x199: {  	[tilespmem:s18], [sflag:$0x2] =	stream.linear.gather [hbm4b:s3+s0], $0x7D0, $0x38;
	[tilespmem:$0xF080] =	vst v63  }
0x19a: {  	s3 =	rddreg [dreg:$0x1d]  }
0x19b: {  	[tilespmem:s19], [sflag:$0x2] =	stream.linear.gather [hbm4b:s3+s0], $0x7D0, $0x38;
	[tilespmem:$0xF080] =	vst v63  }
0x19c: {  	s3 =	rddreg [dreg:$0x1e]  }
0x19d: {  	[tilespmem:s20], [sflag:$0x2] =	stream.linear.gather [hbm4b:s3+s0], $0x7D0, $0x38;
	[tilespmem:$0xF080] =	vst v63  }
0x19e: {  	s3 =	rddreg [dreg:$0x1f]  }
0x19f: {  	[tilespmem:s21], [sflag:$0x2] =	stream.linear.gather [hbm4b:s3+s0], $0x7D0, $0x38;
	[tilespmem:$0xF080] =	vst v63  }
0x1a0: {  	s0 =	simm.s32 $0x0  }
0x1a1: {  	s1 =	simm.s32 $0x40;
	v1 =	vld [tilespmem:s0+$0x0]  }
.LBB2_11:
0x1a2: {  	p0 =	sne.s32 s1, $0x1F00;
	v2 =	vld [tilespmem:$0xF000];
	_ =	sdelay $0x3  }
0x1a3: {  	vm0 =	vgt.f32 v1, $-5.000000000e+08  }
0x1a4: {  	v3 =	vsel vm0, $0x1, v0;
	v4 =	vmpcnt.ones.xlane vm0  }
0x1a5: {  	(xrf0) =	vadd.scan.msk.s32 $0xffff, v3;
	_ =	sdelay $0x5  }
0x1a6: {  	v3, _, _ =	vpop (xrf0)  }
0x1a7: {  	v3 =	vadd.s32 v3, v2  }
0x1a8: {  	v3 =	vadd.s32 $0xFFFFFFFF, v3;
	_ =	sdelay $0x4  }
0x1a9: {  	[tilespmem:v3+s22+$0x0] =	vst.idx.msk vm0, v1  }
0x1aa: {  	v1 =	vld [tilespmem:s0+$0x800];
	_ =	sdelay $0x4  }
0x1ab: {  	[tilespmem:v3+s23+$0x0] =	vst.idx.msk vm0, v1  }
0x1ac: {  	v1 =	vld [tilespmem:s0+$0x1000];
	_ =	sdelay $0x4  }
0x1ad: {  	[tilespmem:v3+s24+$0x0] =	vst.idx.msk vm0, v1  }
0x1ae: {  	v1 =	vld [tilespmem:s0+$0x1800];
	_ =	sdelay $0x4  }
0x1af: {  	[tilespmem:v3+s25+$0x0] =	vst.idx.msk vm0, v1  }
0x1b0: {  	v1 =	vld [tilespmem:s0+$0x2000];
	_ =	sdelay $0x4  }
0x1b1: {  	[tilespmem:v3+s26+$0x0] =	vst.idx.msk vm0, v1  }
0x1b2: {  	v1 =	vld [tilespmem:s0+$0x2800];
	_ =	sdelay $0x2  }
.Ltmp5:
0x1b3: {  	(pc) =	sbr.rel @p0 .LBB2_11-.Ltmp5, $4  }
0x1b4: {  	_ = 	snop  }
0x1b5: {  	[tilespmem:v3+s28+$0x0] =	vst.idx.msk vm0, v1;
	v1 =	vadd.s32 v2, v4  }
0x1b6: {  	s0 =	sshra.s32 s1, $0x2;
	[tilespmem:$0xF000] =	vst v1  }
0x1b7: {  	s1 =	sadd.s32 $0x40, s1;
	v1 =	vld [tilespmem:s0+$0x0]  }
0x1b8: {  	_ =	sdelay $0x3  }
0x1b9: {  	vm0 =	vgt.f32 v1, $-5.000000000e+08  }
0x1ba: {  	v2 =	vsel vm0, $0x1, v0  }
0x1bb: {  	(xrf0) =	vadd.scan.msk.s32 $0xffff, v2;
	_ =	sdelay $0x1  }
0x1bc: {  	v2 =	vld [tilespmem:$0xF000];
	_ =	sdelay $0x3  }
0x1bd: {  	v3, _, _ =	vpop (xrf0)  }
0x1be: {  	v3 =	vadd.s32 v3, v2  }
0x1bf: {  	v3 =	vadd.s32 $0xFFFFFFFF, v3;
	_ =	sdelay $0x4  }
0x1c0: {  	[tilespmem:v3+s22+$0x0] =	vst.idx.msk vm0, v1  }
0x1c1: {  	v1 =	vld [tilespmem:s0+$0x800];
	_ =	sdelay $0x4  }
0x1c2: {  	[tilespmem:v3+s23+$0x0] =	vst.idx.msk vm0, v1  }
0x1c3: {  	v1 =	vld [tilespmem:s0+$0x1000];
	_ =	sdelay $0x4  }
0x1c4: {  	[tilespmem:v3+s24+$0x0] =	vst.idx.msk vm0, v1  }
0x1c5: {  	v1 =	vld [tilespmem:s0+$0x1800];
	_ =	sdelay $0x4  }
0x1c6: {  	[tilespmem:v3+s25+$0x0] =	vst.idx.msk vm0, v1  }
0x1c7: {  	v1 =	vld [tilespmem:s0+$0x2000];
	_ =	sdelay $0x4  }
0x1c8: {  	[tilespmem:v3+s26+$0x0] =	vst.idx.msk vm0, v1  }
0x1c9: {  	v1 =	vld [tilespmem:s0+$0x2800];
	_ =	sdelay $0x2  }
0x1ca: {  	v4 =	vmpcnt.ones.xlane vm0;
	_ =	sdelay $0x1  }
0x1cb: {  	[tilespmem:v3+s28+$0x0] =	vst.idx.msk vm0, v1;
	v1 =	vadd.s32 v2, v4  }
0x1cc: {  	[tilespmem:$0xF000] =	vst v1  }
0x1cd: {  	_ =	swait.ge [sflag:s29], $0x7D0  }
0x1ce: {  	[sflag:s29] =	ssyncset.done $0x0  }
0x1cf: {  	[sflag:s29] =	ssyncadd.s32 $0xFFFFF830  }
0x1d0: {  	_ =	swait.ge [sflag:s29], $0x7D0  }
0x1d1: {  	[sflag:s29] =	ssyncset.done $0x0  }
0x1d2: {  	[sflag:s29] =	ssyncadd.s32 $0xFFFFF830  }
0x1d3: {  	_ =	swait.ge [sflag:s29], $0x7D0  }
0x1d4: {  	[sflag:s29] =	ssyncset.done $0x0  }
0x1d5: {  	[sflag:s29] =	ssyncadd.s32 $0xFFFFF830  }
0x1d6: {  	_ =	swait.ge [sflag:s29], $0x7D0  }
0x1d7: {  	[sflag:s29] =	ssyncset.done $0x0  }
0x1d8: {  	[sflag:s29] =	ssyncadd.s32 $0xFFFFF830  }
0x1d9: {  	_ =	swait.ge [sflag:s29], $0x7D0  }
0x1da: {  	[sflag:s29] =	ssyncset.done $0x0  }
0x1db: {  	[sflag:s29] =	ssyncadd.s32 $0xFFFFF830  }
0x1dc: {  	_ =	swait.ge [sflag:s29], $0x7D0  }
0x1dd: {  	s1 =	sld [smem:$0x7DF]  }
0x1de: {  	[sflag:s29] =	ssyncset.done $0x0  }
0x1df: {  	s0 =	simm.s32 $0x0;
	s3 =	sld [smem:$0x7E0];
	[sflag:s29] =	ssyncadd.s32 $0xFFFFF830  }
0x1e0: {  	[tilespmem:s0], [sflag:$0x1] =	stream.linear.gather [hbm4b:s1+s0], $0x7D0, $0x38;
	[tilespmem:$0xF080] =	vst v63  }
0x1e1: {  	_ = 	snop  }
0x1e2: {  	[tilespmem:s10], [sflag:$0x1] =	stream.linear.gather [hbm4b:s3+s0], $0x7D0, $0x38;
	[tilespmem:$0xF080] =	vst v63  }
0x1e3: {  	s3 =	sld [smem:$0x7E1];
	_ =	sdelay $0x2  }
0x1e4: {  	[tilespmem:s11], [sflag:$0x1] =	stream.linear.gather [hbm4b:s3+s0], $0x7D0, $0x38;
	[tilespmem:$0xF080] =	vst v63  }
0x1e5: {  	s3 =	sld [smem:$0x7E2];
	_ =	sdelay $0x2  }
0x1e6: {  	[tilespmem:s12], [sflag:$0x1] =	stream.linear.gather [hbm4b:s3+s0], $0x7D0, $0x38;
	[tilespmem:$0xF080] =	vst v63  }
0x1e7: {  	s3 =	sld [smem:$0x7E3];
	_ =	sdelay $0x2  }
0x1e8: {  	[tilespmem:s13], [sflag:$0x1] =	stream.linear.gather [hbm4b:s3+s0], $0x7D0, $0x38;
	[tilespmem:$0xF080] =	vst v63  }
0x1e9: {  	s3 =	sld [smem:$0x7E4];
	_ =	sdelay $0x2  }
0x1ea: {  	[tilespmem:s14], [sflag:$0x1] =	stream.linear.gather [hbm4b:s3+s0], $0x7D0, $0x38;
	[tilespmem:$0xF080] =	vst v63  }
0x1eb: {  	s0 =	simm.s32 $0x0  }
0x1ec: {  	s1 =	simm.s32 $0x40;
	v1 =	vld [tilespmem:s0+$0x3000]  }
.LBB2_13:
0x1ed: {  	p0 =	sne.s32 s1, $0x1F00;
	v2 =	vld [tilespmem:$0xF000];
	_ =	sdelay $0x3  }
0x1ee: {  	vm0 =	vgt.f32 v1, $-5.000000000e+08  }
0x1ef: {  	v3 =	vsel vm0, $0x1, v0;
	v4 =	vmpcnt.ones.xlane vm0  }
0x1f0: {  	(xrf0) =	vadd.scan.msk.s32 $0xffff, v3;
	_ =	sdelay $0x5  }
0x1f1: {  	v3, _, _ =	vpop (xrf0)  }
0x1f2: {  	v3 =	vadd.s32 v3, v2  }
0x1f3: {  	v3 =	vadd.s32 $0xFFFFFFFF, v3;
	_ =	sdelay $0x4  }
0x1f4: {  	[tilespmem:v3+s22+$0x0] =	vst.idx.msk vm0, v1  }
0x1f5: {  	v1 =	vld [tilespmem:s0+$0x3800];
	_ =	sdelay $0x4  }
0x1f6: {  	[tilespmem:v3+s23+$0x0] =	vst.idx.msk vm0, v1  }
0x1f7: {  	v1 =	vld [tilespmem:s0+$0x4000];
	_ =	sdelay $0x4  }
0x1f8: {  	[tilespmem:v3+s24+$0x0] =	vst.idx.msk vm0, v1  }
0x1f9: {  	v1 =	vld [tilespmem:s0+$0x4800];
	_ =	sdelay $0x4  }
0x1fa: {  	[tilespmem:v3+s25+$0x0] =	vst.idx.msk vm0, v1  }
0x1fb: {  	v1 =	vld [tilespmem:s0+$0x5000];
	_ =	sdelay $0x4  }
0x1fc: {  	[tilespmem:v3+s26+$0x0] =	vst.idx.msk vm0, v1  }
0x1fd: {  	v1 =	vld [tilespmem:s0+$0x5800];
	_ =	sdelay $0x2  }
.Ltmp6:
0x1fe: {  	(pc) =	sbr.rel @p0 .LBB2_13-.Ltmp6, $4  }
0x1ff: {  	_ = 	snop  }
0x200: {  	[tilespmem:v3+s28+$0x0] =	vst.idx.msk vm0, v1;
	v1 =	vadd.s32 v2, v4  }
0x201: {  	s0 =	sshra.s32 s1, $0x2;
	[tilespmem:$0xF000] =	vst v1  }
0x202: {  	s1 =	sadd.s32 $0x40, s1;
	v1 =	vld [tilespmem:s0+$0x3000]  }
0x203: {  	_ =	sdelay $0x3  }
0x204: {  	vm0 =	vgt.f32 v1, $-5.000000000e+08  }
0x205: {  	v2 =	vsel vm0, $0x1, v0  }
0x206: {  	(xrf0) =	vadd.scan.msk.s32 $0xffff, v2;
	_ =	sdelay $0x1  }
0x207: {  	v2 =	vld [tilespmem:$0xF000];
	_ =	sdelay $0x3  }
0x208: {  	v3, _, _ =	vpop (xrf0)  }
0x209: {  	v3 =	vadd.s32 v3, v2  }
0x20a: {  	v3 =	vadd.s32 $0xFFFFFFFF, v3;
	_ =	sdelay $0x4  }
0x20b: {  	[tilespmem:v3+s22+$0x0] =	vst.idx.msk vm0, v1  }
0x20c: {  	v1 =	vld [tilespmem:s0+$0x3800];
	_ =	sdelay $0x4  }
0x20d: {  	[tilespmem:v3+s23+$0x0] =	vst.idx.msk vm0, v1  }
0x20e: {  	v1 =	vld [tilespmem:s0+$0x4000];
	_ =	sdelay $0x4  }
0x20f: {  	[tilespmem:v3+s24+$0x0] =	vst.idx.msk vm0, v1  }
0x210: {  	v1 =	vld [tilespmem:s0+$0x4800];
	_ =	sdelay $0x4  }
0x211: {  	[tilespmem:v3+s25+$0x0] =	vst.idx.msk vm0, v1  }
0x212: {  	v1 =	vld [tilespmem:s0+$0x5000];
	_ =	sdelay $0x4  }
0x213: {  	[tilespmem:v3+s26+$0x0] =	vst.idx.msk vm0, v1  }
0x214: {  	v1 =	vld [tilespmem:s0+$0x5800];
	_ =	sdelay $0x2  }
0x215: {  	v4 =	vmpcnt.ones.xlane vm0;
	_ =	sdelay $0x1  }
0x216: {  	[tilespmem:v3+s28+$0x0] =	vst.idx.msk vm0, v1;
	v1 =	vadd.s32 v2, v4  }
0x217: {  	[tilespmem:$0xF000] =	vst v1  }
0x218: {  	_ =	swait.ge [sflag:s15], $0x7D0  }
0x219: {  	[sflag:s15] =	ssyncset.done $0x0  }
0x21a: {  	[sflag:s15] =	ssyncadd.s32 $0xFFFFF830  }
0x21b: {  	_ =	swait.ge [sflag:s15], $0x7D0  }
0x21c: {  	[sflag:s15] =	ssyncset.done $0x0  }
0x21d: {  	[sflag:s15] =	ssyncadd.s32 $0xFFFFF830  }
0x21e: {  	_ =	swait.ge [sflag:s15], $0x7D0  }
0x21f: {  	[sflag:s15] =	ssyncset.done $0x0  }
0x220: {  	[sflag:s15] =	ssyncadd.s32 $0xFFFFF830  }
0x221: {  	_ =	swait.ge [sflag:s15], $0x7D0  }
0x222: {  	[sflag:s15] =	ssyncset.done $0x0  }
0x223: {  	[sflag:s15] =	ssyncadd.s32 $0xFFFFF830  }
0x224: {  	_ =	swait.ge [sflag:s15], $0x7D0  }
0x225: {  	[sflag:s15] =	ssyncset.done $0x0  }
0x226: {  	[sflag:s15] =	ssyncadd.s32 $0xFFFFF830  }
0x227: {  	_ =	swait.ge [sflag:s15], $0x7D0  }
0x228: {  	s1 =	sld [smem:$0x7E5]  }
0x229: {  	[sflag:s15] =	ssyncset.done $0x0  }
0x22a: {  	s0 =	simm.s32 $0x0;
	s3 =	sld [smem:$0x7E6];
	[sflag:s15] =	ssyncadd.s32 $0xFFFFF830  }
0x22b: {  	[tilespmem:s16], [sflag:$0x2] =	stream.linear.gather [hbm4b:s1+s0], $0x7D0, $0x38;
	[tilespmem:$0xF080] =	vst v63  }
0x22c: {  	_ = 	snop  }
0x22d: {  	[tilespmem:s17], [sflag:$0x2] =	stream.linear.gather [hbm4b:s3+s0], $0x7D0, $0x38;
	[tilespmem:$0xF080] =	vst v63  }
0x22e: {  	s3 =	sld [smem:$0x7E7];
	_ =	sdelay $0x2  }
0x22f: {  	[tilespmem:s18], [sflag:$0x2] =	stream.linear.gather [hbm4b:s3+s0], $0x7D0, $0x38;
	[tilespmem:$0xF080] =	vst v63  }
0x230: {  	s3 =	sld [smem:$0x7E8];
	_ =	sdelay $0x2  }
0x231: {  	[tilespmem:s19], [sflag:$0x2] =	stream.linear.gather [hbm4b:s3+s0], $0x7D0, $0x38;
	[tilespmem:$0xF080] =	vst v63  }
0x232: {  	s3 =	sld [smem:$0x7E9];
	_ =	sdelay $0x2  }
0x233: {  	[tilespmem:s20], [sflag:$0x2] =	stream.linear.gather [hbm4b:s3+s0], $0x7D0, $0x38;
	[tilespmem:$0xF080] =	vst v63  }
0x234: {  	s3 =	sld [smem:$0x7EA];
	_ =	sdelay $0x2  }
0x235: {  	[tilespmem:s21], [sflag:$0x2] =	stream.linear.gather [hbm4b:s3+s0], $0x7D0, $0x38;
	[tilespmem:$0xF080] =	vst v63  }
0x236: {  	s0 =	simm.s32 $0x0  }
0x237: {  	s1 =	simm.s32 $0x40;
	v1 =	vld [tilespmem:s0+$0x0]  }
.LBB2_15:
0x238: {  	p0 =	sne.s32 s1, $0x1F00;
	v2 =	vld [tilespmem:$0xF000];
	_ =	sdelay $0x3  }
0x239: {  	vm0 =	vgt.f32 v1, $-5.000000000e+08  }
0x23a: {  	v3 =	vsel vm0, $0x1, v0;
	v4 =	vmpcnt.ones.xlane vm0  }
0x23b: {  	(xrf0) =	vadd.scan.msk.s32 $0xffff, v3;
	_ =	sdelay $0x5  }
0x23c: {  	v3, _, _ =	vpop (xrf0)  }
0x23d: {  	v3 =	vadd.s32 v3, v2  }
0x23e: {  	v3 =	vadd.s32 $0xFFFFFFFF, v3;
	_ =	sdelay $0x4  }
0x23f: {  	[tilespmem:v3+s22+$0x0] =	vst.idx.msk vm0, v1  }
0x240: {  	v1 =	vld [tilespmem:s0+$0x800];
	_ =	sdelay $0x4  }
0x241: {  	[tilespmem:v3+s23+$0x0] =	vst.idx.msk vm0, v1  }
0x242: {  	v1 =	vld [tilespmem:s0+$0x1000];
	_ =	sdelay $0x4  }
0x243: {  	[tilespmem:v3+s24+$0x0] =	vst.idx.msk vm0, v1  }
0x244: {  	v1 =	vld [tilespmem:s0+$0x1800];
	_ =	sdelay $0x4  }
0x245: {  	[tilespmem:v3+s25+$0x0] =	vst.idx.msk vm0, v1  }
0x246: {  	v1 =	vld [tilespmem:s0+$0x2000];
	_ =	sdelay $0x4  }
0x247: {  	[tilespmem:v3+s26+$0x0] =	vst.idx.msk vm0, v1  }
0x248: {  	v1 =	vld [tilespmem:s0+$0x2800];
	_ =	sdelay $0x2  }
.Ltmp7:
0x249: {  	(pc) =	sbr.rel @p0 .LBB2_15-.Ltmp7, $4  }
0x24a: {  	_ = 	snop  }
0x24b: {  	[tilespmem:v3+s28+$0x0] =	vst.idx.msk vm0, v1;
	v1 =	vadd.s32 v2, v4  }
0x24c: {  	s0 =	sshra.s32 s1, $0x2;
	[tilespmem:$0xF000] =	vst v1  }
0x24d: {  	s1 =	sadd.s32 $0x40, s1;
	v1 =	vld [tilespmem:s0+$0x0]  }
0x24e: {  	_ =	sdelay $0x3  }
0x24f: {  	vm0 =	vgt.f32 v1, $-5.000000000e+08  }
0x250: {  	v2 =	vsel vm0, $0x1, v0  }
0x251: {  	(xrf0) =	vadd.scan.msk.s32 $0xffff, v2;
	_ =	sdelay $0x1  }
0x252: {  	v2 =	vld [tilespmem:$0xF000];
	_ =	sdelay $0x3  }
0x253: {  	v3, _, _ =	vpop (xrf0)  }
0x254: {  	v3 =	vadd.s32 v3, v2  }
0x255: {  	v3 =	vadd.s32 $0xFFFFFFFF, v3;
	_ =	sdelay $0x4  }
0x256: {  	[tilespmem:v3+s22+$0x0] =	vst.idx.msk vm0, v1  }
0x257: {  	v1 =	vld [tilespmem:s0+$0x800];
	_ =	sdelay $0x4  }
0x258: {  	[tilespmem:v3+s23+$0x0] =	vst.idx.msk vm0, v1  }
0x259: {  	v1 =	vld [tilespmem:s0+$0x1000];
	_ =	sdelay $0x4  }
0x25a: {  	[tilespmem:v3+s24+$0x0] =	vst.idx.msk vm0, v1  }
0x25b: {  	v1 =	vld [tilespmem:s0+$0x1800];
	_ =	sdelay $0x4  }
0x25c: {  	[tilespmem:v3+s25+$0x0] =	vst.idx.msk vm0, v1  }
0x25d: {  	v1 =	vld [tilespmem:s0+$0x2000];
	_ =	sdelay $0x4  }
0x25e: {  	[tilespmem:v3+s26+$0x0] =	vst.idx.msk vm0, v1  }
0x25f: {  	v1 =	vld [tilespmem:s0+$0x2800];
	_ =	sdelay $0x2  }
0x260: {  	v4 =	vmpcnt.ones.xlane vm0;
	_ =	sdelay $0x1  }
0x261: {  	[tilespmem:v3+s28+$0x0] =	vst.idx.msk vm0, v1;
	v1 =	vadd.s32 v2, v4  }
0x262: {  	[tilespmem:$0xF000] =	vst v1  }
0x263: {  	_ =	swait.ge [sflag:s29], $0x7D0  }
0x264: {  	[sflag:s29] =	ssyncset.done $0x0  }
0x265: {  	[sflag:s29] =	ssyncadd.s32 $0xFFFFF830  }
0x266: {  	_ =	swait.ge [sflag:s29], $0x7D0  }
0x267: {  	[sflag:s29] =	ssyncset.done $0x0  }
0x268: {  	[sflag:s29] =	ssyncadd.s32 $0xFFFFF830  }
0x269: {  	_ =	swait.ge [sflag:s29], $0x7D0  }
0x26a: {  	[sflag:s29] =	ssyncset.done $0x0  }
0x26b: {  	[sflag:s29] =	ssyncadd.s32 $0xFFFFF830  }
0x26c: {  	_ =	swait.ge [sflag:s29], $0x7D0  }
0x26d: {  	[sflag:s29] =	ssyncset.done $0x0  }
0x26e: {  	[sflag:s29] =	ssyncadd.s32 $0xFFFFF830  }
0x26f: {  	_ =	swait.ge [sflag:s29], $0x7D0  }
0x270: {  	[sflag:s29] =	ssyncset.done $0x0  }
0x271: {  	[sflag:s29] =	ssyncadd.s32 $0xFFFFF830  }
0x272: {  	_ =	swait.ge [sflag:s29], $0x7D0  }
0x273: {  	s1 =	sld [smem:$0x7EB]  }
0x274: {  	[sflag:s29] =	ssyncset.done $0x0  }
0x275: {  	s0 =	simm.s32 $0x0;
	s3 =	sld [smem:$0x7EC];
	[sflag:s29] =	ssyncadd.s32 $0xFFFFF830  }
0x276: {  	[tilespmem:s0], [sflag:$0x1] =	stream.linear.gather [hbm4b:s1+s0], $0x7D0, $0x38;
	[tilespmem:$0xF080] =	vst v63  }
0x277: {  	_ = 	snop  }
0x278: {  	[tilespmem:s10], [sflag:$0x1] =	stream.linear.gather [hbm4b:s3+s0], $0x7D0, $0x38;
	[tilespmem:$0xF080] =	vst v63  }
0x279: {  	s3 =	sld [smem:$0x7ED];
	_ =	sdelay $0x2  }
0x27a: {  	[tilespmem:s11], [sflag:$0x1] =	stream.linear.gather [hbm4b:s3+s0], $0x7D0, $0x38;
	[tilespmem:$0xF080] =	vst v63  }
0x27b: {  	s3 =	sld [smem:$0x7EE];
	_ =	sdelay $0x2  }
0x27c: {  	[tilespmem:s12], [sflag:$0x1] =	stream.linear.gather [hbm4b:s3+s0], $0x7D0, $0x38;
	[tilespmem:$0xF080] =	vst v63  }
0x27d: {  	s3 =	sld [smem:$0x7EF];
	_ =	sdelay $0x2  }
0x27e: {  	[tilespmem:s13], [sflag:$0x1] =	stream.linear.gather [hbm4b:s3+s0], $0x7D0, $0x38;
	[tilespmem:$0xF080] =	vst v63  }
0x27f: {  	s3 =	sld [smem:$0x7F0];
	_ =	sdelay $0x2  }
0x280: {  	[tilespmem:s14], [sflag:$0x1] =	stream.linear.gather [hbm4b:s3+s0], $0x7D0, $0x38;
	[tilespmem:$0xF080] =	vst v63  }
0x281: {  	s0 =	simm.s32 $0x0  }
0x282: {  	s1 =	simm.s32 $0x40;
	v1 =	vld [tilespmem:s0+$0x3000]  }
.LBB2_17:
0x283: {  	p0 =	sne.s32 s1, $0x1F00;
	v2 =	vld [tilespmem:$0xF000];
	_ =	sdelay $0x3  }
0x284: {  	vm0 =	vgt.f32 v1, $-5.000000000e+08  }
0x285: {  	v3 =	vsel vm0, $0x1, v0;
	v4 =	vmpcnt.ones.xlane vm0  }
0x286: {  	(xrf0) =	vadd.scan.msk.s32 $0xffff, v3;
	_ =	sdelay $0x5  }
0x287: {  	v3, _, _ =	vpop (xrf0)  }
0x288: {  	v3 =	vadd.s32 v3, v2  }
0x289: {  	v3 =	vadd.s32 $0xFFFFFFFF, v3;
	_ =	sdelay $0x4  }
0x28a: {  	[tilespmem:v3+s22+$0x0] =	vst.idx.msk vm0, v1  }
0x28b: {  	v1 =	vld [tilespmem:s0+$0x3800];
	_ =	sdelay $0x4  }
0x28c: {  	[tilespmem:v3+s23+$0x0] =	vst.idx.msk vm0, v1  }
0x28d: {  	v1 =	vld [tilespmem:s0+$0x4000];
	_ =	sdelay $0x4  }
0x28e: {  	[tilespmem:v3+s24+$0x0] =	vst.idx.msk vm0, v1  }
0x28f: {  	v1 =	vld [tilespmem:s0+$0x4800];
	_ =	sdelay $0x4  }
0x290: {  	[tilespmem:v3+s25+$0x0] =	vst.idx.msk vm0, v1  }
0x291: {  	v1 =	vld [tilespmem:s0+$0x5000];
	_ =	sdelay $0x4  }
0x292: {  	[tilespmem:v3+s26+$0x0] =	vst.idx.msk vm0, v1  }
0x293: {  	v1 =	vld [tilespmem:s0+$0x5800];
	_ =	sdelay $0x2  }
.Ltmp8:
0x294: {  	(pc) =	sbr.rel @p0 .LBB2_17-.Ltmp8, $4  }
0x295: {  	_ = 	snop  }
0x296: {  	[tilespmem:v3+s28+$0x0] =	vst.idx.msk vm0, v1;
	v1 =	vadd.s32 v2, v4  }
0x297: {  	s0 =	sshra.s32 s1, $0x2;
	[tilespmem:$0xF000] =	vst v1  }
0x298: {  	s1 =	sadd.s32 $0x40, s1;
	v1 =	vld [tilespmem:s0+$0x3000]  }
0x299: {  	_ =	sdelay $0x3  }
0x29a: {  	vm0 =	vgt.f32 v1, $-5.000000000e+08  }
0x29b: {  	v2 =	vsel vm0, $0x1, v0  }
0x29c: {  	(xrf0) =	vadd.scan.msk.s32 $0xffff, v2;
	_ =	sdelay $0x1  }
0x29d: {  	v2 =	vld [tilespmem:$0xF000];
	_ =	sdelay $0x3  }
0x29e: {  	v3, _, _ =	vpop (xrf0)  }
0x29f: {  	v3 =	vadd.s32 v3, v2  }
0x2a0: {  	v3 =	vadd.s32 $0xFFFFFFFF, v3;
	_ =	sdelay $0x4  }
0x2a1: {  	[tilespmem:v3+s22+$0x0] =	vst.idx.msk vm0, v1  }
0x2a2: {  	v1 =	vld [tilespmem:s0+$0x3800];
	_ =	sdelay $0x4  }
0x2a3: {  	[tilespmem:v3+s23+$0x0] =	vst.idx.msk vm0, v1  }
0x2a4: {  	v1 =	vld [tilespmem:s0+$0x4000];
	_ =	sdelay $0x4  }
0x2a5: {  	[tilespmem:v3+s24+$0x0] =	vst.idx.msk vm0, v1  }
0x2a6: {  	v1 =	vld [tilespmem:s0+$0x4800];
	_ =	sdelay $0x4  }
0x2a7: {  	[tilespmem:v3+s25+$0x0] =	vst.idx.msk vm0, v1  }
0x2a8: {  	v1 =	vld [tilespmem:s0+$0x5000];
	_ =	sdelay $0x4  }
0x2a9: {  	[tilespmem:v3+s26+$0x0] =	vst.idx.msk vm0, v1  }
0x2aa: {  	v1 =	vld [tilespmem:s0+$0x5800];
	_ =	sdelay $0x2  }
0x2ab: {  	v4 =	vmpcnt.ones.xlane vm0;
	_ =	sdelay $0x1  }
0x2ac: {  	[tilespmem:v3+s28+$0x0] =	vst.idx.msk vm0, v1;
	v1 =	vadd.s32 v2, v4  }
0x2ad: {  	[tilespmem:$0xF000] =	vst v1  }
0x2ae: {  	_ =	swait.ge [sflag:s15], $0x7D0  }
0x2af: {  	[sflag:s15] =	ssyncset.done $0x0  }
0x2b0: {  	[sflag:s15] =	ssyncadd.s32 $0xFFFFF830  }
0x2b1: {  	_ =	swait.ge [sflag:s15], $0x7D0  }
0x2b2: {  	[sflag:s15] =	ssyncset.done $0x0  }
0x2b3: {  	[sflag:s15] =	ssyncadd.s32 $0xFFFFF830  }
0x2b4: {  	_ =	swait.ge [sflag:s15], $0x7D0  }
0x2b5: {  	[sflag:s15] =	ssyncset.done $0x0  }
0x2b6: {  	[sflag:s15] =	ssyncadd.s32 $0xFFFFF830  }
0x2b7: {  	_ =	swait.ge [sflag:s15], $0x7D0  }
0x2b8: {  	[sflag:s15] =	ssyncset.done $0x0  }
0x2b9: {  	[sflag:s15] =	ssyncadd.s32 $0xFFFFF830  }
0x2ba: {  	_ =	swait.ge [sflag:s15], $0x7D0  }
0x2bb: {  	[sflag:s15] =	ssyncset.done $0x0  }
0x2bc: {  	[sflag:s15] =	ssyncadd.s32 $0xFFFFF830  }
0x2bd: {  	_ =	swait.ge [sflag:s15], $0x7D0  }
0x2be: {  	s1 =	sld [smem:$0x7F1]  }
0x2bf: {  	[sflag:s15] =	ssyncset.done $0x0  }
0x2c0: {  	s0 =	simm.s32 $0x0;
	s3 =	sld [smem:$0x7F2];
	[sflag:s15] =	ssyncadd.s32 $0xFFFFF830  }
0x2c1: {  	[tilespmem:s16], [sflag:$0x2] =	stream.linear.gather [hbm4b:s1+s0], $0x7D0, $0x38;
	[tilespmem:$0xF080] =	vst v63  }
0x2c2: {  	_ = 	snop  }
0x2c3: {  	[tilespmem:s17], [sflag:$0x2] =	stream.linear.gather [hbm4b:s3+s0], $0x7D0, $0x38;
	[tilespmem:$0xF080] =	vst v63  }
0x2c4: {  	s3 =	sld [smem:$0x7F3];
	_ =	sdelay $0x2  }
0x2c5: {  	[tilespmem:s18], [sflag:$0x2] =	stream.linear.gather [hbm4b:s3+s0], $0x7D0, $0x38;
	[tilespmem:$0xF080] =	vst v63  }
0x2c6: {  	s3 =	sld [smem:$0x7F4];
	_ =	sdelay $0x2  }
0x2c7: {  	[tilespmem:s19], [sflag:$0x2] =	stream.linear.gather [hbm4b:s3+s0], $0x7D0, $0x38;
	[tilespmem:$0xF080] =	vst v63  }
0x2c8: {  	s3 =	sld [smem:$0x7F5];
	_ =	sdelay $0x2  }
0x2c9: {  	[tilespmem:s20], [sflag:$0x2] =	stream.linear.gather [hbm4b:s3+s0], $0x7D0, $0x38;
	[tilespmem:$0xF080] =	vst v63  }
0x2ca: {  	s3 =	sld [smem:$0x7F6];
	_ =	sdelay $0x2  }
0x2cb: {  	[tilespmem:s21], [sflag:$0x2] =	stream.linear.gather [hbm4b:s3+s0], $0x7D0, $0x38;
	[tilespmem:$0xF080] =	vst v63  }
0x2cc: {  	s0 =	simm.s32 $0x0  }
0x2cd: {  	s1 =	simm.s32 $0x40;
	v1 =	vld [tilespmem:s0+$0x0]  }
.LBB2_19:
0x2ce: {  	p0 =	sne.s32 s1, $0x1F00;
	v2 =	vld [tilespmem:$0xF000];
	_ =	sdelay $0x3  }
0x2cf: {  	vm0 =	vgt.f32 v1, $-5.000000000e+08  }
0x2d0: {  	v3 =	vsel vm0, $0x1, v0;
	v4 =	vmpcnt.ones.xlane vm0  }
0x2d1: {  	(xrf0) =	vadd.scan.msk.s32 $0xffff, v3;
	_ =	sdelay $0x5  }
0x2d2: {  	v3, _, _ =	vpop (xrf0)  }
0x2d3: {  	v3 =	vadd.s32 v3, v2  }
0x2d4: {  	v3 =	vadd.s32 $0xFFFFFFFF, v3;
	_ =	sdelay $0x4  }
0x2d5: {  	[tilespmem:v3+s22+$0x0] =	vst.idx.msk vm0, v1  }
0x2d6: {  	v1 =	vld [tilespmem:s0+$0x800];
	_ =	sdelay $0x4  }
0x2d7: {  	[tilespmem:v3+s23+$0x0] =	vst.idx.msk vm0, v1  }
0x2d8: {  	v1 =	vld [tilespmem:s0+$0x1000];
	_ =	sdelay $0x4  }
0x2d9: {  	[tilespmem:v3+s24+$0x0] =	vst.idx.msk vm0, v1  }
0x2da: {  	v1 =	vld [tilespmem:s0+$0x1800];
	_ =	sdelay $0x4  }
0x2db: {  	[tilespmem:v3+s25+$0x0] =	vst.idx.msk vm0, v1  }
0x2dc: {  	v1 =	vld [tilespmem:s0+$0x2000];
	_ =	sdelay $0x4  }
0x2dd: {  	[tilespmem:v3+s26+$0x0] =	vst.idx.msk vm0, v1  }
0x2de: {  	v1 =	vld [tilespmem:s0+$0x2800];
	_ =	sdelay $0x2  }
.Ltmp9:
0x2df: {  	(pc) =	sbr.rel @p0 .LBB2_19-.Ltmp9, $4  }
0x2e0: {  	_ = 	snop  }
0x2e1: {  	[tilespmem:v3+s28+$0x0] =	vst.idx.msk vm0, v1;
	v1 =	vadd.s32 v2, v4  }
0x2e2: {  	s0 =	sshra.s32 s1, $0x2;
	[tilespmem:$0xF000] =	vst v1  }
0x2e3: {  	s1 =	sadd.s32 $0x40, s1;
	v1 =	vld [tilespmem:s0+$0x0]  }
0x2e4: {  	_ =	sdelay $0x3  }
0x2e5: {  	vm0 =	vgt.f32 v1, $-5.000000000e+08  }
0x2e6: {  	v2 =	vsel vm0, $0x1, v0  }
0x2e7: {  	(xrf0) =	vadd.scan.msk.s32 $0xffff, v2;
	_ =	sdelay $0x1  }
0x2e8: {  	v2 =	vld [tilespmem:$0xF000];
	_ =	sdelay $0x3  }
0x2e9: {  	v3, _, _ =	vpop (xrf0)  }
0x2ea: {  	v3 =	vadd.s32 v3, v2  }
0x2eb: {  	v3 =	vadd.s32 $0xFFFFFFFF, v3;
	_ =	sdelay $0x4  }
0x2ec: {  	[tilespmem:v3+s22+$0x0] =	vst.idx.msk vm0, v1  }
0x2ed: {  	v1 =	vld [tilespmem:s0+$0x800];
	_ =	sdelay $0x4  }
0x2ee: {  	[tilespmem:v3+s23+$0x0] =	vst.idx.msk vm0, v1  }
0x2ef: {  	v1 =	vld [tilespmem:s0+$0x1000];
	_ =	sdelay $0x4  }
0x2f0: {  	[tilespmem:v3+s24+$0x0] =	vst.idx.msk vm0, v1  }
0x2f1: {  	v1 =	vld [tilespmem:s0+$0x1800];
	_ =	sdelay $0x4  }
0x2f2: {  	[tilespmem:v3+s25+$0x0] =	vst.idx.msk vm0, v1  }
0x2f3: {  	v1 =	vld [tilespmem:s0+$0x2000];
	_ =	sdelay $0x4  }
0x2f4: {  	[tilespmem:v3+s26+$0x0] =	vst.idx.msk vm0, v1  }
0x2f5: {  	v1 =	vld [tilespmem:s0+$0x2800];
	_ =	sdelay $0x2  }
0x2f6: {  	v4 =	vmpcnt.ones.xlane vm0;
	_ =	sdelay $0x1  }
0x2f7: {  	[tilespmem:v3+s28+$0x0] =	vst.idx.msk vm0, v1;
	v1 =	vadd.s32 v2, v4  }
0x2f8: {  	[tilespmem:$0xF000] =	vst v1  }
0x2f9: {  	_ =	swait.ge [sflag:s29], $0x7D0  }
0x2fa: {  	[sflag:s29] =	ssyncset.done $0x0  }
0x2fb: {  	[sflag:s29] =	ssyncadd.s32 $0xFFFFF830  }
0x2fc: {  	_ =	swait.ge [sflag:s29], $0x7D0  }
0x2fd: {  	[sflag:s29] =	ssyncset.done $0x0  }
0x2fe: {  	[sflag:s29] =	ssyncadd.s32 $0xFFFFF830  }
0x2ff: {  	_ =	swait.ge [sflag:s29], $0x7D0  }
0x300: {  	[sflag:s29] =	ssyncset.done $0x0  }
0x301: {  	[sflag:s29] =	ssyncadd.s32 $0xFFFFF830  }
0x302: {  	_ =	swait.ge [sflag:s29], $0x7D0  }
0x303: {  	[sflag:s29] =	ssyncset.done $0x0  }
0x304: {  	[sflag:s29] =	ssyncadd.s32 $0xFFFFF830  }
0x305: {  	_ =	swait.ge [sflag:s29], $0x7D0  }
0x306: {  	[sflag:s29] =	ssyncset.done $0x0  }
0x307: {  	[sflag:s29] =	ssyncadd.s32 $0xFFFFF830  }
0x308: {  	_ =	swait.ge [sflag:s29], $0x7D0  }
0x309: {  	[sflag:s29] =	ssyncset.done $0x0  }
0x30a: {  	s3 =	simm.s32 $0x0;
	[sflag:s29] =	ssyncadd.s32 $0xFFFFF830  }
0x30b: {  	v2 =	vld [tilespmem:s3+$0x3000];
	_ =	sdelay $0x4  }
0x30c: {  	vm15 =	vgt.f32 v2, $-5.000000000e+08  }
0x30d: {  	v3 =	vsel vm15, $0x1, v0  }
0x30e: {  	(xrf0) =	vadd.scan.msk.s32 $0xffff, v3;
	_ =	sdelay $0x5  }
0x30f: {  	v3, _, _ =	vpop (xrf0)  }
0x310: {  	v3 =	vadd.s32 v3, v1  }
0x311: {  	v3 =	vadd.s32 $0xFFFFFFFF, v3;
	_ =	sdelay $0x4  }
0x312: {  	[tilespmem:v3+s22+$0x0] =	vst.idx.msk vm15, v2  }
0x313: {  	v2 =	vld [tilespmem:s3+$0x3800];
	_ =	sdelay $0x4  }
0x314: {  	[tilespmem:v3+s23+$0x0] =	vst.idx.msk vm15, v2  }
0x315: {  	v2 =	vld [tilespmem:s3+$0x4000];
	_ =	sdelay $0x4  }
0x316: {  	[tilespmem:v3+s24+$0x0] =	vst.idx.msk vm15, v2  }
0x317: {  	v2 =	vld [tilespmem:s3+$0x4800];
	_ =	sdelay $0x4  }
0x318: {  	[tilespmem:v3+s25+$0x0] =	vst.idx.msk vm15, v2  }
0x319: {  	v2 =	vld [tilespmem:s3+$0x5000];
	_ =	sdelay $0x4  }
0x31a: {  	[tilespmem:v3+s26+$0x0] =	vst.idx.msk vm15, v2  }
0x31b: {  	v2 =	vld [tilespmem:s3+$0x5800];
	_ =	sdelay $0x2  }
0x31c: {  	v63 =	vmpcnt.ones.xlane vm15;
	_ =	sdelay $0x1  }
0x31d: {  	s1 =	simm.s32 $0x80;
	s0 =	simm.s32 $0x40;
	v1 =	vadd.s32 v1, v63;
	[tilespmem:v3+s28+$0x0] =	vst.idx.msk vm15, v2  }
.LBB2_21:
0x31e: {  	p0 =	sne.s32 s1, $0x1F00  }
0x31f: {  	s3 =	sshra.s32 s0, $0x2;
	[tilespmem:$0xF000] =	vst v1;
	s0 =	smov.u32 s1;
	s1 =	sadd.s32 $0x40, s1  }
0x320: {  	v2 =	vld [tilespmem:s3+$0x3000];
	_ =	sdelay $0x4  }
0x321: {  	vm0 =	vgt.f32 v2, $-5.000000000e+08  }
0x322: {  	v3 =	vsel vm0, $0x1, v0;
	v4 =	vmpcnt.ones.xlane vm0  }
0x323: {  	(xrf0) =	vadd.scan.msk.s32 $0xffff, v3;
	_ =	sdelay $0x5  }
0x324: {  	v3, _, _ =	vpop (xrf0)  }
0x325: {  	v3 =	vadd.s32 v3, v1  }
0x326: {  	v3 =	vadd.s32 $0xFFFFFFFF, v3;
	_ =	sdelay $0x4  }
0x327: {  	[tilespmem:v3+s22+$0x0] =	vst.idx.msk vm0, v2  }
0x328: {  	v2 =	vld [tilespmem:s3+$0x3800];
	_ =	sdelay $0x4  }
0x329: {  	[tilespmem:v3+s23+$0x0] =	vst.idx.msk vm0, v2  }
0x32a: {  	v2 =	vld [tilespmem:s3+$0x4000];
	_ =	sdelay $0x4  }
0x32b: {  	[tilespmem:v3+s24+$0x0] =	vst.idx.msk vm0, v2  }
0x32c: {  	v2 =	vld [tilespmem:s3+$0x4800];
	_ =	sdelay $0x4  }
0x32d: {  	[tilespmem:v3+s25+$0x0] =	vst.idx.msk vm0, v2  }
0x32e: {  	v2 =	vld [tilespmem:s3+$0x5000];
	_ =	sdelay $0x4  }
0x32f: {  	[tilespmem:v3+s26+$0x0] =	vst.idx.msk vm0, v2  }
0x330: {  	v2 =	vld [tilespmem:s3+$0x5800]  }
.Ltmp10:
0x331: {  	(pc) =	sbr.rel @p0 .LBB2_21-.Ltmp10, $2  }
0x332: {  	_ =	sdelay $0x2  }
0x333: {  	v1 =	vadd.s32 v1, v4;
	[tilespmem:v3+s28+$0x0] =	vst.idx.msk vm0, v2  }
0x334: {  	s0 =	sshra.s32 s0, $0x2;
	[tilespmem:$0xF000] =	vst v1  }
0x335: {  	v2 =	vld [tilespmem:s0+$0x3000];
	_ =	sdelay $0x4  }
0x336: {  	vm0 =	vgt.f32 v2, $-5.000000000e+08  }
0x337: {  	v3 =	vsel vm0, $0x1, v0  }
0x338: {  	(xrf0) =	vadd.scan.msk.s32 $0xffff, v3;
	_ =	sdelay $0x5  }
0x339: {  	v3, _, _ =	vpop (xrf0)  }
0x33a: {  	v3 =	vadd.s32 v3, v1  }
0x33b: {  	v3 =	vadd.s32 $0xFFFFFFFF, v3;
	_ =	sdelay $0x4  }
0x33c: {  	[tilespmem:v3+s22+$0x0] =	vst.idx.msk vm0, v2  }
0x33d: {  	v2 =	vld [tilespmem:s0+$0x3800];
	_ =	sdelay $0x4  }
0x33e: {  	[tilespmem:v3+s23+$0x0] =	vst.idx.msk vm0, v2  }
0x33f: {  	v2 =	vld [tilespmem:s0+$0x4000];
	_ =	sdelay $0x4  }
0x340: {  	[tilespmem:v3+s24+$0x0] =	vst.idx.msk vm0, v2  }
0x341: {  	v2 =	vld [tilespmem:s0+$0x4800];
	_ =	sdelay $0x4  }
0x342: {  	[tilespmem:v3+s25+$0x0] =	vst.idx.msk vm0, v2  }
0x343: {  	v2 =	vld [tilespmem:s0+$0x5000];
	_ =	sdelay $0x4  }
0x344: {  	[tilespmem:v3+s26+$0x0] =	vst.idx.msk vm0, v2  }
0x345: {  	v2 =	vld [tilespmem:s0+$0x5800];
	_ =	sdelay $0x2  }
0x346: {  	v4 =	vmpcnt.ones.xlane vm0  }
0x347: {  	s3 =	sld [smem:$0x7FD]  }
0x348: {  	v1 =	vadd.s32 v1, v4;
	[tilespmem:v3+s28+$0x0] =	vst.idx.msk vm0, v2  }
0x349: {  	[tilespmem:$0xF000] =	vst v1  }
0x34a: {  	[hbm4b:s3+s2] =	stream.linear.scatter [tilespmem:s22], [sflag:$0x3], $0x1800, $0x38;
	[tilespmem:$0xF080] =	vst v63  }
0x34b: {  	_ =	swait.ge [sflag:s30], $0x1800  }
0x34c: {  	[sflag:s30] =	ssyncset.done $0x0  }
0x34d: {  	[sflag:s30] =	ssyncadd.s32 $0xFFFFE800  }
0x34e: {  	[hbm4b:s4+s2] =	stream.linear.scatter [tilespmem:s23], [sflag:$0x3], $0x1800, $0x38;
	[tilespmem:$0xF080] =	vst v63  }
0x34f: {  	_ =	swait.ge [sflag:s30], $0x1800  }
0x350: {  	[sflag:s30] =	ssyncset.done $0x0  }
0x351: {  	[sflag:s30] =	ssyncadd.s32 $0xFFFFE800  }
0x352: {  	[hbm4b:s5+s2] =	stream.linear.scatter [tilespmem:s24], [sflag:$0x3], $0x1800, $0x38;
	[tilespmem:$0xF080] =	vst v63  }
0x353: {  	_ =	swait.ge [sflag:s30], $0x1800  }
0x354: {  	[sflag:s30] =	ssyncset.done $0x0  }
0x355: {  	[sflag:s30] =	ssyncadd.s32 $0xFFFFE800  }
0x356: {  	[hbm4b:s6+s2] =	stream.linear.scatter [tilespmem:s25], [sflag:$0x3], $0x1800, $0x38;
	[tilespmem:$0xF080] =	vst v63  }
0x357: {  	_ =	swait.ge [sflag:s30], $0x1800  }
0x358: {  	[sflag:s30] =	ssyncset.done $0x0  }
0x359: {  	[sflag:s30] =	ssyncadd.s32 $0xFFFFE800  }
0x35a: {  	[hbm4b:s7+s2] =	stream.linear.scatter [tilespmem:s26], [sflag:$0x3], $0x1800, $0x38;
	[tilespmem:$0xF080] =	vst v63  }
0x35b: {  	s31 =	sadd.s32 $0x1, s31;
	_ =	swait.ge [sflag:s30], $0x1800  }
0x35c: {  	p0 =	sne.s32 s31, s9;
	[sflag:s30] =	ssyncset.done $0x0  }
.Ltmp11:
0x35d: {  	[sflag:s30] =	ssyncadd.s32 $0xFFFFE800;
	(pc) =	sbr.rel @p0 .LBB2_2-.Ltmp11, $4  }
0x35e: {  	[hbm4b:s8+s2] =	stream.linear.scatter [tilespmem:s28], [sflag:$0x3], $0x1800, $0x38;
	[tilespmem:$0xF080] =	vst v63  }
0x35f: {  	_ =	swait.ge [sflag:s30], $0x1800  }
0x360: {  	[sflag:s30] =	ssyncset.done $0x0  }
0x361: {  	[sflag:s30] =	ssyncadd.s32 $0xFFFFE800  }
.LBB2_23:
0x362: {  	_ =	sfence.sel $0x180000  }
0x363: {  	[bflag:$0x0] =	sbarrier.arrive $0xFFFF  }
0x364: {  	_ =	strace $0x90000047  }
0x365: {  	s0 =	stileid.u32;
	[bflag:$0x2] =	sbarrier.arrive $0xFFFF  }
0x366: {  	p0 =	sne.s32 s0, $0x0;
	s0 =	rddreg [dreg:$0x1]  }
0x367: {  	s0 =	sadd.s32 @!p0 $0x100000, s0  }
0x368: {  	[sflag:s0] =	ssyncadd.tile.s32 @!p0 $0x1;
	_ =	shalt  }
.Lfunc_end2:
_tile_overlayer_lowered:
.L_overlay_start_2:
0x369: {  	(tag) =	ssettag $0x2  }
0x36a: {  	s0 =	rddreg [dreg:$0x0];
	s2 =	stileid.u32  }
0x36b: {  	s1 =	rddreg [dreg:$0x1];
	p0 =	sne.s32 s2, $0x0  }
0x36c: {  	s3 =	rddreg [dreg:$0x2];
	[bflag:$0x3] =	sbarrier.arrive $0xFFFF;
	s2 =	simm.s32 @!p0 $0x1C03  }
0x36d: {  	[timem:s3], [sflag:s2] =	dma.local @!p0 [hbm:s0], s1  }
0x36e: {  	s0 =	simm.s32 @!p0 $0x3  }
0x36f: {  	_ =	swait.ge @!p0 [sflag:s0], s1  }
0x370: {  	s1 =	ssub.s32 @!p0 $0x0, s1;
	[sflag:s0] =	ssyncset.done @!p0 $0x0  }
0x371: {  	[sflag:s0] =	ssyncadd.s32 @!p0 s1  }
0x372: {  	[bflag:$0x3] =	sbarrier.arrive $0xFFFF  }
0x373: {  	_ =	shalt  }

</sc_bundles>
